<compile_context>
chip_gen: v7x
topology: tpu7x:2x2x1
jax: 0.10.2.dev20260603
libtpu: 0.0.44.dev20260713+nightly
codegen_flags: <defaults>
</compile_context>

<pallas_src>
import functools

import jax
import jax.numpy as jnp
from jax import lax
from jax.experimental import pallas as pl
from jax.experimental.pallas import tpu as pltpu
from jax.experimental.pallas import tpu_sc as plsc

_N = 10000
_E = 320000
_D = 128
_NC = 2
_NS = 16
_NW = _NC * _NS
_EPW = _E // _NW
_CHUNK = 40
_NCHUNK = _EPW // _CHUNK
_NP = 10240
_RPT = _NP // _NS
_HR, _HC = 64, 160

_mesh = plsc.VectorSubcoreMesh(core_axis_name="c", subcore_axis_name="s")


@functools.partial(
    pl.kernel,
    mesh=_mesh,
    out_type=jax.ShapeDtypeStruct((_NW, _HR, _HC), jnp.float32),
    compiler_params=pltpu.CompilerParams(use_tc_tiling_on_sc=False,
                                         needs_layout_passes=False),
    scratch_types=[
        pltpu.VMEM((_EPW,), jnp.int32),
        pltpu.VMEM((_HR, _HC), jnp.float32),
    ],
)
def _deg_kernel(dst_hbm, out_hbm, dst_v, hist_v):
  cid = lax.axis_index("c")
  sid = lax.axis_index("s")
  wid = sid * _NC + cid

  zeros = jnp.zeros((16,), jnp.float32)

  def zbody(i, carry):
    r = i // (_HC // 16)
    c = i % (_HC // 16)
    hist_v[r, pl.ds(c * 16, 16)] = zeros
    return carry

  lax.fori_loop(0, _HR * (_HC // 16), zbody, 0)

  pltpu.sync_copy(dst_hbm.at[pl.ds(wid * _EPW, _EPW)], dst_v)

  ones = jnp.ones((16,), jnp.float32)

  def body(g, carry):
    idx = dst_v[pl.ds(g * 16, 16)]
    plsc.addupdate_scatter(hist_v, [idx // _HC, idx % _HC], ones)
    return carry

  lax.fori_loop(0, _EPW // 16, body, 0)
  pltpu.sync_copy(hist_v, out_hbm.at[wid])


_NBUF = 5
_PREF = 2


def _make_agg(width):

  @functools.partial(
      pl.kernel,
      mesh=_mesh,
      out_type=jax.ShapeDtypeStruct((_NC, _NP, width), jnp.float32),
      scratch_types=[
          pltpu.VMEM((_EPW,), jnp.int32),
      ] + [pltpu.VMEM((_CHUNK,), jnp.int32) for _ in range(_NBUF)] + [
          pltpu.VMEM((_CHUNK, width), jnp.float32) for _ in range(_NBUF)] + [
          pltpu.VMEM_SHARED((_NP, width), jnp.float32),
          pltpu.SemaphoreType.DMA((_NBUF,)),
          pltpu.SemaphoreType.DMA((_NBUF,)),
          pltpu.SemaphoreType.DMA((_NBUF,)),
      ],
  )
  def agg(table_hbm, src_hbm, dst_hbm, zero_hbm, out_hbm, srcall_v, *rest):
    dst_v = rest[:_NBUF]
    rows_v = rest[_NBUF:2 * _NBUF]
    acc_sh, gsem, ssem, dsem = rest[2 * _NBUF:]
    cid = lax.axis_index("c")
    sid = lax.axis_index("s")
    wid = sid * _NC + cid
    ebase = wid * _EPW
    pltpu.sync_copy(zero_hbm, acc_sh.at[pl.ds(sid * _RPT, _RPT)])
    pltpu.sync_copy(src_hbm.at[pl.ds(ebase, _EPW)], srcall_v)
    plsc.subcore_barrier()

    def gather_of(c, b):
      return pltpu.make_async_copy(
          table_hbm.at[srcall_v.at[pl.ds(c * _CHUNK, _CHUNK)]],
          rows_v[b], gsem.at[b])

    def dstload_of(c, b):
      return pltpu.make_async_copy(
          dst_hbm.at[pl.ds(ebase + c * _CHUNK, _CHUNK)], dst_v[b], dsem.at[b])

    def scatter_of(b):
      return pltpu.make_async_copy(rows_v[b], acc_sh.at[dst_v[b]], ssem.at[b])

    for b in range(_PREF):
      dstload_of(b, b).start()
      gather_of(b, b).start()

    def outer(i, carry):
      for b in range(_NBUF):
        c = i * _NBUF + b
        p = c + _PREF
        pb = (b + _PREF) % _NBUF

        @pl.when(jnp.logical_and(p < _NCHUNK, c >= _NBUF - _PREF))
        def _():
          scatter_of(pb).wait()

        @pl.when(p < _NCHUNK)
        def _():
          dstload_of(p, pb).start()
          gather_of(p, pb).start()

        gather_of(c, b).wait()
        dstload_of(c, b).wait()
        pltpu.async_copy(rows_v[b], acc_sh.at[dst_v[b]], ssem.at[b], add=True)
      return carry

    lax.fori_loop(0, _NCHUNK // _NBUF, outer, 0)
    for b in range(_NBUF):
      scatter_of(b).wait()
    plsc.subcore_barrier()
    pltpu.sync_copy(acc_sh.at[pl.ds(sid * _RPT, _RPT)],
                    out_hbm.at[cid, pl.ds(sid * _RPT, _RPT)])

  return agg


_agg128 = _make_agg(_D)


def _scale_body(power, with_partials):
  def body(degt_ref, base_ref, *rest):
    if with_partials:
      part_ref, o_ref = rest
    else:
      (o_ref,) = rest
    deg = jnp.sum(degt_ref[...], axis=1, keepdims=True) + 1.0
    dis = lax.rsqrt(deg)
    s = dis * dis if power == 2 else dis
    acc = base_ref[...]
    if with_partials:
      acc = acc + part_ref[0] + part_ref[1]
    o_ref[...] = s * acc
  return body


_BN = 2000


def _scale(degt, base, partials, power):
  grid = (_N // _BN,)
  in_specs = [
      pl.BlockSpec((_BN, _NW), lambda i: (i, 0)),
      pl.BlockSpec((_BN, _D), lambda i: (i, 0)),
  ]
  args = [degt, base]
  if partials is not None:
    in_specs.append(pl.BlockSpec((_NC, _BN, _D), lambda i: (0, i, 0)))
    args.append(partials)
  return pl.pallas_call(
      _scale_body(power, partials is not None),
      grid=grid,
      in_specs=in_specs,
      out_specs=pl.BlockSpec((_BN, _D), lambda i: (i, 0)),
      out_shape=jax.ShapeDtypeStruct((_N, _D), jnp.float32),
  )(*args)


def kernel(x, edge_index):
  src = edge_index[0].astype(jnp.int32)
  dst = edge_index[1].astype(jnp.int32)
  zeros128 = jnp.zeros((_RPT, _D), jnp.float32)

  degp = _deg_kernel(dst)
  degt = degp.reshape(_NW, _NP).T
  z1 = _scale(degt, x, None, power=1)
  a1 = _agg128(z1, src, dst, zeros128)
  z2 = _scale(degt, z1, a1, power=2)
  a2 = _agg128(z2, src, dst, zeros128)
  return _scale(degt, z2, a2, power=1)

# --- scband reference (transcript-rebuilt; emitter-appended) ---
"""Pipeline reference for scband-sgc-custom-56435870269981 (READ-ONLY COPY).

The authoritative reference and input builder live on the scoring server;
editing this copy changes nothing except your own understanding.
"""

import jax, jax.numpy as jnp
import numpy as np

N_NODES = 10000
N_EDGES = 320000
D_FEAT = 128
K = 2


def setup_inputs(seed: int = 0) -> dict:
    key = jax.random.key(seed)
    k1, k2 = jax.random.split(key)
    x = jax.random.normal(k1, (N_NODES, D_FEAT), dtype=jnp.float32)
    edge_index = jax.random.randint(k2, (2, N_EDGES), 0, N_NODES, dtype=jnp.int64)
    return {"x": x, "edge_index": edge_index}


def reference(x, edge_index):
    # SGConv with K=2 and lin = Identity: pure symmetric-normalized propagation.
    # Faithful to PyG gcn_norm(add_self_loops=True, fill_value=1.0).
    N = x.shape[0]
    loop = jnp.arange(N, dtype=edge_index.dtype)
    src = jnp.concatenate([edge_index[0], loop])
    dst = jnp.concatenate([edge_index[1], loop])
    w = jnp.ones(src.shape[0], dtype=x.dtype)
    # degree computed at the aggregation index (col / dst for source_to_target flow)
    deg = jnp.zeros((N,), dtype=x.dtype).at[dst].add(w)
    deg_inv_sqrt = jnp.where(deg > 0, 1.0 / jnp.sqrt(deg), 0.0)
    norm = deg_inv_sqrt[src] * w * deg_inv_sqrt[dst]
    out = x
    for _ in range(K):
        msgs = norm[:, None] * jnp.take(out, src, axis=0)
        out = jnp.zeros_like(out).at[dst].add(msgs)
    return out

if __name__ == "__main__":
    import jax
    _d = setup_inputs()
    print(jax.jit(kernel)(*tuple(_d.values())))

</pallas_src>

<mosaic_0001>
#map = affine_map<(d0, d1) -> (0, 0)>
#map1 = affine_map<(d0, d1) -> (0)>
#map2 = affine_map<(d0, d1) -> (0, 0, 0)>
module attributes {stable_mosaic.version = 14 : i64} {
  func.func @agg(%arg0: i32, %arg1: i32, %arg2: memref<10000x128xf32, #tpu.memory_space<hbm>>, %arg3: memref<320000xi32, #tpu.memory_space<hbm>>, %arg4: memref<320000xi32, #tpu.memory_space<hbm>>, %arg5: memref<640x128xf32, #tpu.memory_space<hbm>>, %arg6: memref<2x10240x128xf32, #tpu.memory_space<hbm>>, %arg7: memref<10000xi32, #tpu.memory_space<vmem>>, %arg8: memref<40xi32, #tpu.memory_space<vmem>>, %arg9: memref<40xi32, #tpu.memory_space<vmem>>, %arg10: memref<40xi32, #tpu.memory_space<vmem>>, %arg11: memref<40xi32, #tpu.memory_space<vmem>>, %arg12: memref<40xi32, #tpu.memory_space<vmem>>, %arg13: memref<40x128xf32, #tpu.memory_space<vmem>>, %arg14: memref<40x128xf32, #tpu.memory_space<vmem>>, %arg15: memref<40x128xf32, #tpu.memory_space<vmem>>, %arg16: memref<40x128xf32, #tpu.memory_space<vmem>>, %arg17: memref<40x128xf32, #tpu.memory_space<vmem>>, %arg18: memref<10240x128xf32, #tpu.memory_space<vmem_shared>>, %arg19: memref<5x!tpu.dma_semaphore, #tpu.memory_space<semaphore_mem>>, %arg20: memref<5x!tpu.dma_semaphore, #tpu.memory_space<semaphore_mem>>, %arg21: memref<5x!tpu.dma_semaphore, #tpu.memory_space<semaphore_mem>>) attributes {dimension_semantics = [#tpu.dimension_semantics<core_parallel>, #tpu.dimension_semantics<subcore_parallel>], iteration_bounds = array<i64: 2, 16>, scalar_prefetch = 0 : i64, scratch_operands = 15 : i64, tpu.core_type = #tpu.core_type<sc_vector_subcore>, window_params = [{transform_indices = #map}, {transform_indices = #map1}, {transform_indices = #map1}, {transform_indices = #map}, {transform_indices = #map2}]} {
    %mul3A = arith.constant 2 : i32
    %mul3A_0 = arith.muli %arg1, %mul3A : i32
    %add3A = arith.addi %mul3A_0, %arg0 : i32
    %mul3A_1 = arith.constant 10000 : i32
    %mul3A_2 = arith.muli %add3A, %mul3A_1 : i32
    %mul3A_3 = arith.constant 640 : i32
    %mul3A_4 = arith.muli %arg1, %mul3A_3 : i32
    "tpu.region"() ({
      %run_scoped3A = tpu.sem_alloc : memref<!tpu.dma_semaphore, #tpu.memory_space<semaphore_mem>>
      %dma_start3A_73 = arith.constant 0 : i32
      %dma_start3A_74 = tpu.memref_slice %arg18[%mul3A_4, %dma_start3A_73] : memref<10240x128xf32, #tpu.memory_space<vmem_shared>> -> memref<640x128xf32, #tpu.memory_space<vmem_shared>>
      tpu.enqueue_dma source(%arg5 : memref<640x128xf32, #tpu.memory_space<hbm>>) target(%dma_start3A_74 : memref<640x128xf32, #tpu.memory_space<vmem_shared>>) target_semaphore(%run_scoped3A : memref<!tpu.dma_semaphore, #tpu.memory_space<semaphore_mem>>)
      %dma_wait3A_75 = arith.constant 0 : i32
      %dma_wait3A_76 = tpu.memref_slice %arg18[%mul3A_4, %dma_wait3A_75] : memref<10240x128xf32, #tpu.memory_space<vmem_shared>> -> memref<640x128xf32, #tpu.memory_space<vmem_shared>>
      tpu.wait_dma2 semaphore(%run_scoped3A : memref<!tpu.dma_semaphore, #tpu.memory_space<semaphore_mem>>) src(%arg5 : memref<640x128xf32, #tpu.memory_space<hbm>>) dst(%dma_wait3A_76 : memref<640x128xf32, #tpu.memory_space<vmem_shared>>)
      tpu.yield
    }) : () -> ()
    "tpu.region"() ({
      %run_scoped3A = tpu.sem_alloc : memref<!tpu.dma_semaphore, #tpu.memory_space<semaphore_mem>>
      %dma_start3A_73 = tpu.memref_slice %arg3[%mul3A_2] : memref<320000xi32, #tpu.memory_space<hbm>> -> memref<10000xi32, #tpu.memory_space<hbm>>
      %dma_start3A_74 = tpu.memref_slice %arg3[%mul3A_2] : memref<320000xi32, #tpu.memory_space<hbm>> -> memref<10000xi32, #tpu.memory_space<hbm>>
      tpu.enqueue_dma source(%dma_start3A_74 : memref<10000xi32, #tpu.memory_space<hbm>>) target(%arg7 : memref<10000xi32, #tpu.memory_space<vmem>>) target_semaphore(%run_scoped3A : memref<!tpu.dma_semaphore, #tpu.memory_space<semaphore_mem>>)
      %dma_wait3A_75 = tpu.memref_slice %arg3[%mul3A_2] : memref<320000xi32, #tpu.memory_space<hbm>> -> memref<10000xi32, #tpu.memory_space<hbm>>
      %dma_wait3A_76 = tpu.memref_slice %arg3[%mul3A_2] : memref<320000xi32, #tpu.memory_space<hbm>> -> memref<10000xi32, #tpu.memory_space<hbm>>
      tpu.wait_dma2 semaphore(%run_scoped3A : memref<!tpu.dma_semaphore, #tpu.memory_space<semaphore_mem>>) src(%dma_wait3A_76 : memref<10000xi32, #tpu.memory_space<hbm>>) dst(%arg7 : memref<10000xi32, #tpu.memory_space<vmem>>)
      tpu.yield
    }) : () -> ()
    %barrier3A = arith.constant 0 : index
    tpu.barrier barrier_id(%barrier3A)
    %add3A_5 = arith.constant 0 : i32
    %add3A_6 = arith.addi %mul3A_2, %add3A_5 : i32
    %dma_start3A = arith.constant 0 : i32
    %dma_start3A_7 = tpu.memref_slice %arg4[%add3A_6] : memref<320000xi32, #tpu.memory_space<hbm>> -> memref<40xi32, #tpu.memory_space<hbm>>
    %dma_start3A_8 = tpu.memref_slice %arg21[%dma_start3A] : memref<5x!tpu.dma_semaphore, #tpu.memory_space<semaphore_mem>> -> memref<1x!tpu.dma_semaphore, #tpu.memory_space<semaphore_mem>>
    %dma_start3A_9 = tpu.memref_squeeze %dma_start3A_8 : memref<1x!tpu.dma_semaphore, #tpu.memory_space<semaphore_mem>> -> memref<!tpu.dma_semaphore, #tpu.memory_space<semaphore_mem>>
    %dma_start3A_10 = tpu.memref_slice %arg4[%add3A_6] : memref<320000xi32, #tpu.memory_space<hbm>> -> memref<40xi32, #tpu.memory_space<hbm>>
    tpu.enqueue_dma source(%dma_start3A_10 : memref<40xi32, #tpu.memory_space<hbm>>) target(%arg8 : memref<40xi32, #tpu.memory_space<vmem>>) target_semaphore(%dma_start3A_9 : memref<!tpu.dma_semaphore, #tpu.memory_space<semaphore_mem>>)
    %dma_start3A_11 = arith.constant 0 : i32
    %dma_start3A_12 = arith.constant 0 : i32
    %dma_start3A_13 = tpu.memref_slice %arg7[%dma_start3A_12] : memref<10000xi32, #tpu.memory_space<vmem>> -> memref<40xi32, #tpu.memory_space<vmem>>
    %dma_start3A_14 = arith.constant 0 : i32
    %dma_start3A_15 = arith.constant 0 : i32
    %dma_start3A_16 = tpu.memref_slice %arg2[%dma_start3A_14, %dma_start3A_15] : memref<10000x128xf32, #tpu.memory_space<hbm>> -> memref<10000x128xf32, #tpu.memory_space<hbm>>
    %dma_start3A_17 = tpu.memref_slice %arg19[%dma_start3A_11] : memref<5x!tpu.dma_semaphore, #tpu.memory_space<semaphore_mem>> -> memref<1x!tpu.dma_semaphore, #tpu.memory_space<semaphore_mem>>
    %dma_start3A_18 = tpu.memref_squeeze %dma_start3A_17 : memref<1x!tpu.dma_semaphore, #tpu.memory_space<semaphore_mem>> -> memref<!tpu.dma_semaphore, #tpu.memory_space<semaphore_mem>>
    tpu.enqueue_indirect_dma source(%dma_start3A_16 : memref<10000x128xf32, #tpu.memory_space<hbm>>) target(%arg13 : memref<40x128xf32, #tpu.memory_space<vmem>>) offsets(%dma_start3A_13 : memref<40xi32, #tpu.memory_space<vmem>>) semaphore(%dma_start3A_18 : memref<!tpu.dma_semaphore, #tpu.memory_space<semaphore_mem>>)
    %add3A_19 = arith.constant 40 : i32
    %add3A_20 = arith.addi %mul3A_2, %add3A_19 : i32
    %dma_start3A_21 = arith.constant 1 : i32
    %dma_start3A_22 = tpu.memref_slice %arg4[%add3A_20] : memref<320000xi32, #tpu.memory_space<hbm>> -> memref<40xi32, #tpu.memory_space<hbm>>
    %dma_start3A_23 = tpu.memref_slice %arg21[%dma_start3A_21] : memref<5x!tpu.dma_semaphore, #tpu.memory_space<semaphore_mem>> -> memref<1x!tpu.dma_semaphore, #tpu.memory_space<semaphore_mem>>
    %dma_start3A_24 = tpu.memref_squeeze %dma_start3A_23 : memref<1x!tpu.dma_semaphore, #tpu.memory_space<semaphore_mem>> -> memref<!tpu.dma_semaphore, #tpu.memory_space<semaphore_mem>>
    %dma_start3A_25 = tpu.memref_slice %arg4[%add3A_20] : memref<320000xi32, #tpu.memory_space<hbm>> -> memref<40xi32, #tpu.memory_space<hbm>>
    tpu.enqueue_dma source(%dma_start3A_25 : memref<40xi32, #tpu.memory_space<hbm>>) target(%arg9 : memref<40xi32, #tpu.memory_space<vmem>>) target_semaphore(%dma_start3A_24 : memref<!tpu.dma_semaphore, #tpu.memory_space<semaphore_mem>>)
    %dma_start3A_26 = arith.constant 1 : i32
    %dma_start3A_27 = arith.constant 40 : i32
    %dma_start3A_28 = tpu.memref_slice %arg7[%dma_start3A_27] : memref<10000xi32, #tpu.memory_space<vmem>> -> memref<40xi32, #tpu.memory_space<vmem>>
    %dma_start3A_29 = arith.constant 0 : i32
    %dma_start3A_30 = arith.constant 0 : i32
    %dma_start3A_31 = tpu.memref_slice %arg2[%dma_start3A_29, %dma_start3A_30] : memref<10000x128xf32, #tpu.memory_space<hbm>> -> memref<10000x128xf32, #tpu.memory_space<hbm>>
    %dma_start3A_32 = tpu.memref_slice %arg19[%dma_start3A_26] : memref<5x!tpu.dma_semaphore, #tpu.memory_space<semaphore_mem>> -> memref<1x!tpu.dma_semaphore, #tpu.memory_space<semaphore_mem>>
    %dma_start3A_33 = tpu.memref_squeeze %dma_start3A_32 : memref<1x!tpu.dma_semaphore, #tpu.memory_space<semaphore_mem>> -> memref<!tpu.dma_semaphore, #tpu.memory_space<semaphore_mem>>
    tpu.enqueue_indirect_dma source(%dma_start3A_31 : memref<10000x128xf32, #tpu.memory_space<hbm>>) target(%arg14 : memref<40x128xf32, #tpu.memory_space<vmem>>) offsets(%dma_start3A_28 : memref<40xi32, #tpu.memory_space<vmem>>) semaphore(%dma_start3A_33 : memref<!tpu.dma_semaphore, #tpu.memory_space<semaphore_mem>>)
    %scan3A = arith.constant 0 : i32
    %scan3A_34 = arith.constant 0 : i32
    %scan3A_35 = arith.constant 50 : i32
    %scan3A_36 = arith.addi %scan3A_34, %scan3A_35 : i32
    %scan3A_37 = arith.constant 1 : i32
    scf.for %scan3A_73 = %scan3A_34 to %scan3A_36 step %scan3A_37  : i32 {
      %mul3A_74 = arith.constant 5 : i32
      %mul3A_75 = arith.muli %scan3A_73, %mul3A_74 : i32
      %add3A_76 = arith.constant 0 : i32
      %add3A_77 = arith.addi %mul3A_75, %add3A_76 : i32
      %add3A_78 = arith.constant 2 : i32
      %add3A_79 = arith.addi %add3A_77, %add3A_78 : i32
      %lt3A = arith.constant 250 : i32
      %lt3A_80 = arith.cmpi slt, %add3A_79, %lt3A : i32
      %ge3A = arith.constant 3 : i32
      %ge3A_81 = arith.cmpi sge, %add3A_77, %ge3A : i32
      %and3A = arith.andi %lt3A_80, %ge3A_81 : i1
      %convert_element_type3A = arith.extui %and3A : i1 to i32
      %cond3A = arith.constant 0 : i32
      %cond3A_82 = arith.cmpi ne, %convert_element_type3A, %cond3A : i32
      scf.if %cond3A_82 {
        %dma_wait3A_279 = arith.constant 2 : i32
        %dma_wait3A_280 = arith.constant 0 : i32
        %dma_wait3A_281 = arith.constant 0 : i32
        %dma_wait3A_282 = tpu.memref_slice %arg18[%dma_wait3A_280, %dma_wait3A_281] : memref<10240x128xf32, #tpu.memory_space<vmem_shared>> -> memref<10240x128xf32, #tpu.memory_space<vmem_shared>>
        %dma_wait3A_283 = tpu.memref_slice %arg20[%dma_wait3A_279] : memref<5x!tpu.dma_semaphore, #tpu.memory_space<semaphore_mem>> -> memref<1x!tpu.dma_semaphore, #tpu.memory_space<semaphore_mem>>
        %dma_wait3A_284 = tpu.memref_squeeze %dma_wait3A_283 : memref<1x!tpu.dma_semaphore, #tpu.memory_space<semaphore_mem>> -> memref<!tpu.dma_semaphore, #tpu.memory_space<semaphore_mem>>
        tpu.wait_indirect_dma semaphore(%dma_wait3A_284 : memref<!tpu.dma_semaphore, #tpu.memory_space<semaphore_mem>>) src(%arg15 : memref<40x128xf32, #tpu.memory_space<vmem>>) dst(%dma_wait3A_282 : memref<10240x128xf32, #tpu.memory_space<vmem_shared>>)
      } else {
      }
      %lt3A_83 = arith.constant 250 : i32
      %lt3A_84 = arith.cmpi slt, %add3A_79, %lt3A_83 : i32
      %convert_element_type3A_85 = arith.extui %lt3A_84 : i1 to i32
      %cond3A_86 = arith.constant 0 : i32
      %cond3A_87 = arith.cmpi ne, %convert_element_type3A_85, %cond3A_86 : i32
      scf.if %cond3A_87 {
        %mul3A_279 = arith.constant 40 : i32
        %mul3A_280 = arith.muli %add3A_79, %mul3A_279 : i32
        %add3A_281 = arith.addi %mul3A_2, %mul3A_280 : i32
        %dma_start3A_282 = arith.constant 2 : i32
        %dma_start3A_283 = tpu.memref_slice %arg4[%add3A_281] : memref<320000xi32, #tpu.memory_space<hbm>> -> memref<40xi32, #tpu.memory_space<hbm>>
        %dma_start3A_284 = tpu.memref_slice %arg21[%dma_start3A_282] : memref<5x!tpu.dma_semaphore, #tpu.memory_space<semaphore_mem>> -> memref<1x!tpu.dma_semaphore, #tpu.memory_space<semaphore_mem>>
        %dma_start3A_285 = tpu.memref_squeeze %dma_start3A_284 : memref<1x!tpu.dma_semaphore, #tpu.memory_space<semaphore_mem>> -> memref<!tpu.dma_semaphore, #tpu.memory_space<semaphore_mem>>
        %dma_start3A_286 = tpu.memref_slice %arg4[%add3A_281] : memref<320000xi32, #tpu.memory_space<hbm>> -> memref<40xi32, #tpu.memory_space<hbm>>
        tpu.enqueue_dma source(%dma_start3A_286 : memref<40xi32, #tpu.memory_space<hbm>>) target(%arg10 : memref<40xi32, #tpu.memory_space<vmem>>) target_semaphore(%dma_start3A_285 : memref<!tpu.dma_semaphore, #tpu.memory_space<semaphore_mem>>)
        %mul3A_287 = arith.constant 40 : i32
        %mul3A_288 = arith.muli %add3A_79, %mul3A_287 : i32
        %dma_start3A_289 = arith.constant 2 : i32
        %dma_start3A_290 = tpu.memref_slice %arg7[%mul3A_288] : memref<10000xi32, #tpu.memory_space<vmem>> -> memref<40xi32, #tpu.memory_space<vmem>>
        %dma_start3A_291 = arith.constant 0 : i32
        %dma_start3A_292 = arith.constant 0 : i32
        %dma_start3A_293 = tpu.memref_slice %arg2[%dma_start3A_291, %dma_start3A_292] : memref<10000x128xf32, #tpu.memory_space<hbm>> -> memref<10000x128xf32, #tpu.memory_space<hbm>>
        %dma_start3A_294 = tpu.memref_slice %arg19[%dma_start3A_289] : memref<5x!tpu.dma_semaphore, #tpu.memory_space<semaphore_mem>> -> memref<1x!tpu.dma_semaphore, #tpu.memory_space<semaphore_mem>>
        %dma_start3A_295 = tpu.memref_squeeze %dma_start3A_294 : memref<1x!tpu.dma_semaphore, #tpu.memory_space<semaphore_mem>> -> memref<!tpu.dma_semaphore, #tpu.memory_space<semaphore_mem>>
        tpu.enqueue_indirect_dma source(%dma_start3A_293 : memref<10000x128xf32, #tpu.memory_space<hbm>>) target(%arg15 : memref<40x128xf32, #tpu.memory_space<vmem>>) offsets(%dma_start3A_290 : memref<40xi32, #tpu.memory_space<vmem>>) semaphore(%dma_start3A_295 : memref<!tpu.dma_semaphore, #tpu.memory_space<semaphore_mem>>)
      } else {
      }
      %mul3A_88 = arith.constant 40 : i32
      %mul3A_89 = arith.muli %add3A_77, %mul3A_88 : i32
      %dma_wait3A_90 = arith.constant 0 : i32
      %dma_wait3A_91 = tpu.memref_slice %arg7[%mul3A_89] : memref<10000xi32, #tpu.memory_space<vmem>> -> memref<40xi32, #tpu.memory_space<vmem>>
      %dma_wait3A_92 = arith.constant 0 : i32
      %dma_wait3A_93 = arith.constant 0 : i32
      %dma_wait3A_94 = tpu.memref_slice %arg2[%dma_wait3A_92, %dma_wait3A_93] : memref<10000x128xf32, #tpu.memory_space<hbm>> -> memref<10000x128xf32, #tpu.memory_space<hbm>>
      %dma_wait3A_95 = tpu.memref_slice %arg19[%dma_wait3A_90] : memref<5x!tpu.dma_semaphore, #tpu.memory_space<semaphore_mem>> -> memref<1x!tpu.dma_semaphore, #tpu.memory_space<semaphore_mem>>
      %dma_wait3A_96 = tpu.memref_squeeze %dma_wait3A_95 : memref<1x!tpu.dma_semaphore, #tpu.memory_space<semaphore_mem>> -> memref<!tpu.dma_semaphore, #tpu.memory_space<semaphore_mem>>
      tpu.wait_indirect_dma semaphore(%dma_wait3A_96 : memref<!tpu.dma_semaphore, #tpu.memory_space<semaphore_mem>>) src(%dma_wait3A_94 : memref<10000x128xf32, #tpu.memory_space<hbm>>) dst(%arg13 : memref<40x128xf32, #tpu.memory_space<vmem>>)
      %mul3A_97 = arith.constant 40 : i32
      %mul3A_98 = arith.muli %add3A_77, %mul3A_97 : i32
      %add3A_99 = arith.addi %mul3A_2, %mul3A_98 : i32
      %dma_wait3A_100 = arith.constant 0 : i32
      %dma_wait3A_101 = tpu.memref_slice %arg4[%add3A_99] : memref<320000xi32, #tpu.memory_space<hbm>> -> memref<40xi32, #tpu.memory_space<hbm>>
      %dma_wait3A_102 = tpu.memref_slice %arg21[%dma_wait3A_100] : memref<5x!tpu.dma_semaphore, #tpu.memory_space<semaphore_mem>> -> memref<1x!tpu.dma_semaphore, #tpu.memory_space<semaphore_mem>>
      %dma_wait3A_103 = tpu.memref_squeeze %dma_wait3A_102 : memref<1x!tpu.dma_semaphore, #tpu.memory_space<semaphore_mem>> -> memref<!tpu.dma_semaphore, #tpu.memory_space<semaphore_mem>>
      %dma_wait3A_104 = tpu.memref_slice %arg4[%add3A_99] : memref<320000xi32, #tpu.memory_space<hbm>> -> memref<40xi32, #tpu.memory_space<hbm>>
      tpu.wait_dma2 semaphore(%dma_wait3A_103 : memref<!tpu.dma_semaphore, #tpu.memory_space<semaphore_mem>>) src(%dma_wait3A_104 : memref<40xi32, #tpu.memory_space<hbm>>) dst(%arg8 : memref<40xi32, #tpu.memory_space<vmem>>)
      %dma_start3A_105 = arith.constant 0 : i32
      %dma_start3A_106 = arith.constant 0 : i32
      %dma_start3A_107 = arith.constant 0 : i32
      %dma_start3A_108 = tpu.memref_slice %arg18[%dma_start3A_106, %dma_start3A_107] : memref<10240x128xf32, #tpu.memory_space<vmem_shared>> -> memref<10240x128xf32, #tpu.memory_space<vmem_shared>>
      %dma_start3A_109 = tpu.memref_slice %arg20[%dma_start3A_105] : memref<5x!tpu.dma_semaphore, #tpu.memory_space<semaphore_mem>> -> memref<1x!tpu.dma_semaphore, #tpu.memory_space<semaphore_mem>>
      %dma_start3A_110 = tpu.memref_squeeze %dma_start3A_109 : memref<1x!tpu.dma_semaphore, #tpu.memory_space<semaphore_mem>> -> memref<!tpu.dma_semaphore, #tpu.memory_space<semaphore_mem>>
      tpu.enqueue_indirect_dma source(%arg13 : memref<40x128xf32, #tpu.memory_space<vmem>>) target(%dma_start3A_108 : memref<10240x128xf32, #tpu.memory_space<vmem_shared>>) offsets(%arg8 : memref<40xi32, #tpu.memory_space<vmem>>) semaphore(%dma_start3A_110 : memref<!tpu.dma_semaphore, #tpu.memory_space<semaphore_mem>>) {add = true}
      %mul3A_111 = arith.constant 5 : i32
      %mul3A_112 = arith.muli %scan3A_73, %mul3A_111 : i32
      %add3A_113 = arith.constant 1 : i32
      %add3A_114 = arith.addi %mul3A_112, %add3A_113 : i32
      %add3A_115 = arith.constant 2 : i32
      %add3A_116 = arith.addi %add3A_114, %add3A_115 : i32
      %lt3A_117 = arith.constant 250 : i32
      %lt3A_118 = arith.cmpi slt, %add3A_116, %lt3A_117 : i32
      %ge3A_119 = arith.constant 3 : i32
      %ge3A_120 = arith.cmpi sge, %add3A_114, %ge3A_119 : i32
      %and3A_121 = arith.andi %lt3A_118, %ge3A_120 : i1
      %convert_element_type3A_122 = arith.extui %and3A_121 : i1 to i32
      %cond3A_123 = arith.constant 0 : i32
      %cond3A_124 = arith.cmpi ne, %convert_element_type3A_122, %cond3A_123 : i32
      scf.if %cond3A_124 {
        %dma_wait3A_279 = arith.constant 3 : i32
        %dma_wait3A_280 = arith.constant 0 : i32
        %dma_wait3A_281 = arith.constant 0 : i32
        %dma_wait3A_282 = tpu.memref_slice %arg18[%dma_wait3A_280, %dma_wait3A_281] : memref<10240x128xf32, #tpu.memory_space<vmem_shared>> -> memref<10240x128xf32, #tpu.memory_space<vmem_shared>>
        %dma_wait3A_283 = tpu.memref_slice %arg20[%dma_wait3A_279] : memref<5x!tpu.dma_semaphore, #tpu.memory_space<semaphore_mem>> -> memref<1x!tpu.dma_semaphore, #tpu.memory_space<semaphore_mem>>
        %dma_wait3A_284 = tpu.memref_squeeze %dma_wait3A_283 : memref<1x!tpu.dma_semaphore, #tpu.memory_space<semaphore_mem>> -> memref<!tpu.dma_semaphore, #tpu.memory_space<semaphore_mem>>
        tpu.wait_indirect_dma semaphore(%dma_wait3A_284 : memref<!tpu.dma_semaphore, #tpu.memory_space<semaphore_mem>>) src(%arg16 : memref<40x128xf32, #tpu.memory_space<vmem>>) dst(%dma_wait3A_282 : memref<10240x128xf32, #tpu.memory_space<vmem_shared>>)
      } else {
      }
      %lt3A_125 = arith.constant 250 : i32
      %lt3A_126 = arith.cmpi slt, %add3A_116, %lt3A_125 : i32
      %convert_element_type3A_127 = arith.extui %lt3A_126 : i1 to i32
      %cond3A_128 = arith.constant 0 : i32
      %cond3A_129 = arith.cmpi ne, %convert_element_type3A_127, %cond3A_128 : i32
      scf.if %cond3A_129 {
        %mul3A_279 = arith.constant 40 : i32
        %mul3A_280 = arith.muli %add3A_116, %mul3A_279 : i32
        %add3A_281 = arith.addi %mul3A_2, %mul3A_280 : i32
        %dma_start3A_282 = arith.constant 3 : i32
        %dma_start3A_283 = tpu.memref_slice %arg4[%add3A_281] : memref<320000xi32, #tpu.memory_space<hbm>> -> memref<40xi32, #tpu.memory_space<hbm>>
        %dma_start3A_284 = tpu.memref_slice %arg21[%dma_start3A_282] : memref<5x!tpu.dma_semaphore, #tpu.memory_space<semaphore_mem>> -> memref<1x!tpu.dma_semaphore, #tpu.memory_space<semaphore_mem>>
        %dma_start3A_285 = tpu.memref_squeeze %dma_start3A_284 : memref<1x!tpu.dma_semaphore, #tpu.memory_space<semaphore_mem>> -> memref<!tpu.dma_semaphore, #tpu.memory_space<semaphore_mem>>
        %dma_start3A_286 = tpu.memref_slice %arg4[%add3A_281] : memref<320000xi32, #tpu.memory_space<hbm>> -> memref<40xi32, #tpu.memory_space<hbm>>
        tpu.enqueue_dma source(%dma_start3A_286 : memref<40xi32, #tpu.memory_space<hbm>>) target(%arg11 : memref<40xi32, #tpu.memory_space<vmem>>) target_semaphore(%dma_start3A_285 : memref<!tpu.dma_semaphore, #tpu.memory_space<semaphore_mem>>)
        %mul3A_287 = arith.constant 40 : i32
        %mul3A_288 = arith.muli %add3A_116, %mul3A_287 : i32
        %dma_start3A_289 = arith.constant 3 : i32
        %dma_start3A_290 = tpu.memref_slice %arg7[%mul3A_288] : memref<10000xi32, #tpu.memory_space<vmem>> -> memref<40xi32, #tpu.memory_space<vmem>>
        %dma_start3A_291 = arith.constant 0 : i32
        %dma_start3A_292 = arith.constant 0 : i32
        %dma_start3A_293 = tpu.memref_slice %arg2[%dma_start3A_291, %dma_start3A_292] : memref<10000x128xf32, #tpu.memory_space<hbm>> -> memref<10000x128xf32, #tpu.memory_space<hbm>>
        %dma_start3A_294 = tpu.memref_slice %arg19[%dma_start3A_289] : memref<5x!tpu.dma_semaphore, #tpu.memory_space<semaphore_mem>> -> memref<1x!tpu.dma_semaphore, #tpu.memory_space<semaphore_mem>>
        %dma_start3A_295 = tpu.memref_squeeze %dma_start3A_294 : memref<1x!tpu.dma_semaphore, #tpu.memory_space<semaphore_mem>> -> memref<!tpu.dma_semaphore, #tpu.memory_space<semaphore_mem>>
        tpu.enqueue_indirect_dma source(%dma_start3A_293 : memref<10000x128xf32, #tpu.memory_space<hbm>>) target(%arg16 : memref<40x128xf32, #tpu.memory_space<vmem>>) offsets(%dma_start3A_290 : memref<40xi32, #tpu.memory_space<vmem>>) semaphore(%dma_start3A_295 : memref<!tpu.dma_semaphore, #tpu.memory_space<semaphore_mem>>)
      } else {
      }
      %mul3A_130 = arith.constant 40 : i32
      %mul3A_131 = arith.muli %add3A_114, %mul3A_130 : i32
      %dma_wait3A_132 = arith.constant 1 : i32
      %dma_wait3A_133 = tpu.memref_slice %arg7[%mul3A_131] : memref<10000xi32, #tpu.memory_space<vmem>> -> memref<40xi32, #tpu.memory_space<vmem>>
      %dma_wait3A_134 = arith.constant 0 : i32
      %dma_wait3A_135 = arith.constant 0 : i32
      %dma_wait3A_136 = tpu.memref_slice %arg2[%dma_wait3A_134, %dma_wait3A_135] : memref<10000x128xf32, #tpu.memory_space<hbm>> -> memref<10000x128xf32, #tpu.memory_space<hbm>>
      %dma_wait3A_137 = tpu.memref_slice %arg19[%dma_wait3A_132] : memref<5x!tpu.dma_semaphore, #tpu.memory_space<semaphore_mem>> -> memref<1x!tpu.dma_semaphore, #tpu.memory_space<semaphore_mem>>
      %dma_wait3A_138 = tpu.memref_squeeze %dma_wait3A_137 : memref<1x!tpu.dma_semaphore, #tpu.memory_space<semaphore_mem>> -> memref<!tpu.dma_semaphore, #tpu.memory_space<semaphore_mem>>
      tpu.wait_indirect_dma semaphore(%dma_wait3A_138 : memref<!tpu.dma_semaphore, #tpu.memory_space<semaphore_mem>>) src(%dma_wait3A_136 : memref<10000x128xf32, #tpu.memory_space<hbm>>) dst(%arg14 : memref<40x128xf32, #tpu.memory_space<vmem>>)
      %mul3A_139 = arith.constant 40 : i32
      %mul3A_140 = arith.muli %add3A_114, %mul3A_139 : i32
      %add3A_141 = arith.addi %mul3A_2, %mul3A_140 : i32
      %dma_wait3A_142 = arith.constant 1 : i32
      %dma_wait3A_143 = tpu.memref_slice %arg4[%add3A_141] : memref<320000xi32, #tpu.memory_space<hbm>> -> memref<40xi32, #tpu.memory_space<hbm>>
      %dma_wait3A_144 = tpu.memref_slice %arg21[%dma_wait3A_142] : memref<5x!tpu.dma_semaphore, #tpu.memory_space<semaphore_mem>> -> memref<1x!tpu.dma_semaphore, #tpu.memory_space<semaphore_mem>>
      %dma_wait3A_145 = tpu.memref_squeeze %dma_wait3A_144 : memref<1x!tpu.dma_semaphore, #tpu.memory_space<semaphore_mem>> -> memref<!tpu.dma_semaphore, #tpu.memory_space<semaphore_mem>>
      %dma_wait3A_146 = tpu.memref_slice %arg4[%add3A_141] : memref<320000xi32, #tpu.memory_space<hbm>> -> memref<40xi32, #tpu.memory_space<hbm>>
      tpu.wait_dma2 semaphore(%dma_wait3A_145 : memref<!tpu.dma_semaphore, #tpu.memory_space<semaphore_mem>>) src(%dma_wait3A_146 : memref<40xi32, #tpu.memory_space<hbm>>) dst(%arg9 : memref<40xi32, #tpu.memory_space<vmem>>)
      %dma_start3A_147 = arith.constant 1 : i32
      %dma_start3A_148 = arith.constant 0 : i32
      %dma_start3A_149 = arith.constant 0 : i32
      %dma_start3A_150 = tpu.memref_slice %arg18[%dma_start3A_148, %dma_start3A_149] : memref<10240x128xf32, #tpu.memory_space<vmem_shared>> -> memref<10240x128xf32, #tpu.memory_space<vmem_shared>>
      %dma_start3A_151 = tpu.memref_slice %arg20[%dma_start3A_147] : memref<5x!tpu.dma_semaphore, #tpu.memory_space<semaphore_mem>> -> memref<1x!tpu.dma_semaphore, #tpu.memory_space<semaphore_mem>>
      %dma_start3A_152 = tpu.memref_squeeze %dma_start3A_151 : memref<1x!tpu.dma_semaphore, #tpu.memory_space<semaphore_mem>> -> memref<!tpu.dma_semaphore, #tpu.memory_space<semaphore_mem>>
      tpu.enqueue_indirect_dma source(%arg14 : memref<40x128xf32, #tpu.memory_space<vmem>>) target(%dma_start3A_150 : memref<10240x128xf32, #tpu.memory_space<vmem_shared>>) offsets(%arg9 : memref<40xi32, #tpu.memory_space<vmem>>) semaphore(%dma_start3A_152 : memref<!tpu.dma_semaphore, #tpu.memory_space<semaphore_mem>>) {add = true}
      %mul3A_153 = arith.constant 5 : i32
      %mul3A_154 = arith.muli %scan3A_73, %mul3A_153 : i32
      %add3A_155 = arith.constant 2 : i32
      %add3A_156 = arith.addi %mul3A_154, %add3A_155 : i32
      %add3A_157 = arith.constant 2 : i32
      %add3A_158 = arith.addi %add3A_156, %add3A_157 : i32
      %lt3A_159 = arith.constant 250 : i32
      %lt3A_160 = arith.cmpi slt, %add3A_158, %lt3A_159 : i32
      %ge3A_161 = arith.constant 3 : i32
      %ge3A_162 = arith.cmpi sge, %add3A_156, %ge3A_161 : i32
      %and3A_163 = arith.andi %lt3A_160, %ge3A_162 : i1
      %convert_element_type3A_164 = arith.extui %and3A_163 : i1 to i32
      %cond3A_165 = arith.constant 0 : i32
      %cond3A_166 = arith.cmpi ne, %convert_element_type3A_164, %cond3A_165 : i32
      scf.if %cond3A_166 {
        %dma_wait3A_279 = arith.constant 4 : i32
        %dma_wait3A_280 = arith.constant 0 : i32
        %dma_wait3A_281 = arith.constant 0 : i32
        %dma_wait3A_282 = tpu.memref_slice %arg18[%dma_wait3A_280, %dma_wait3A_281] : memref<10240x128xf32, #tpu.memory_space<vmem_shared>> -> memref<10240x128xf32, #tpu.memory_space<vmem_shared>>
        %dma_wait3A_283 = tpu.memref_slice %arg20[%dma_wait3A_279] : memref<5x!tpu.dma_semaphore, #tpu.memory_space<semaphore_mem>> -> memref<1x!tpu.dma_semaphore, #tpu.memory_space<semaphore_mem>>
        %dma_wait3A_284 = tpu.memref_squeeze %dma_wait3A_283 : memref<1x!tpu.dma_semaphore, #tpu.memory_space<semaphore_mem>> -> memref<!tpu.dma_semaphore, #tpu.memory_space<semaphore_mem>>
        tpu.wait_indirect_dma semaphore(%dma_wait3A_284 : memref<!tpu.dma_semaphore, #tpu.memory_space<semaphore_mem>>) src(%arg17 : memref<40x128xf32, #tpu.memory_space<vmem>>) dst(%dma_wait3A_282 : memref<10240x128xf32, #tpu.memory_space<vmem_shared>>)
      } else {
      }
      %lt3A_167 = arith.constant 250 : i32
      %lt3A_168 = arith.cmpi slt, %add3A_158, %lt3A_167 : i32
      %convert_element_type3A_169 = arith.extui %lt3A_168 : i1 to i32
      %cond3A_170 = arith.constant 0 : i32
      %cond3A_171 = arith.cmpi ne, %convert_element_type3A_169, %cond3A_170 : i32
      scf.if %cond3A_171 {
        %mul3A_279 = arith.constant 40 : i32
        %mul3A_280 = arith.muli %add3A_158, %mul3A_279 : i32
        %add3A_281 = arith.addi %mul3A_2, %mul3A_280 : i32
        %dma_start3A_282 = arith.constant 4 : i32
        %dma_start3A_283 = tpu.memref_slice %arg4[%add3A_281] : memref<320000xi32, #tpu.memory_space<hbm>> -> memref<40xi32, #tpu.memory_space<hbm>>
        %dma_start3A_284 = tpu.memref_slice %arg21[%dma_start3A_282] : memref<5x!tpu.dma_semaphore, #tpu.memory_space<semaphore_mem>> -> memref<1x!tpu.dma_semaphore, #tpu.memory_space<semaphore_mem>>
        %dma_start3A_285 = tpu.memref_squeeze %dma_start3A_284 : memref<1x!tpu.dma_semaphore, #tpu.memory_space<semaphore_mem>> -> memref<!tpu.dma_semaphore, #tpu.memory_space<semaphore_mem>>
        %dma_start3A_286 = tpu.memref_slice %arg4[%add3A_281] : memref<320000xi32, #tpu.memory_space<hbm>> -> memref<40xi32, #tpu.memory_space<hbm>>
        tpu.enqueue_dma source(%dma_start3A_286 : memref<40xi32, #tpu.memory_space<hbm>>) target(%arg12 : memref<40xi32, #tpu.memory_space<vmem>>) target_semaphore(%dma_start3A_285 : memref<!tpu.dma_semaphore, #tpu.memory_space<semaphore_mem>>)
        %mul3A_287 = arith.constant 40 : i32
        %mul3A_288 = arith.muli %add3A_158, %mul3A_287 : i32
        %dma_start3A_289 = arith.constant 4 : i32
        %dma_start3A_290 = tpu.memref_slice %arg7[%mul3A_288] : memref<10000xi32, #tpu.memory_space<vmem>> -> memref<40xi32, #tpu.memory_space<vmem>>
        %dma_start3A_291 = arith.constant 0 : i32
        %dma_start3A_292 = arith.constant 0 : i32
        %dma_start3A_293 = tpu.memref_slice %arg2[%dma_start3A_291, %dma_start3A_292] : memref<10000x128xf32, #tpu.memory_space<hbm>> -> memref<10000x128xf32, #tpu.memory_space<hbm>>
        %dma_start3A_294 = tpu.memref_slice %arg19[%dma_start3A_289] : memref<5x!tpu.dma_semaphore, #tpu.memory_space<semaphore_mem>> -> memref<1x!tpu.dma_semaphore, #tpu.memory_space<semaphore_mem>>
        %dma_start3A_295 = tpu.memref_squeeze %dma_start3A_294 : memref<1x!tpu.dma_semaphore, #tpu.memory_space<semaphore_mem>> -> memref<!tpu.dma_semaphore, #tpu.memory_space<semaphore_mem>>
        tpu.enqueue_indirect_dma source(%dma_start3A_293 : memref<10000x128xf32, #tpu.memory_space<hbm>>) target(%arg17 : memref<40x128xf32, #tpu.memory_space<vmem>>) offsets(%dma_start3A_290 : memref<40xi32, #tpu.memory_space<vmem>>) semaphore(%dma_start3A_295 : memref<!tpu.dma_semaphore, #tpu.memory_space<semaphore_mem>>)
      } else {
      }
      %mul3A_172 = arith.constant 40 : i32
      %mul3A_173 = arith.muli %add3A_156, %mul3A_172 : i32
      %dma_wait3A_174 = arith.constant 2 : i32
      %dma_wait3A_175 = tpu.memref_slice %arg7[%mul3A_173] : memref<10000xi32, #tpu.memory_space<vmem>> -> memref<40xi32, #tpu.memory_space<vmem>>
      %dma_wait3A_176 = arith.constant 0 : i32
      %dma_wait3A_177 = arith.constant 0 : i32
      %dma_wait3A_178 = tpu.memref_slice %arg2[%dma_wait3A_176, %dma_wait3A_177] : memref<10000x128xf32, #tpu.memory_space<hbm>> -> memref<10000x128xf32, #tpu.memory_space<hbm>>
      %dma_wait3A_179 = tpu.memref_slice %arg19[%dma_wait3A_174] : memref<5x!tpu.dma_semaphore, #tpu.memory_space<semaphore_mem>> -> memref<1x!tpu.dma_semaphore, #tpu.memory_space<semaphore_mem>>
      %dma_wait3A_180 = tpu.memref_squeeze %dma_wait3A_179 : memref<1x!tpu.dma_semaphore, #tpu.memory_space<semaphore_mem>> -> memref<!tpu.dma_semaphore, #tpu.memory_space<semaphore_mem>>
      tpu.wait_indirect_dma semaphore(%dma_wait3A_180 : memref<!tpu.dma_semaphore, #tpu.memory_space<semaphore_mem>>) src(%dma_wait3A_178 : memref<10000x128xf32, #tpu.memory_space<hbm>>) dst(%arg15 : memref<40x128xf32, #tpu.memory_space<vmem>>)
      %mul3A_181 = arith.constant 40 : i32
      %mul3A_182 = arith.muli %add3A_156, %mul3A_181 : i32
      %add3A_183 = arith.addi %mul3A_2, %mul3A_182 : i32
      %dma_wait3A_184 = arith.constant 2 : i32
      %dma_wait3A_185 = tpu.memref_slice %arg4[%add3A_183] : memref<320000xi32, #tpu.memory_space<hbm>> -> memref<40xi32, #tpu.memory_space<hbm>>
      %dma_wait3A_186 = tpu.memref_slice %arg21[%dma_wait3A_184] : memref<5x!tpu.dma_semaphore, #tpu.memory_space<semaphore_mem>> -> memref<1x!tpu.dma_semaphore, #tpu.memory_space<semaphore_mem>>
      %dma_wait3A_187 = tpu.memref_squeeze %dma_wait3A_186 : memref<1x!tpu.dma_semaphore, #tpu.memory_space<semaphore_mem>> -> memref<!tpu.dma_semaphore, #tpu.memory_space<semaphore_mem>>
      %dma_wait3A_188 = tpu.memref_slice %arg4[%add3A_183] : memref<320000xi32, #tpu.memory_space<hbm>> -> memref<40xi32, #tpu.memory_space<hbm>>
      tpu.wait_dma2 semaphore(%dma_wait3A_187 : memref<!tpu.dma_semaphore, #tpu.memory_space<semaphore_mem>>) src(%dma_wait3A_188 : memref<40xi32, #tpu.memory_space<hbm>>) dst(%arg10 : memref<40xi32, #tpu.memory_space<vmem>>)
      %dma_start3A_189 = arith.constant 2 : i32
      %dma_start3A_190 = arith.constant 0 : i32
      %dma_start3A_191 = arith.constant 0 : i32
      %dma_start3A_192 = tpu.memref_slice %arg18[%dma_start3A_190, %dma_start3A_191] : memref<10240x128xf32, #tpu.memory_space<vmem_shared>> -> memref<10240x128xf32, #tpu.memory_space<vmem_shared>>
      %dma_start3A_193 = tpu.memref_slice %arg20[%dma_start3A_189] : memref<5x!tpu.dma_semaphore, #tpu.memory_space<semaphore_mem>> -> memref<1x!tpu.dma_semaphore, #tpu.memory_space<semaphore_mem>>
      %dma_start3A_194 = tpu.memref_squeeze %dma_start3A_193 : memref<1x!tpu.dma_semaphore, #tpu.memory_space<semaphore_mem>> -> memref<!tpu.dma_semaphore, #tpu.memory_space<semaphore_mem>>
      tpu.enqueue_indirect_dma source(%arg15 : memref<40x128xf32, #tpu.memory_space<vmem>>) target(%dma_start3A_192 : memref<10240x128xf32, #tpu.memory_space<vmem_shared>>) offsets(%arg10 : memref<40xi32, #tpu.memory_space<vmem>>) semaphore(%dma_start3A_194 : memref<!tpu.dma_semaphore, #tpu.memory_space<semaphore_mem>>) {add = true}
      %mul3A_195 = arith.constant 5 : i32
      %mul3A_196 = arith.muli %scan3A_73, %mul3A_195 : i32
      %add3A_197 = arith.constant 3 : i32
      %add3A_198 = arith.addi %mul3A_196, %add3A_197 : i32
      %add3A_199 = arith.constant 2 : i32
      %add3A_200 = arith.addi %add3A_198, %add3A_199 : i32
      %lt3A_201 = arith.constant 250 : i32
      %lt3A_202 = arith.cmpi slt, %add3A_200, %lt3A_201 : i32
      %ge3A_203 = arith.constant 3 : i32
      %ge3A_204 = arith.cmpi sge, %add3A_198, %ge3A_203 : i32
      %and3A_205 = arith.andi %lt3A_202, %ge3A_204 : i1
      %convert_element_type3A_206 = arith.extui %and3A_205 : i1 to i32
      %cond3A_207 = arith.constant 0 : i32
      %cond3A_208 = arith.cmpi ne, %convert_element_type3A_206, %cond3A_207 : i32
      scf.if %cond3A_208 {
        %dma_wait3A_279 = arith.constant 0 : i32
        %dma_wait3A_280 = arith.constant 0 : i32
        %dma_wait3A_281 = arith.constant 0 : i32
        %dma_wait3A_282 = tpu.memref_slice %arg18[%dma_wait3A_280, %dma_wait3A_281] : memref<10240x128xf32, #tpu.memory_space<vmem_shared>> -> memref<10240x128xf32, #tpu.memory_space<vmem_shared>>
        %dma_wait3A_283 = tpu.memref_slice %arg20[%dma_wait3A_279] : memref<5x!tpu.dma_semaphore, #tpu.memory_space<semaphore_mem>> -> memref<1x!tpu.dma_semaphore, #tpu.memory_space<semaphore_mem>>
        %dma_wait3A_284 = tpu.memref_squeeze %dma_wait3A_283 : memref<1x!tpu.dma_semaphore, #tpu.memory_space<semaphore_mem>> -> memref<!tpu.dma_semaphore, #tpu.memory_space<semaphore_mem>>
        tpu.wait_indirect_dma semaphore(%dma_wait3A_284 : memref<!tpu.dma_semaphore, #tpu.memory_space<semaphore_mem>>) src(%arg13 : memref<40x128xf32, #tpu.memory_space<vmem>>) dst(%dma_wait3A_282 : memref<10240x128xf32, #tpu.memory_space<vmem_shared>>)
      } else {
      }
      %lt3A_209 = arith.constant 250 : i32
      %lt3A_210 = arith.cmpi slt, %add3A_200, %lt3A_209 : i32
      %convert_element_type3A_211 = arith.extui %lt3A_210 : i1 to i32
      %cond3A_212 = arith.constant 0 : i32
      %cond3A_213 = arith.cmpi ne, %convert_element_type3A_211, %cond3A_212 : i32
      scf.if %cond3A_213 {
        %mul3A_279 = arith.constant 40 : i32
        %mul3A_280 = arith.muli %add3A_200, %mul3A_279 : i32
        %add3A_281 = arith.addi %mul3A_2, %mul3A_280 : i32
        %dma_start3A_282 = arith.constant 0 : i32
        %dma_start3A_283 = tpu.memref_slice %arg4[%add3A_281] : memref<320000xi32, #tpu.memory_space<hbm>> -> memref<40xi32, #tpu.memory_space<hbm>>
        %dma_start3A_284 = tpu.memref_slice %arg21[%dma_start3A_282] : memref<5x!tpu.dma_semaphore, #tpu.memory_space<semaphore_mem>> -> memref<1x!tpu.dma_semaphore, #tpu.memory_space<semaphore_mem>>
        %dma_start3A_285 = tpu.memref_squeeze %dma_start3A_284 : memref<1x!tpu.dma_semaphore, #tpu.memory_space<semaphore_mem>> -> memref<!tpu.dma_semaphore, #tpu.memory_space<semaphore_mem>>
        %dma_start3A_286 = tpu.memref_slice %arg4[%add3A_281] : memref<320000xi32, #tpu.memory_space<hbm>> -> memref<40xi32, #tpu.memory_space<hbm>>
        tpu.enqueue_dma source(%dma_start3A_286 : memref<40xi32, #tpu.memory_space<hbm>>) target(%arg8 : memref<40xi32, #tpu.memory_space<vmem>>) target_semaphore(%dma_start3A_285 : memref<!tpu.dma_semaphore, #tpu.memory_space<semaphore_mem>>)
        %mul3A_287 = arith.constant 40 : i32
        %mul3A_288 = arith.muli %add3A_200, %mul3A_287 : i32
        %dma_start3A_289 = arith.constant 0 : i32
        %dma_start3A_290 = tpu.memref_slice %arg7[%mul3A_288] : memref<10000xi32, #tpu.memory_space<vmem>> -> memref<40xi32, #tpu.memory_space<vmem>>
        %dma_start3A_291 = arith.constant 0 : i32
        %dma_start3A_292 = arith.constant 0 : i32
        %dma_start3A_293 = tpu.memref_slice %arg2[%dma_start3A_291, %dma_start3A_292] : memref<10000x128xf32, #tpu.memory_space<hbm>> -> memref<10000x128xf32, #tpu.memory_space<hbm>>
        %dma_start3A_294 = tpu.memref_slice %arg19[%dma_start3A_289] : memref<5x!tpu.dma_semaphore, #tpu.memory_space<semaphore_mem>> -> memref<1x!tpu.dma_semaphore, #tpu.memory_space<semaphore_mem>>
        %dma_start3A_295 = tpu.memref_squeeze %dma_start3A_294 : memref<1x!tpu.dma_semaphore, #tpu.memory_space<semaphore_mem>> -> memref<!tpu.dma_semaphore, #tpu.memory_space<semaphore_mem>>
        tpu.enqueue_indirect_dma source(%dma_start3A_293 : memref<10000x128xf32, #tpu.memory_space<hbm>>) target(%arg13 : memref<40x128xf32, #tpu.memory_space<vmem>>) offsets(%dma_start3A_290 : memref<40xi32, #tpu.memory_space<vmem>>) semaphore(%dma_start3A_295 : memref<!tpu.dma_semaphore, #tpu.memory_space<semaphore_mem>>)
      } else {
      }
      %mul3A_214 = arith.constant 40 : i32
      %mul3A_215 = arith.muli %add3A_198, %mul3A_214 : i32
      %dma_wait3A_216 = arith.constant 3 : i32
      %dma_wait3A_217 = tpu.memref_slice %arg7[%mul3A_215] : memref<10000xi32, #tpu.memory_space<vmem>> -> memref<40xi32, #tpu.memory_space<vmem>>
      %dma_wait3A_218 = arith.constant 0 : i32
      %dma_wait3A_219 = arith.constant 0 : i32
      %dma_wait3A_220 = tpu.memref_slice %arg2[%dma_wait3A_218, %dma_wait3A_219] : memref<10000x128xf32, #tpu.memory_space<hbm>> -> memref<10000x128xf32, #tpu.memory_space<hbm>>
      %dma_wait3A_221 = tpu.memref_slice %arg19[%dma_wait3A_216] : memref<5x!tpu.dma_semaphore, #tpu.memory_space<semaphore_mem>> -> memref<1x!tpu.dma_semaphore, #tpu.memory_space<semaphore_mem>>
      %dma_wait3A_222 = tpu.memref_squeeze %dma_wait3A_221 : memref<1x!tpu.dma_semaphore, #tpu.memory_space<semaphore_mem>> -> memref<!tpu.dma_semaphore, #tpu.memory_space<semaphore_mem>>
      tpu.wait_indirect_dma semaphore(%dma_wait3A_222 : memref<!tpu.dma_semaphore, #tpu.memory_space<semaphore_mem>>) src(%dma_wait3A_220 : memref<10000x128xf32, #tpu.memory_space<hbm>>) dst(%arg16 : memref<40x128xf32, #tpu.memory_space<vmem>>)
      %mul3A_223 = arith.constant 40 : i32
      %mul3A_224 = arith.muli %add3A_198, %mul3A_223 : i32
      %add3A_225 = arith.addi %mul3A_2, %mul3A_224 : i32
      %dma_wait3A_226 = arith.constant 3 : i32
      %dma_wait3A_227 = tpu.memref_slice %arg4[%add3A_225] : memref<320000xi32, #tpu.memory_space<hbm>> -> memref<40xi32, #tpu.memory_space<hbm>>
      %dma_wait3A_228 = tpu.memref_slice %arg21[%dma_wait3A_226] : memref<5x!tpu.dma_semaphore, #tpu.memory_space<semaphore_mem>> -> memref<1x!tpu.dma_semaphore, #tpu.memory_space<semaphore_mem>>
      %dma_wait3A_229 = tpu.memref_squeeze %dma_wait3A_228 : memref<1x!tpu.dma_semaphore, #tpu.memory_space<semaphore_mem>> -> memref<!tpu.dma_semaphore, #tpu.memory_space<semaphore_mem>>
      %dma_wait3A_230 = tpu.memref_slice %arg4[%add3A_225] : memref<320000xi32, #tpu.memory_space<hbm>> -> memref<40xi32, #tpu.memory_space<hbm>>
      tpu.wait_dma2 semaphore(%dma_wait3A_229 : memref<!tpu.dma_semaphore, #tpu.memory_space<semaphore_mem>>) src(%dma_wait3A_230 : memref<40xi32, #tpu.memory_space<hbm>>) dst(%arg11 : memref<40xi32, #tpu.memory_space<vmem>>)
      %dma_start3A_231 = arith.constant 3 : i32
      %dma_start3A_232 = arith.constant 0 : i32
      %dma_start3A_233 = arith.constant 0 : i32
      %dma_start3A_234 = tpu.memref_slice %arg18[%dma_start3A_232, %dma_start3A_233] : memref<10240x128xf32, #tpu.memory_space<vmem_shared>> -> memref<10240x128xf32, #tpu.memory_space<vmem_shared>>
      %dma_start3A_235 = tpu.memref_slice %arg20[%dma_start3A_231] : memref<5x!tpu.dma_semaphore, #tpu.memory_space<semaphore_mem>> -> memref<1x!tpu.dma_semaphore, #tpu.memory_space<semaphore_mem>>
      %dma_start3A_236 = tpu.memref_squeeze %dma_start3A_235 : memref<1x!tpu.dma_semaphore, #tpu.memory_space<semaphore_mem>> -> memref<!tpu.dma_semaphore, #tpu.memory_space<semaphore_mem>>
      tpu.enqueue_indirect_dma source(%arg16 : memref<40x128xf32, #tpu.memory_space<vmem>>) target(%dma_start3A_234 : memref<10240x128xf32, #tpu.memory_space<vmem_shared>>) offsets(%arg11 : memref<40xi32, #tpu.memory_space<vmem>>) semaphore(%dma_start3A_236 : memref<!tpu.dma_semaphore, #tpu.memory_space<semaphore_mem>>) {add = true}
      %mul3A_237 = arith.constant 5 : i32
      %mul3A_238 = arith.muli %scan3A_73, %mul3A_237 : i32
      %add3A_239 = arith.constant 4 : i32
      %add3A_240 = arith.addi %mul3A_238, %add3A_239 : i32
      %add3A_241 = arith.constant 2 : i32
      %add3A_242 = arith.addi %add3A_240, %add3A_241 : i32
      %lt3A_243 = arith.constant 250 : i32
      %lt3A_244 = arith.cmpi slt, %add3A_242, %lt3A_243 : i32
      %ge3A_245 = arith.constant 3 : i32
      %ge3A_246 = arith.cmpi sge, %add3A_240, %ge3A_245 : i32
      %and3A_247 = arith.andi %lt3A_244, %ge3A_246 : i1
      %convert_element_type3A_248 = arith.extui %and3A_247 : i1 to i32
      %cond3A_249 = arith.constant 0 : i32
      %cond3A_250 = arith.cmpi ne, %convert_element_type3A_248, %cond3A_249 : i32
      scf.if %cond3A_250 {
        %dma_wait3A_279 = arith.constant 1 : i32
        %dma_wait3A_280 = arith.constant 0 : i32
        %dma_wait3A_281 = arith.constant 0 : i32
        %dma_wait3A_282 = tpu.memref_slice %arg18[%dma_wait3A_280, %dma_wait3A_281] : memref<10240x128xf32, #tpu.memory_space<vmem_shared>> -> memref<10240x128xf32, #tpu.memory_space<vmem_shared>>
        %dma_wait3A_283 = tpu.memref_slice %arg20[%dma_wait3A_279] : memref<5x!tpu.dma_semaphore, #tpu.memory_space<semaphore_mem>> -> memref<1x!tpu.dma_semaphore, #tpu.memory_space<semaphore_mem>>
        %dma_wait3A_284 = tpu.memref_squeeze %dma_wait3A_283 : memref<1x!tpu.dma_semaphore, #tpu.memory_space<semaphore_mem>> -> memref<!tpu.dma_semaphore, #tpu.memory_space<semaphore_mem>>
        tpu.wait_indirect_dma semaphore(%dma_wait3A_284 : memref<!tpu.dma_semaphore, #tpu.memory_space<semaphore_mem>>) src(%arg14 : memref<40x128xf32, #tpu.memory_space<vmem>>) dst(%dma_wait3A_282 : memref<10240x128xf32, #tpu.memory_space<vmem_shared>>)
      } else {
      }
      %lt3A_251 = arith.constant 250 : i32
      %lt3A_252 = arith.cmpi slt, %add3A_242, %lt3A_251 : i32
      %convert_element_type3A_253 = arith.extui %lt3A_252 : i1 to i32
      %cond3A_254 = arith.constant 0 : i32
      %cond3A_255 = arith.cmpi ne, %convert_element_type3A_253, %cond3A_254 : i32
      scf.if %cond3A_255 {
        %mul3A_279 = arith.constant 40 : i32
        %mul3A_280 = arith.muli %add3A_242, %mul3A_279 : i32
        %add3A_281 = arith.addi %mul3A_2, %mul3A_280 : i32
        %dma_start3A_282 = arith.constant 1 : i32
        %dma_start3A_283 = tpu.memref_slice %arg4[%add3A_281] : memref<320000xi32, #tpu.memory_space<hbm>> -> memref<40xi32, #tpu.memory_space<hbm>>
        %dma_start3A_284 = tpu.memref_slice %arg21[%dma_start3A_282] : memref<5x!tpu.dma_semaphore, #tpu.memory_space<semaphore_mem>> -> memref<1x!tpu.dma_semaphore, #tpu.memory_space<semaphore_mem>>
        %dma_start3A_285 = tpu.memref_squeeze %dma_start3A_284 : memref<1x!tpu.dma_semaphore, #tpu.memory_space<semaphore_mem>> -> memref<!tpu.dma_semaphore, #tpu.memory_space<semaphore_mem>>
        %dma_start3A_286 = tpu.memref_slice %arg4[%add3A_281] : memref<320000xi32, #tpu.memory_space<hbm>> -> memref<40xi32, #tpu.memory_space<hbm>>
        tpu.enqueue_dma source(%dma_start3A_286 : memref<40xi32, #tpu.memory_space<hbm>>) target(%arg9 : memref<40xi32, #tpu.memory_space<vmem>>) target_semaphore(%dma_start3A_285 : memref<!tpu.dma_semaphore, #tpu.memory_space<semaphore_mem>>)
        %mul3A_287 = arith.constant 40 : i32
        %mul3A_288 = arith.muli %add3A_242, %mul3A_287 : i32
        %dma_start3A_289 = arith.constant 1 : i32
        %dma_start3A_290 = tpu.memref_slice %arg7[%mul3A_288] : memref<10000xi32, #tpu.memory_space<vmem>> -> memref<40xi32, #tpu.memory_space<vmem>>
        %dma_start3A_291 = arith.constant 0 : i32
        %dma_start3A_292 = arith.constant 0 : i32
        %dma_start3A_293 = tpu.memref_slice %arg2[%dma_start3A_291, %dma_start3A_292] : memref<10000x128xf32, #tpu.memory_space<hbm>> -> memref<10000x128xf32, #tpu.memory_space<hbm>>
        %dma_start3A_294 = tpu.memref_slice %arg19[%dma_start3A_289] : memref<5x!tpu.dma_semaphore, #tpu.memory_space<semaphore_mem>> -> memref<1x!tpu.dma_semaphore, #tpu.memory_space<semaphore_mem>>
        %dma_start3A_295 = tpu.memref_squeeze %dma_start3A_294 : memref<1x!tpu.dma_semaphore, #tpu.memory_space<semaphore_mem>> -> memref<!tpu.dma_semaphore, #tpu.memory_space<semaphore_mem>>
        tpu.enqueue_indirect_dma source(%dma_start3A_293 : memref<10000x128xf32, #tpu.memory_space<hbm>>) target(%arg14 : memref<40x128xf32, #tpu.memory_space<vmem>>) offsets(%dma_start3A_290 : memref<40xi32, #tpu.memory_space<vmem>>) semaphore(%dma_start3A_295 : memref<!tpu.dma_semaphore, #tpu.memory_space<semaphore_mem>>)
      } else {
      }
      %mul3A_256 = arith.constant 40 : i32
      %mul3A_257 = arith.muli %add3A_240, %mul3A_256 : i32
      %dma_wait3A_258 = arith.constant 4 : i32
      %dma_wait3A_259 = tpu.memref_slice %arg7[%mul3A_257] : memref<10000xi32, #tpu.memory_space<vmem>> -> memref<40xi32, #tpu.memory_space<vmem>>
      %dma_wait3A_260 = arith.constant 0 : i32
      %dma_wait3A_261 = arith.constant 0 : i32
      %dma_wait3A_262 = tpu.memref_slice %arg2[%dma_wait3A_260, %dma_wait3A_261] : memref<10000x128xf32, #tpu.memory_space<hbm>> -> memref<10000x128xf32, #tpu.memory_space<hbm>>
      %dma_wait3A_263 = tpu.memref_slice %arg19[%dma_wait3A_258] : memref<5x!tpu.dma_semaphore, #tpu.memory_space<semaphore_mem>> -> memref<1x!tpu.dma_semaphore, #tpu.memory_space<semaphore_mem>>
      %dma_wait3A_264 = tpu.memref_squeeze %dma_wait3A_263 : memref<1x!tpu.dma_semaphore, #tpu.memory_space<semaphore_mem>> -> memref<!tpu.dma_semaphore, #tpu.memory_space<semaphore_mem>>
      tpu.wait_indirect_dma semaphore(%dma_wait3A_264 : memref<!tpu.dma_semaphore, #tpu.memory_space<semaphore_mem>>) src(%dma_wait3A_262 : memref<10000x128xf32, #tpu.memory_space<hbm>>) dst(%arg17 : memref<40x128xf32, #tpu.memory_space<vmem>>)
      %mul3A_265 = arith.constant 40 : i32
      %mul3A_266 = arith.muli %add3A_240, %mul3A_265 : i32
      %add3A_267 = arith.addi %mul3A_2, %mul3A_266 : i32
      %dma_wait3A_268 = arith.constant 4 : i32
      %dma_wait3A_269 = tpu.memref_slice %arg4[%add3A_267] : memref<320000xi32, #tpu.memory_space<hbm>> -> memref<40xi32, #tpu.memory_space<hbm>>
      %dma_wait3A_270 = tpu.memref_slice %arg21[%dma_wait3A_268] : memref<5x!tpu.dma_semaphore, #tpu.memory_space<semaphore_mem>> -> memref<1x!tpu.dma_semaphore, #tpu.memory_space<semaphore_mem>>
      %dma_wait3A_271 = tpu.memref_squeeze %dma_wait3A_270 : memref<1x!tpu.dma_semaphore, #tpu.memory_space<semaphore_mem>> -> memref<!tpu.dma_semaphore, #tpu.memory_space<semaphore_mem>>
      %dma_wait3A_272 = tpu.memref_slice %arg4[%add3A_267] : memref<320000xi32, #tpu.memory_space<hbm>> -> memref<40xi32, #tpu.memory_space<hbm>>
      tpu.wait_dma2 semaphore(%dma_wait3A_271 : memref<!tpu.dma_semaphore, #tpu.memory_space<semaphore_mem>>) src(%dma_wait3A_272 : memref<40xi32, #tpu.memory_space<hbm>>) dst(%arg12 : memref<40xi32, #tpu.memory_space<vmem>>)
      %dma_start3A_273 = arith.constant 4 : i32
      %dma_start3A_274 = arith.constant 0 : i32
      %dma_start3A_275 = arith.constant 0 : i32
      %dma_start3A_276 = tpu.memref_slice %arg18[%dma_start3A_274, %dma_start3A_275] : memref<10240x128xf32, #tpu.memory_space<vmem_shared>> -> memref<10240x128xf32, #tpu.memory_space<vmem_shared>>
      %dma_start3A_277 = tpu.memref_slice %arg20[%dma_start3A_273] : memref<5x!tpu.dma_semaphore, #tpu.memory_space<semaphore_mem>> -> memref<1x!tpu.dma_semaphore, #tpu.memory_space<semaphore_mem>>
      %dma_start3A_278 = tpu.memref_squeeze %dma_start3A_277 : memref<1x!tpu.dma_semaphore, #tpu.memory_space<semaphore_mem>> -> memref<!tpu.dma_semaphore, #tpu.memory_space<semaphore_mem>>
      tpu.enqueue_indirect_dma source(%arg17 : memref<40x128xf32, #tpu.memory_space<vmem>>) target(%dma_start3A_276 : memref<10240x128xf32, #tpu.memory_space<vmem_shared>>) offsets(%arg12 : memref<40xi32, #tpu.memory_space<vmem>>) semaphore(%dma_start3A_278 : memref<!tpu.dma_semaphore, #tpu.memory_space<semaphore_mem>>) {add = true}
    }
    %scan3A_38 = arith.constant 50 : i32
    %dma_wait3A = arith.constant 0 : i32
    %dma_wait3A_39 = arith.constant 0 : i32
    %dma_wait3A_40 = arith.constant 0 : i32
    %dma_wait3A_41 = tpu.memref_slice %arg18[%dma_wait3A_39, %dma_wait3A_40] : memref<10240x128xf32, #tpu.memory_space<vmem_shared>> -> memref<10240x128xf32, #tpu.memory_space<vmem_shared>>
    %dma_wait3A_42 = tpu.memref_slice %arg20[%dma_wait3A] : memref<5x!tpu.dma_semaphore, #tpu.memory_space<semaphore_mem>> -> memref<1x!tpu.dma_semaphore, #tpu.memory_space<semaphore_mem>>
    %dma_wait3A_43 = tpu.memref_squeeze %dma_wait3A_42 : memref<1x!tpu.dma_semaphore, #tpu.memory_space<semaphore_mem>> -> memref<!tpu.dma_semaphore, #tpu.memory_space<semaphore_mem>>
    tpu.wait_indirect_dma semaphore(%dma_wait3A_43 : memref<!tpu.dma_semaphore, #tpu.memory_space<semaphore_mem>>) src(%arg13 : memref<40x128xf32, #tpu.memory_space<vmem>>) dst(%dma_wait3A_41 : memref<10240x128xf32, #tpu.memory_space<vmem_shared>>)
    %dma_wait3A_44 = arith.constant 1 : i32
    %dma_wait3A_45 = arith.constant 0 : i32
    %dma_wait3A_46 = arith.constant 0 : i32
    %dma_wait3A_47 = tpu.memref_slice %arg18[%dma_wait3A_45, %dma_wait3A_46] : memref<10240x128xf32, #tpu.memory_space<vmem_shared>> -> memref<10240x128xf32, #tpu.memory_space<vmem_shared>>
    %dma_wait3A_48 = tpu.memref_slice %arg20[%dma_wait3A_44] : memref<5x!tpu.dma_semaphore, #tpu.memory_space<semaphore_mem>> -> memref<1x!tpu.dma_semaphore, #tpu.memory_space<semaphore_mem>>
    %dma_wait3A_49 = tpu.memref_squeeze %dma_wait3A_48 : memref<1x!tpu.dma_semaphore, #tpu.memory_space<semaphore_mem>> -> memref<!tpu.dma_semaphore, #tpu.memory_space<semaphore_mem>>
    tpu.wait_indirect_dma semaphore(%dma_wait3A_49 : memref<!tpu.dma_semaphore, #tpu.memory_space<semaphore_mem>>) src(%arg14 : memref<40x128xf32, #tpu.memory_space<vmem>>) dst(%dma_wait3A_47 : memref<10240x128xf32, #tpu.memory_space<vmem_shared>>)
    %dma_wait3A_50 = arith.constant 2 : i32
    %dma_wait3A_51 = arith.constant 0 : i32
    %dma_wait3A_52 = arith.constant 0 : i32
    %dma_wait3A_53 = tpu.memref_slice %arg18[%dma_wait3A_51, %dma_wait3A_52] : memref<10240x128xf32, #tpu.memory_space<vmem_shared>> -> memref<10240x128xf32, #tpu.memory_space<vmem_shared>>
    %dma_wait3A_54 = tpu.memref_slice %arg20[%dma_wait3A_50] : memref<5x!tpu.dma_semaphore, #tpu.memory_space<semaphore_mem>> -> memref<1x!tpu.dma_semaphore, #tpu.memory_space<semaphore_mem>>
    %dma_wait3A_55 = tpu.memref_squeeze %dma_wait3A_54 : memref<1x!tpu.dma_semaphore, #tpu.memory_space<semaphore_mem>> -> memref<!tpu.dma_semaphore, #tpu.memory_space<semaphore_mem>>
    tpu.wait_indirect_dma semaphore(%dma_wait3A_55 : memref<!tpu.dma_semaphore, #tpu.memory_space<semaphore_mem>>) src(%arg15 : memref<40x128xf32, #tpu.memory_space<vmem>>) dst(%dma_wait3A_53 : memref<10240x128xf32, #tpu.memory_space<vmem_shared>>)
    %dma_wait3A_56 = arith.constant 3 : i32
    %dma_wait3A_57 = arith.constant 0 : i32
    %dma_wait3A_58 = arith.constant 0 : i32
    %dma_wait3A_59 = tpu.memref_slice %arg18[%dma_wait3A_57, %dma_wait3A_58] : memref<10240x128xf32, #tpu.memory_space<vmem_shared>> -> memref<10240x128xf32, #tpu.memory_space<vmem_shared>>
    %dma_wait3A_60 = tpu.memref_slice %arg20[%dma_wait3A_56] : memref<5x!tpu.dma_semaphore, #tpu.memory_space<semaphore_mem>> -> memref<1x!tpu.dma_semaphore, #tpu.memory_space<semaphore_mem>>
    %dma_wait3A_61 = tpu.memref_squeeze %dma_wait3A_60 : memref<1x!tpu.dma_semaphore, #tpu.memory_space<semaphore_mem>> -> memref<!tpu.dma_semaphore, #tpu.memory_space<semaphore_mem>>
    tpu.wait_indirect_dma semaphore(%dma_wait3A_61 : memref<!tpu.dma_semaphore, #tpu.memory_space<semaphore_mem>>) src(%arg16 : memref<40x128xf32, #tpu.memory_space<vmem>>) dst(%dma_wait3A_59 : memref<10240x128xf32, #tpu.memory_space<vmem_shared>>)
    %dma_wait3A_62 = arith.constant 4 : i32
    %dma_wait3A_63 = arith.constant 0 : i32
    %dma_wait3A_64 = arith.constant 0 : i32
    %dma_wait3A_65 = tpu.memref_slice %arg18[%dma_wait3A_63, %dma_wait3A_64] : memref<10240x128xf32, #tpu.memory_space<vmem_shared>> -> memref<10240x128xf32, #tpu.memory_space<vmem_shared>>
    %dma_wait3A_66 = tpu.memref_slice %arg20[%dma_wait3A_62] : memref<5x!tpu.dma_semaphore, #tpu.memory_space<semaphore_mem>> -> memref<1x!tpu.dma_semaphore, #tpu.memory_space<semaphore_mem>>
    %dma_wait3A_67 = tpu.memref_squeeze %dma_wait3A_66 : memref<1x!tpu.dma_semaphore, #tpu.memory_space<semaphore_mem>> -> memref<!tpu.dma_semaphore, #tpu.memory_space<semaphore_mem>>
    tpu.wait_indirect_dma semaphore(%dma_wait3A_67 : memref<!tpu.dma_semaphore, #tpu.memory_space<semaphore_mem>>) src(%arg17 : memref<40x128xf32, #tpu.memory_space<vmem>>) dst(%dma_wait3A_65 : memref<10240x128xf32, #tpu.memory_space<vmem_shared>>)
    %barrier3A_68 = arith.constant 0 : index
    tpu.barrier barrier_id(%barrier3A_68)
    %mul3A_69 = arith.constant 640 : i32
    %mul3A_70 = arith.muli %arg1, %mul3A_69 : i32
    %mul3A_71 = arith.constant 640 : i32
    %mul3A_72 = arith.muli %arg1, %mul3A_71 : i32
    "tpu.region"() ({
      %run_scoped3A = tpu.sem_alloc : memref<!tpu.dma_semaphore, #tpu.memory_space<semaphore_mem>>
      %dma_start3A_73 = arith.constant 0 : i32
      %dma_start3A_74 = tpu.memref_slice %arg6[%arg0, %mul3A_72, %dma_start3A_73] : memref<2x10240x128xf32, #tpu.memory_space<hbm>> -> memref<1x640x128xf32, #tpu.memory_space<hbm>>
      %dma_start3A_75 = tpu.memref_squeeze %dma_start3A_74 : memref<1x640x128xf32, #tpu.memory_space<hbm>> -> memref<640x128xf32, #tpu.memory_space<hbm>>
      %dma_start3A_76 = arith.constant 0 : i32
      %dma_start3A_77 = tpu.memref_slice %arg18[%mul3A_70, %dma_start3A_76] : memref<10240x128xf32, #tpu.memory_space<vmem_shared>> -> memref<640x128xf32, #tpu.memory_space<vmem_shared>>
      tpu.enqueue_dma source(%dma_start3A_77 : memref<640x128xf32, #tpu.memory_space<vmem_shared>>) target(%dma_start3A_75 : memref<640x128xf32, #tpu.memory_space<hbm>>) target_semaphore(%run_scoped3A : memref<!tpu.dma_semaphore, #tpu.memory_space<semaphore_mem>>)
      %dma_wait3A_78 = arith.constant 0 : i32
      %dma_wait3A_79 = tpu.memref_slice %arg6[%arg0, %mul3A_72, %dma_wait3A_78] : memref<2x10240x128xf32, #tpu.memory_space<hbm>> -> memref<1x640x128xf32, #tpu.memory_space<hbm>>
      %dma_wait3A_80 = tpu.memref_squeeze %dma_wait3A_79 : memref<1x640x128xf32, #tpu.memory_space<hbm>> -> memref<640x128xf32, #tpu.memory_space<hbm>>
      %dma_wait3A_81 = arith.constant 0 : i32
      %dma_wait3A_82 = tpu.memref_slice %arg18[%mul3A_70, %dma_wait3A_81] : memref<10240x128xf32, #tpu.memory_space<vmem_shared>> -> memref<640x128xf32, #tpu.memory_space<vmem_shared>>
      tpu.wait_dma2 semaphore(%run_scoped3A : memref<!tpu.dma_semaphore, #tpu.memory_space<semaphore_mem>>) src(%dma_wait3A_82 : memref<640x128xf32, #tpu.memory_space<vmem_shared>>) dst(%dma_wait3A_80 : memref<640x128xf32, #tpu.memory_space<hbm>>)
      tpu.yield
    }) : () -> ()
    return
  }
}

#map = affine_map<(d0, d1) -> (0)>
#map1 = affine_map<(d0, d1) -> (0, 0, 0)>
module attributes {stable_mosaic.version = 14 : i64} {
  func.func @_deg_kernel(%arg0: i32, %arg1: i32, %arg2: memref<320000xi32, #tpu.memory_space<hbm>>, %arg3: memref<32x64x160xf32, #tpu.memory_space<hbm>>, %arg4: memref<10000xi32, #tpu.memory_space<vmem>>, %arg5: memref<64x160xf32, #tpu.memory_space<vmem>>) attributes {dimension_semantics = [#tpu.dimension_semantics<core_parallel>, #tpu.dimension_semantics<subcore_parallel>], iteration_bounds = array<i64: 2, 16>, scalar_prefetch = 0 : i64, scratch_operands = 2 : i64, tpu.core_type = #tpu.core_type<sc_vector_subcore>, window_params = [{transform_indices = #map}, {transform_indices = #map1}]} {
    %mul3A = arith.constant 2 : i32
    %mul3A_0 = arith.muli %arg1, %mul3A : i32
    %add3A = arith.addi %mul3A_0, %arg0 : i32
    %broadcast_in_dim3A = arith.constant 0.000000e+00 : f32
    %broadcast_in_dim3A_1 = vector.broadcast %broadcast_in_dim3A : f32 to vector<16xf32>
    %scan3A = arith.constant 0 : i32
    %scan3A_2 = arith.constant 0 : i32
    %scan3A_3 = arith.constant 640 : i32
    %scan3A_4 = arith.addi %scan3A_2, %scan3A_3 : i32
    %scan3A_5 = arith.constant 1 : i32
    scf.for %scan3A_17 = %scan3A_2 to %scan3A_4 step %scan3A_5  : i32 {
      %jit3A = arith.constant 10 : i32
      %div3A = arith.divsi %scan3A_17, %jit3A : i32
      %sign3A = arith.constant 0 : i32
      %sign3A_18 = arith.cmpi sgt, %scan3A_17, %sign3A : i32
      %sign3A_19 = arith.extui %sign3A_18 : i1 to i32
      %sign3A_20 = arith.constant 0 : i32
      %sign3A_21 = arith.cmpi slt, %scan3A_17, %sign3A_20 : i32
      %sign3A_22 = arith.extui %sign3A_21 : i1 to i32
      %sign3A_23 = arith.subi %sign3A_19, %sign3A_22 : i32
      %sign3A_24 = arith.constant 0 : i32
      %sign3A_25 = arith.cmpi sgt, %jit3A, %sign3A_24 : i32
      %sign3A_26 = arith.extui %sign3A_25 : i1 to i32
      %sign3A_27 = arith.constant 0 : i32
      %sign3A_28 = arith.cmpi slt, %jit3A, %sign3A_27 : i32
      %sign3A_29 = arith.extui %sign3A_28 : i1 to i32
      %sign3A_30 = arith.subi %sign3A_26, %sign3A_29 : i32
      %ne3A = arith.cmpi ne, %sign3A_23, %sign3A_30 : i32
      %rem3A = arith.remsi %scan3A_17, %jit3A : i32
      %ne3A_31 = arith.constant 0 : i32
      %ne3A_32 = arith.cmpi ne, %rem3A, %ne3A_31 : i32
      %and3A = arith.andi %ne3A, %ne3A_32 : i1
      %sub3A = arith.constant 1 : i32
      %sub3A_33 = arith.subi %div3A, %sub3A : i32
      %select_n3A = arith.select %and3A, %sub3A_33, %div3A : i32
      %jit3A_34 = arith.constant 10 : i32
      %eq3A = arith.constant 0 : i32
      %eq3A_35 = arith.cmpi eq, %jit3A_34, %eq3A : i32
      %jit3A_36 = arith.constant 1 : i32
      %select_n3A_37 = arith.select %eq3A_35, %jit3A_36, %jit3A_34 : i32
      %rem3A_38 = arith.remsi %scan3A_17, %select_n3A_37 : i32
      %ne3A_39 = arith.constant 0 : i32
      %ne3A_40 = arith.cmpi ne, %rem3A_38, %ne3A_39 : i32
      %lt3A = arith.constant 0 : i32
      %lt3A_41 = arith.cmpi slt, %rem3A_38, %lt3A : i32
      %lt3A_42 = arith.constant 0 : i32
      %lt3A_43 = arith.cmpi slt, %select_n3A_37, %lt3A_42 : i32
      %ne3A_44 = arith.xori %lt3A_41, %lt3A_43 : i1
      %and3A_45 = arith.andi %ne3A_44, %ne3A_40 : i1
      %add3A_46 = arith.addi %rem3A_38, %select_n3A_37 : i32
      %select_n3A_47 = arith.select %and3A_45, %add3A_46, %rem3A_38 : i32
      %mul3A_48 = arith.constant 16 : i32
      %mul3A_49 = arith.muli %select_n3A_47, %mul3A_48 : i32
      %swap3A = arith.index_cast %select_n3A : i32 to index
      %swap3A_50 = arith.index_cast %mul3A_49 : i32 to index
      %swap3A_51 = tpu.vector_load %arg5[%swap3A, %swap3A_50] {strides = array<i32>} : memref<64x160xf32, #tpu.memory_space<vmem>>, vector<16xf32>,
      tpu.vector_store %arg5[%swap3A, %swap3A_50], %broadcast_in_dim3A_1 {strides = array<i32>} : memref<64x160xf32, #tpu.memory_space<vmem>>, vector<16xf32>,
    }
    %scan3A_6 = arith.constant 640 : i32
    %mul3A_7 = arith.constant 10000 : i32
    %mul3A_8 = arith.muli %add3A, %mul3A_7 : i32
    "tpu.region"() ({
      %run_scoped3A = tpu.sem_alloc : memref<!tpu.dma_semaphore, #tpu.memory_space<semaphore_mem>>
      %dma_start3A = tpu.memref_slice %arg2[%mul3A_8] : memref<320000xi32, #tpu.memory_space<hbm>> -> memref<10000xi32, #tpu.memory_space<hbm>>
      %dma_start3A_17 = tpu.memref_slice %arg2[%mul3A_8] : memref<320000xi32, #tpu.memory_space<hbm>> -> memref<10000xi32, #tpu.memory_space<hbm>>
      tpu.enqueue_dma source(%dma_start3A_17 : memref<10000xi32, #tpu.memory_space<hbm>>) target(%arg4 : memref<10000xi32, #tpu.memory_space<vmem>>) target_semaphore(%run_scoped3A : memref<!tpu.dma_semaphore, #tpu.memory_space<semaphore_mem>>)
      %dma_wait3A = tpu.memref_slice %arg2[%mul3A_8] : memref<320000xi32, #tpu.memory_space<hbm>> -> memref<10000xi32, #tpu.memory_space<hbm>>
      %dma_wait3A_18 = tpu.memref_slice %arg2[%mul3A_8] : memref<320000xi32, #tpu.memory_space<hbm>> -> memref<10000xi32, #tpu.memory_space<hbm>>
      tpu.wait_dma2 semaphore(%run_scoped3A : memref<!tpu.dma_semaphore, #tpu.memory_space<semaphore_mem>>) src(%dma_wait3A_18 : memref<10000xi32, #tpu.memory_space<hbm>>) dst(%arg4 : memref<10000xi32, #tpu.memory_space<vmem>>)
      tpu.yield
    }) : () -> ()
    %broadcast_in_dim3A_9 = arith.constant 1.000000e+00 : f32
    %broadcast_in_dim3A_10 = vector.broadcast %broadcast_in_dim3A_9 : f32 to vector<16xf32>
    %scan3A_11 = arith.constant 0 : i32
    %scan3A_12 = arith.constant 0 : i32
    %scan3A_13 = arith.constant 625 : i32
    %scan3A_14 = arith.addi %scan3A_12, %scan3A_13 : i32
    %scan3A_15 = arith.constant 1 : i32
    scf.for %scan3A_17 = %scan3A_12 to %scan3A_14 step %scan3A_15  : i32 {
      %mul3A_18 = arith.constant 16 : i32
      %mul3A_19 = arith.muli %scan3A_17, %mul3A_18 : i32
      %get3A = arith.index_cast %mul3A_19 : i32 to index
      %get3A_20 = tpu.vector_load %arg4[%get3A] {strides = array<i32>} : memref<10000xi32, #tpu.memory_space<vmem>>, vector<16xi32>,
      %jit3A = arith.constant 160 : i32
      %div3A = vector.broadcast %jit3A : i32 to vector<16xi32>
      %div3A_21 = arith.divsi %get3A_20, %div3A : vector<16xi32>
      %sign3A = arith.constant 0 : i32
      %sign3A_22 = vector.broadcast %sign3A : i32 to vector<16xi32>
      %sign3A_23 = arith.cmpi sgt, %get3A_20, %sign3A_22 : vector<16xi32>
      %sign3A_24 = arith.extui %sign3A_23 : vector<16xi1> to vector<16xi32>
      %sign3A_25 = arith.constant 0 : i32
      %sign3A_26 = vector.broadcast %sign3A_25 : i32 to vector<16xi32>
      %sign3A_27 = arith.cmpi slt, %get3A_20, %sign3A_26 : vector<16xi32>
      %sign3A_28 = arith.extui %sign3A_27 : vector<16xi1> to vector<16xi32>
      %sign3A_29 = arith.subi %sign3A_24, %sign3A_28 : vector<16xi32>
      %sign3A_30 = arith.constant 0 : i32
      %sign3A_31 = arith.cmpi sgt, %jit3A, %sign3A_30 : i32
      %sign3A_32 = arith.extui %sign3A_31 : i1 to i32
      %sign3A_33 = arith.constant 0 : i32
      %sign3A_34 = arith.cmpi slt, %jit3A, %sign3A_33 : i32
      %sign3A_35 = arith.extui %sign3A_34 : i1 to i32
      %sign3A_36 = arith.subi %sign3A_32, %sign3A_35 : i32
      %ne3A = vector.broadcast %sign3A_36 : i32 to vector<16xi32>
      %ne3A_37 = arith.cmpi ne, %sign3A_29, %ne3A : vector<16xi32>
      %rem3A = vector.broadcast %jit3A : i32 to vector<16xi32>
      %rem3A_38 = arith.remsi %get3A_20, %rem3A : vector<16xi32>
      %ne3A_39 = arith.constant 0 : i32
      %ne3A_40 = vector.broadcast %ne3A_39 : i32 to vector<16xi32>
      %ne3A_41 = arith.cmpi ne, %rem3A_38, %ne3A_40 : vector<16xi32>
      %and3A = arith.andi %ne3A_37, %ne3A_41 : vector<16xi1>
      %sub3A = arith.constant 1 : i32
      %sub3A_42 = vector.broadcast %sub3A : i32 to vector<16xi32>
      %sub3A_43 = arith.subi %div3A_21, %sub3A_42 : vector<16xi32>
      %select_n3A = arith.select %and3A, %sub3A_43, %div3A_21 : vector<16xi1>, vector<16xi32>
      %jit3A_44 = arith.constant 160 : i32
      %eq3A = arith.constant 0 : i32
      %eq3A_45 = arith.cmpi eq, %jit3A_44, %eq3A : i32
      %jit3A_46 = arith.constant 1 : i32
      %select_n3A_47 = arith.select %eq3A_45, %jit3A_46, %jit3A_44 : i32
      %rem3A_48 = vector.broadcast %select_n3A_47 : i32 to vector<16xi32>
      %rem3A_49 = arith.remsi %get3A_20, %rem3A_48 : vector<16xi32>
      %ne3A_50 = arith.constant 0 : i32
      %ne3A_51 = vector.broadcast %ne3A_50 : i32 to vector<16xi32>
      %ne3A_52 = arith.cmpi ne, %rem3A_49, %ne3A_51 : vector<16xi32>
      %lt3A = arith.constant 0 : i32
      %lt3A_53 = vector.broadcast %lt3A : i32 to vector<16xi32>
      %lt3A_54 = arith.cmpi slt, %rem3A_49, %lt3A_53 : vector<16xi32>
      %lt3A_55 = arith.constant 0 : i32
      %lt3A_56 = arith.cmpi slt, %select_n3A_47, %lt3A_55 : i32
      %ne3A_57 = vector.broadcast %lt3A_56 : i1 to vector<16xi1>
      %ne3A_58 = vector.broadcast %ne3A_57 : vector<16xi1> to vector<16xi1>
      %ne3A_59 = arith.xori %lt3A_54, %ne3A_58 : vector<16xi1>
      %and3A_60 = arith.andi %ne3A_59, %ne3A_52 : vector<16xi1>
      %add3A_61 = vector.broadcast %select_n3A_47 : i32 to vector<16xi32>
      %add3A_62 = arith.addi %rem3A_49, %add3A_61 : vector<16xi32>
      %select_n3A_63 = arith.select %and3A_60, %add3A_62, %rem3A_49 : vector<16xi1>, vector<16xi32>
      tpu.vector_store_idx %arg5[%select_n3A, %select_n3A_63], %broadcast_in_dim3A_10 {add = true} : memref<64x160xf32, #tpu.memory_space<vmem>>[vector<16xi32>, vector<16xi32>], vector<16xf32>,
    }
    %scan3A_16 = arith.constant 625 : i32
    "tpu.region"() ({
      %run_scoped3A = tpu.sem_alloc : memref<!tpu.dma_semaphore, #tpu.memory_space<semaphore_mem>>
      %dma_start3A = arith.constant 0 : i32
      %dma_start3A_17 = arith.constant 0 : i32
      %dma_start3A_18 = tpu.memref_slice %arg3[%add3A, %dma_start3A, %dma_start3A_17] : memref<32x64x160xf32, #tpu.memory_space<hbm>> -> memref<1x64x160xf32, #tpu.memory_space<hbm>>
      %dma_start3A_19 = tpu.memref_squeeze %dma_start3A_18 : memref<1x64x160xf32, #tpu.memory_space<hbm>> -> memref<64x160xf32, #tpu.memory_space<hbm>>
      %dma_start3A_20 = arith.constant 0 : i32
      %dma_start3A_21 = arith.constant 0 : i32
      %dma_start3A_22 = tpu.memref_slice %arg3[%add3A, %dma_start3A_20, %dma_start3A_21] : memref<32x64x160xf32, #tpu.memory_space<hbm>> -> memref<1x64x160xf32, #tpu.memory_space<hbm>>
      %dma_start3A_23 = tpu.memref_squeeze %dma_start3A_22 : memref<1x64x160xf32, #tpu.memory_space<hbm>> -> memref<64x160xf32, #tpu.memory_space<hbm>>
      tpu.enqueue_dma source(%arg5 : memref<64x160xf32, #tpu.memory_space<vmem>>) target(%dma_start3A_23 : memref<64x160xf32, #tpu.memory_space<hbm>>) target_semaphore(%run_scoped3A : memref<!tpu.dma_semaphore, #tpu.memory_space<semaphore_mem>>)
      %dma_wait3A = arith.constant 0 : i32
      %dma_wait3A_24 = arith.constant 0 : i32
      %dma_wait3A_25 = tpu.memref_slice %arg3[%add3A, %dma_wait3A, %dma_wait3A_24] : memref<32x64x160xf32, #tpu.memory_space<hbm>> -> memref<1x64x160xf32, #tpu.memory_space<hbm>>
      %dma_wait3A_26 = tpu.memref_squeeze %dma_wait3A_25 : memref<1x64x160xf32, #tpu.memory_space<hbm>> -> memref<64x160xf32, #tpu.memory_space<hbm>>
      %dma_wait3A_27 = arith.constant 0 : i32
      %dma_wait3A_28 = arith.constant 0 : i32
      %dma_wait3A_29 = tpu.memref_slice %arg3[%add3A, %dma_wait3A_27, %dma_wait3A_28] : memref<32x64x160xf32, #tpu.memory_space<hbm>> -> memref<1x64x160xf32, #tpu.memory_space<hbm>>
      %dma_wait3A_30 = tpu.memref_squeeze %dma_wait3A_29 : memref<1x64x160xf32, #tpu.memory_space<hbm>> -> memref<64x160xf32, #tpu.memory_space<hbm>>
      tpu.wait_dma2 semaphore(%run_scoped3A : memref<!tpu.dma_semaphore, #tpu.memory_space<semaphore_mem>>) src(%arg5 : memref<64x160xf32, #tpu.memory_space<vmem>>) dst(%dma_wait3A_30 : memref<64x160xf32, #tpu.memory_space<hbm>>)
      tpu.yield
    }) : () -> ()
    return
  }
}

#map = affine_map<(d0, d1) -> (0, 0)>
#map1 = affine_map<(d0, d1) -> (0)>
#map2 = affine_map<(d0, d1) -> (0, 0, 0)>
module attributes {stable_mosaic.version = 14 : i64} {
  func.func @agg(%arg0: i32, %arg1: i32, %arg2: memref<10000x128xf32, #tpu.memory_space<hbm>>, %arg3: memref<320000xi32, #tpu.memory_space<hbm>>, %arg4: memref<320000xi32, #tpu.memory_space<hbm>>, %arg5: memref<640x128xf32, #tpu.memory_space<hbm>>, %arg6: memref<2x10240x128xf32, #tpu.memory_space<hbm>>, %arg7: memref<10000xi32, #tpu.memory_space<vmem>>, %arg8: memref<40xi32, #tpu.memory_space<vmem>>, %arg9: memref<40xi32, #tpu.memory_space<vmem>>, %arg10: memref<40xi32, #tpu.memory_space<vmem>>, %arg11: memref<40xi32, #tpu.memory_space<vmem>>, %arg12: memref<40xi32, #tpu.memory_space<vmem>>, %arg13: memref<40x128xf32, #tpu.memory_space<vmem>>, %arg14: memref<40x128xf32, #tpu.memory_space<vmem>>, %arg15: memref<40x128xf32, #tpu.memory_space<vmem>>, %arg16: memref<40x128xf32, #tpu.memory_space<vmem>>, %arg17: memref<40x128xf32, #tpu.memory_space<vmem>>, %arg18: memref<10240x128xf32, #tpu.memory_space<vmem_shared>>, %arg19: memref<5x!tpu.dma_semaphore, #tpu.memory_space<semaphore_mem>>, %arg20: memref<5x!tpu.dma_semaphore, #tpu.memory_space<semaphore_mem>>, %arg21: memref<5x!tpu.dma_semaphore, #tpu.memory_space<semaphore_mem>>) attributes {dimension_semantics = [#tpu.dimension_semantics<core_parallel>, #tpu.dimension_semantics<subcore_parallel>], iteration_bounds = array<i64: 2, 16>, scalar_prefetch = 0 : i64, scratch_operands = 15 : i64, tpu.core_type = #tpu.core_type<sc_vector_subcore>, window_params = [{transform_indices = #map}, {transform_indices = #map1}, {transform_indices = #map1}, {transform_indices = #map}, {transform_indices = #map2}]} {
    %mul3A = arith.constant 2 : i32
    %mul3A_0 = arith.muli %arg1, %mul3A : i32
    %add3A = arith.addi %mul3A_0, %arg0 : i32
    %mul3A_1 = arith.constant 10000 : i32
    %mul3A_2 = arith.muli %add3A, %mul3A_1 : i32
    %mul3A_3 = arith.constant 640 : i32
    %mul3A_4 = arith.muli %arg1, %mul3A_3 : i32
    "tpu.region"() ({
      %run_scoped3A = tpu.sem_alloc : memref<!tpu.dma_semaphore, #tpu.memory_space<semaphore_mem>>
      %dma_start3A_73 = arith.constant 0 : i32
      %dma_start3A_74 = tpu.memref_slice %arg18[%mul3A_4, %dma_start3A_73] : memref<10240x128xf32, #tpu.memory_space<vmem_shared>> -> memref<640x128xf32, #tpu.memory_space<vmem_shared>>
      tpu.enqueue_dma source(%arg5 : memref<640x128xf32, #tpu.memory_space<hbm>>) target(%dma_start3A_74 : memref<640x128xf32, #tpu.memory_space<vmem_shared>>) target_semaphore(%run_scoped3A : memref<!tpu.dma_semaphore, #tpu.memory_space<semaphore_mem>>)
      %dma_wait3A_75 = arith.constant 0 : i32
      %dma_wait3A_76 = tpu.memref_slice %arg18[%mul3A_4, %dma_wait3A_75] : memref<10240x128xf32, #tpu.memory_space<vmem_shared>> -> memref<640x128xf32, #tpu.memory_space<vmem_shared>>
      tpu.wait_dma2 semaphore(%run_scoped3A : memref<!tpu.dma_semaphore, #tpu.memory_space<semaphore_mem>>) src(%arg5 : memref<640x128xf32, #tpu.memory_space<hbm>>) dst(%dma_wait3A_76 : memref<640x128xf32, #tpu.memory_space<vmem_shared>>)
      tpu.yield
    }) : () -> ()
    "tpu.region"() ({
      %run_scoped3A = tpu.sem_alloc : memref<!tpu.dma_semaphore, #tpu.memory_space<semaphore_mem>>
      %dma_start3A_73 = tpu.memref_slice %arg3[%mul3A_2] : memref<320000xi32, #tpu.memory_space<hbm>> -> memref<10000xi32, #tpu.memory_space<hbm>>
      %dma_start3A_74 = tpu.memref_slice %arg3[%mul3A_2] : memref<320000xi32, #tpu.memory_space<hbm>> -> memref<10000xi32, #tpu.memory_space<hbm>>
      tpu.enqueue_dma source(%dma_start3A_74 : memref<10000xi32, #tpu.memory_space<hbm>>) target(%arg7 : memref<10000xi32, #tpu.memory_space<vmem>>) target_semaphore(%run_scoped3A : memref<!tpu.dma_semaphore, #tpu.memory_space<semaphore_mem>>)
      %dma_wait3A_75 = tpu.memref_slice %arg3[%mul3A_2] : memref<320000xi32, #tpu.memory_space<hbm>> -> memref<10000xi32, #tpu.memory_space<hbm>>
      %dma_wait3A_76 = tpu.memref_slice %arg3[%mul3A_2] : memref<320000xi32, #tpu.memory_space<hbm>> -> memref<10000xi32, #tpu.memory_space<hbm>>
      tpu.wait_dma2 semaphore(%run_scoped3A : memref<!tpu.dma_semaphore, #tpu.memory_space<semaphore_mem>>) src(%dma_wait3A_76 : memref<10000xi32, #tpu.memory_space<hbm>>) dst(%arg7 : memref<10000xi32, #tpu.memory_space<vmem>>)
      tpu.yield
    }) : () -> ()
    %barrier3A = arith.constant 0 : index
    tpu.barrier barrier_id(%barrier3A)
    %add3A_5 = arith.constant 0 : i32
    %add3A_6 = arith.addi %mul3A_2, %add3A_5 : i32
    %dma_start3A = arith.constant 0 : i32
    %dma_start3A_7 = tpu.memref_slice %arg4[%add3A_6] : memref<320000xi32, #tpu.memory_space<hbm>> -> memref<40xi32, #tpu.memory_space<hbm>>
    %dma_start3A_8 = tpu.memref_slice %arg21[%dma_start3A] : memref<5x!tpu.dma_semaphore, #tpu.memory_space<semaphore_mem>> -> memref<1x!tpu.dma_semaphore, #tpu.memory_space<semaphore_mem>>
    %dma_start3A_9 = tpu.memref_squeeze %dma_start3A_8 : memref<1x!tpu.dma_semaphore, #tpu.memory_space<semaphore_mem>> -> memref<!tpu.dma_semaphore, #tpu.memory_space<semaphore_mem>>
    %dma_start3A_10 = tpu.memref_slice %arg4[%add3A_6] : memref<320000xi32, #tpu.memory_space<hbm>> -> memref<40xi32, #tpu.memory_space<hbm>>
    tpu.enqueue_dma source(%dma_start3A_10 : memref<40xi32, #tpu.memory_space<hbm>>) target(%arg8 : memref<40xi32, #tpu.memory_space<vmem>>) target_semaphore(%dma_start3A_9 : memref<!tpu.dma_semaphore, #tpu.memory_space<semaphore_mem>>)
    %dma_start3A_11 = arith.constant 0 : i32
    %dma_start3A_12 = arith.constant 0 : i32
    %dma_start3A_13 = tpu.memref_slice %arg7[%dma_start3A_12] : memref<10000xi32, #tpu.memory_space<vmem>> -> memref<40xi32, #tpu.memory_space<vmem>>
    %dma_start3A_14 = arith.constant 0 : i32
    %dma_start3A_15 = arith.constant 0 : i32
    %dma_start3A_16 = tpu.memref_slice %arg2[%dma_start3A_14, %dma_start3A_15] : memref<10000x128xf32, #tpu.memory_space<hbm>> -> memref<10000x128xf32, #tpu.memory_space<hbm>>
    %dma_start3A_17 = tpu.memref_slice %arg19[%dma_start3A_11] : memref<5x!tpu.dma_semaphore, #tpu.memory_space<semaphore_mem>> -> memref<1x!tpu.dma_semaphore, #tpu.memory_space<semaphore_mem>>
    %dma_start3A_18 = tpu.memref_squeeze %dma_start3A_17 : memref<1x!tpu.dma_semaphore, #tpu.memory_space<semaphore_mem>> -> memref<!tpu.dma_semaphore, #tpu.memory_space<semaphore_mem>>
    tpu.enqueue_indirect_dma source(%dma_start3A_16 : memref<10000x128xf32, #tpu.memory_space<hbm>>) target(%arg13 : memref<40x128xf32, #tpu.memory_space<vmem>>) offsets(%dma_start3A_13 : memref<40xi32, #tpu.memory_space<vmem>>) semaphore(%dma_start3A_18 : memref<!tpu.dma_semaphore, #tpu.memory_space<semaphore_mem>>)
    %add3A_19 = arith.constant 40 : i32
    %add3A_20 = arith.addi %mul3A_2, %add3A_19 : i32
    %dma_start3A_21 = arith.constant 1 : i32
    %dma_start3A_22 = tpu.memref_slice %arg4[%add3A_20] : memref<320000xi32, #tpu.memory_space<hbm>> -> memref<40xi32, #tpu.memory_space<hbm>>
    %dma_start3A_23 = tpu.memref_slice %arg21[%dma_start3A_21] : memref<5x!tpu.dma_semaphore, #tpu.memory_space<semaphore_mem>> -> memref<1x!tpu.dma_semaphore, #tpu.memory_space<semaphore_mem>>
    %dma_start3A_24 = tpu.memref_squeeze %dma_start3A_23 : memref<1x!tpu.dma_semaphore, #tpu.memory_space<semaphore_mem>> -> memref<!tpu.dma_semaphore, #tpu.memory_space<semaphore_mem>>
    %dma_start3A_25 = tpu.memref_slice %arg4[%add3A_20] : memref<320000xi32, #tpu.memory_space<hbm>> -> memref<40xi32, #tpu.memory_space<hbm>>
    tpu.enqueue_dma source(%dma_start3A_25 : memref<40xi32, #tpu.memory_space<hbm>>) target(%arg9 : memref<40xi32, #tpu.memory_space<vmem>>) target_semaphore(%dma_start3A_24 : memref<!tpu.dma_semaphore, #tpu.memory_space<semaphore_mem>>)
    %dma_start3A_26 = arith.constant 1 : i32
    %dma_start3A_27 = arith.constant 40 : i32
    %dma_start3A_28 = tpu.memref_slice %arg7[%dma_start3A_27] : memref<10000xi32, #tpu.memory_space<vmem>> -> memref<40xi32, #tpu.memory_space<vmem>>
    %dma_start3A_29 = arith.constant 0 : i32
    %dma_start3A_30 = arith.constant 0 : i32
    %dma_start3A_31 = tpu.memref_slice %arg2[%dma_start3A_29, %dma_start3A_30] : memref<10000x128xf32, #tpu.memory_space<hbm>> -> memref<10000x128xf32, #tpu.memory_space<hbm>>
    %dma_start3A_32 = tpu.memref_slice %arg19[%dma_start3A_26] : memref<5x!tpu.dma_semaphore, #tpu.memory_space<semaphore_mem>> -> memref<1x!tpu.dma_semaphore, #tpu.memory_space<semaphore_mem>>
    %dma_start3A_33 = tpu.memref_squeeze %dma_start3A_32 : memref<1x!tpu.dma_semaphore, #tpu.memory_space<semaphore_mem>> -> memref<!tpu.dma_semaphore, #tpu.memory_space<semaphore_mem>>
    tpu.enqueue_indirect_dma source(%dma_start3A_31 : memref<10000x128xf32, #tpu.memory_space<hbm>>) target(%arg14 : memref<40x128xf32, #tpu.memory_space<vmem>>) offsets(%dma_start3A_28 : memref<40xi32, #tpu.memory_space<vmem>>) semaphore(%dma_start3A_33 : memref<!tpu.dma_semaphore, #tpu.memory_space<semaphore_mem>>)
    %scan3A = arith.constant 0 : i32
    %scan3A_34 = arith.constant 0 : i32
    %scan3A_35 = arith.constant 50 : i32
    %scan3A_36 = arith.addi %scan3A_34, %scan3A_35 : i32
    %scan3A_37 = arith.constant 1 : i32
    scf.for %scan3A_73 = %scan3A_34 to %scan3A_36 step %scan3A_37  : i32 {
      %mul3A_74 = arith.constant 5 : i32
      %mul3A_75 = arith.muli %scan3A_73, %mul3A_74 : i32
      %add3A_76 = arith.constant 0 : i32
      %add3A_77 = arith.addi %mul3A_75, %add3A_76 : i32
      %add3A_78 = arith.constant 2 : i32
      %add3A_79 = arith.addi %add3A_77, %add3A_78 : i32
      %lt3A = arith.constant 250 : i32
      %lt3A_80 = arith.cmpi slt, %add3A_79, %lt3A : i32
      %ge3A = arith.constant 3 : i32
      %ge3A_81 = arith.cmpi sge, %add3A_77, %ge3A : i32
      %and3A = arith.andi %lt3A_80, %ge3A_81 : i1
      %convert_element_type3A = arith.extui %and3A : i1 to i32
      %cond3A = arith.constant 0 : i32
      %cond3A_82 = arith.cmpi ne, %convert_element_type3A, %cond3A : i32
      scf.if %cond3A_82 {
        %dma_wait3A_279 = arith.constant 2 : i32
        %dma_wait3A_280 = arith.constant 0 : i32
        %dma_wait3A_281 = arith.constant 0 : i32
        %dma_wait3A_282 = tpu.memref_slice %arg18[%dma_wait3A_280, %dma_wait3A_281] : memref<10240x128xf32, #tpu.memory_space<vmem_shared>> -> memref<10240x128xf32, #tpu.memory_space<vmem_shared>>
        %dma_wait3A_283 = tpu.memref_slice %arg20[%dma_wait3A_279] : memref<5x!tpu.dma_semaphore, #tpu.memory_space<semaphore_mem>> -> memref<1x!tpu.dma_semaphore, #tpu.memory_space<semaphore_mem>>
        %dma_wait3A_284 = tpu.memref_squeeze %dma_wait3A_283 : memref<1x!tpu.dma_semaphore, #tpu.memory_space<semaphore_mem>> -> memref<!tpu.dma_semaphore, #tpu.memory_space<semaphore_mem>>
        tpu.wait_indirect_dma semaphore(%dma_wait3A_284 : memref<!tpu.dma_semaphore, #tpu.memory_space<semaphore_mem>>) src(%arg15 : memref<40x128xf32, #tpu.memory_space<vmem>>) dst(%dma_wait3A_282 : memref<10240x128xf32, #tpu.memory_space<vmem_shared>>)
      } else {
      }
      %lt3A_83 = arith.constant 250 : i32
      %lt3A_84 = arith.cmpi slt, %add3A_79, %lt3A_83 : i32
      %convert_element_type3A_85 = arith.extui %lt3A_84 : i1 to i32
      %cond3A_86 = arith.constant 0 : i32
      %cond3A_87 = arith.cmpi ne, %convert_element_type3A_85, %cond3A_86 : i32
      scf.if %cond3A_87 {
        %mul3A_279 = arith.constant 40 : i32
        %mul3A_280 = arith.muli %add3A_79, %mul3A_279 : i32
        %add3A_281 = arith.addi %mul3A_2, %mul3A_280 : i32
        %dma_start3A_282 = arith.constant 2 : i32
        %dma_start3A_283 = tpu.memref_slice %arg4[%add3A_281] : memref<320000xi32, #tpu.memory_space<hbm>> -> memref<40xi32, #tpu.memory_space<hbm>>
        %dma_start3A_284 = tpu.memref_slice %arg21[%dma_start3A_282] : memref<5x!tpu.dma_semaphore, #tpu.memory_space<semaphore_mem>> -> memref<1x!tpu.dma_semaphore, #tpu.memory_space<semaphore_mem>>
        %dma_start3A_285 = tpu.memref_squeeze %dma_start3A_284 : memref<1x!tpu.dma_semaphore, #tpu.memory_space<semaphore_mem>> -> memref<!tpu.dma_semaphore, #tpu.memory_space<semaphore_mem>>
        %dma_start3A_286 = tpu.memref_slice %arg4[%add3A_281] : memref<320000xi32, #tpu.memory_space<hbm>> -> memref<40xi32, #tpu.memory_space<hbm>>
        tpu.enqueue_dma source(%dma_start3A_286 : memref<40xi32, #tpu.memory_space<hbm>>) target(%arg10 : memref<40xi32, #tpu.memory_space<vmem>>) target_semaphore(%dma_start3A_285 : memref<!tpu.dma_semaphore, #tpu.memory_space<semaphore_mem>>)
        %mul3A_287 = arith.constant 40 : i32
        %mul3A_288 = arith.muli %add3A_79, %mul3A_287 : i32
        %dma_start3A_289 = arith.constant 2 : i32
        %dma_start3A_290 = tpu.memref_slice %arg7[%mul3A_288] : memref<10000xi32, #tpu.memory_space<vmem>> -> memref<40xi32, #tpu.memory_space<vmem>>
        %dma_start3A_291 = arith.constant 0 : i32
        %dma_start3A_292 = arith.constant 0 : i32
        %dma_start3A_293 = tpu.memref_slice %arg2[%dma_start3A_291, %dma_start3A_292] : memref<10000x128xf32, #tpu.memory_space<hbm>> -> memref<10000x128xf32, #tpu.memory_space<hbm>>
        %dma_start3A_294 = tpu.memref_slice %arg19[%dma_start3A_289] : memref<5x!tpu.dma_semaphore, #tpu.memory_space<semaphore_mem>> -> memref<1x!tpu.dma_semaphore, #tpu.memory_space<semaphore_mem>>
        %dma_start3A_295 = tpu.memref_squeeze %dma_start3A_294 : memref<1x!tpu.dma_semaphore, #tpu.memory_space<semaphore_mem>> -> memref<!tpu.dma_semaphore, #tpu.memory_space<semaphore_mem>>
        tpu.enqueue_indirect_dma source(%dma_start3A_293 : memref<10000x128xf32, #tpu.memory_space<hbm>>) target(%arg15 : memref<40x128xf32, #tpu.memory_space<vmem>>) offsets(%dma_start3A_290 : memref<40xi32, #tpu.memory_space<vmem>>) semaphore(%dma_start3A_295 : memref<!tpu.dma_semaphore, #tpu.memory_space<semaphore_mem>>)
      } else {
      }
      %mul3A_88 = arith.constant 40 : i32
      %mul3A_89 = arith.muli %add3A_77, %mul3A_88 : i32
      %dma_wait3A_90 = arith.constant 0 : i32
      %dma_wait3A_91 = tpu.memref_slice %arg7[%mul3A_89] : memref<10000xi32, #tpu.memory_space<vmem>> -> memref<40xi32, #tpu.memory_space<vmem>>
      %dma_wait3A_92 = arith.constant 0 : i32
      %dma_wait3A_93 = arith.constant 0 : i32
      %dma_wait3A_94 = tpu.memref_slice %arg2[%dma_wait3A_92, %dma_wait3A_93] : memref<10000x128xf32, #tpu.memory_space<hbm>> -> memref<10000x128xf32, #tpu.memory_space<hbm>>
      %dma_wait3A_95 = tpu.memref_slice %arg19[%dma_wait3A_90] : memref<5x!tpu.dma_semaphore, #tpu.memory_space<semaphore_mem>> -> memref<1x!tpu.dma_semaphore, #tpu.memory_space<semaphore_mem>>
      %dma_wait3A_96 = tpu.memref_squeeze %dma_wait3A_95 : memref<1x!tpu.dma_semaphore, #tpu.memory_space<semaphore_mem>> -> memref<!tpu.dma_semaphore, #tpu.memory_space<semaphore_mem>>
      tpu.wait_indirect_dma semaphore(%dma_wait3A_96 : memref<!tpu.dma_semaphore, #tpu.memory_space<semaphore_mem>>) src(%dma_wait3A_94 : memref<10000x128xf32, #tpu.memory_space<hbm>>) dst(%arg13 : memref<40x128xf32, #tpu.memory_space<vmem>>)
      %mul3A_97 = arith.constant 40 : i32
      %mul3A_98 = arith.muli %add3A_77, %mul3A_97 : i32
      %add3A_99 = arith.addi %mul3A_2, %mul3A_98 : i32
      %dma_wait3A_100 = arith.constant 0 : i32
      %dma_wait3A_101 = tpu.memref_slice %arg4[%add3A_99] : memref<320000xi32, #tpu.memory_space<hbm>> -> memref<40xi32, #tpu.memory_space<hbm>>
      %dma_wait3A_102 = tpu.memref_slice %arg21[%dma_wait3A_100] : memref<5x!tpu.dma_semaphore, #tpu.memory_space<semaphore_mem>> -> memref<1x!tpu.dma_semaphore, #tpu.memory_space<semaphore_mem>>
      %dma_wait3A_103 = tpu.memref_squeeze %dma_wait3A_102 : memref<1x!tpu.dma_semaphore, #tpu.memory_space<semaphore_mem>> -> memref<!tpu.dma_semaphore, #tpu.memory_space<semaphore_mem>>
      %dma_wait3A_104 = tpu.memref_slice %arg4[%add3A_99] : memref<320000xi32, #tpu.memory_space<hbm>> -> memref<40xi32, #tpu.memory_space<hbm>>
      tpu.wait_dma2 semaphore(%dma_wait3A_103 : memref<!tpu.dma_semaphore, #tpu.memory_space<semaphore_mem>>) src(%dma_wait3A_104 : memref<40xi32, #tpu.memory_space<hbm>>) dst(%arg8 : memref<40xi32, #tpu.memory_space<vmem>>)
      %dma_start3A_105 = arith.constant 0 : i32
      %dma_start3A_106 = arith.constant 0 : i32
      %dma_start3A_107 = arith.constant 0 : i32
      %dma_start3A_108 = tpu.memref_slice %arg18[%dma_start3A_106, %dma_start3A_107] : memref<10240x128xf32, #tpu.memory_space<vmem_shared>> -> memref<10240x128xf32, #tpu.memory_space<vmem_shared>>
      %dma_start3A_109 = tpu.memref_slice %arg20[%dma_start3A_105] : memref<5x!tpu.dma_semaphore, #tpu.memory_space<semaphore_mem>> -> memref<1x!tpu.dma_semaphore, #tpu.memory_space<semaphore_mem>>
      %dma_start3A_110 = tpu.memref_squeeze %dma_start3A_109 : memref<1x!tpu.dma_semaphore, #tpu.memory_space<semaphore_mem>> -> memref<!tpu.dma_semaphore, #tpu.memory_space<semaphore_mem>>
      tpu.enqueue_indirect_dma source(%arg13 : memref<40x128xf32, #tpu.memory_space<vmem>>) target(%dma_start3A_108 : memref<10240x128xf32, #tpu.memory_space<vmem_shared>>) offsets(%arg8 : memref<40xi32, #tpu.memory_space<vmem>>) semaphore(%dma_start3A_110 : memref<!tpu.dma_semaphore, #tpu.memory_space<semaphore_mem>>) {add = true}
      %mul3A_111 = arith.constant 5 : i32
      %mul3A_112 = arith.muli %scan3A_73, %mul3A_111 : i32
      %add3A_113 = arith.constant 1 : i32
      %add3A_114 = arith.addi %mul3A_112, %add3A_113 : i32
      %add3A_115 = arith.constant 2 : i32
      %add3A_116 = arith.addi %add3A_114, %add3A_115 : i32
      %lt3A_117 = arith.constant 250 : i32
      %lt3A_118 = arith.cmpi slt, %add3A_116, %lt3A_117 : i32
      %ge3A_119 = arith.constant 3 : i32
      %ge3A_120 = arith.cmpi sge, %add3A_114, %ge3A_119 : i32
      %and3A_121 = arith.andi %lt3A_118, %ge3A_120 : i1
      %convert_element_type3A_122 = arith.extui %and3A_121 : i1 to i32
      %cond3A_123 = arith.constant 0 : i32
      %cond3A_124 = arith.cmpi ne, %convert_element_type3A_122, %cond3A_123 : i32
      scf.if %cond3A_124 {
        %dma_wait3A_279 = arith.constant 3 : i32
        %dma_wait3A_280 = arith.constant 0 : i32
        %dma_wait3A_281 = arith.constant 0 : i32
        %dma_wait3A_282 = tpu.memref_slice %arg18[%dma_wait3A_280, %dma_wait3A_281] : memref<10240x128xf32, #tpu.memory_space<vmem_shared>> -> memref<10240x128xf32, #tpu.memory_space<vmem_shared>>
        %dma_wait3A_283 = tpu.memref_slice %arg20[%dma_wait3A_279] : memref<5x!tpu.dma_semaphore, #tpu.memory_space<semaphore_mem>> -> memref<1x!tpu.dma_semaphore, #tpu.memory_space<semaphore_mem>>
        %dma_wait3A_284 = tpu.memref_squeeze %dma_wait3A_283 : memref<1x!tpu.dma_semaphore, #tpu.memory_space<semaphore_mem>> -> memref<!tpu.dma_semaphore, #tpu.memory_space<semaphore_mem>>
        tpu.wait_indirect_dma semaphore(%dma_wait3A_284 : memref<!tpu.dma_semaphore, #tpu.memory_space<semaphore_mem>>) src(%arg16 : memref<40x128xf32, #tpu.memory_space<vmem>>) dst(%dma_wait3A_282 : memref<10240x128xf32, #tpu.memory_space<vmem_shared>>)
      } else {
      }
      %lt3A_125 = arith.constant 250 : i32
      %lt3A_126 = arith.cmpi slt, %add3A_116, %lt3A_125 : i32
      %convert_element_type3A_127 = arith.extui %lt3A_126 : i1 to i32
      %cond3A_128 = arith.constant 0 : i32
      %cond3A_129 = arith.cmpi ne, %convert_element_type3A_127, %cond3A_128 : i32
      scf.if %cond3A_129 {
        %mul3A_279 = arith.constant 40 : i32
        %mul3A_280 = arith.muli %add3A_116, %mul3A_279 : i32
        %add3A_281 = arith.addi %mul3A_2, %mul3A_280 : i32
        %dma_start3A_282 = arith.constant 3 : i32
        %dma_start3A_283 = tpu.memref_slice %arg4[%add3A_281] : memref<320000xi32, #tpu.memory_space<hbm>> -> memref<40xi32, #tpu.memory_space<hbm>>
        %dma_start3A_284 = tpu.memref_slice %arg21[%dma_start3A_282] : memref<5x!tpu.dma_semaphore, #tpu.memory_space<semaphore_mem>> -> memref<1x!tpu.dma_semaphore, #tpu.memory_space<semaphore_mem>>
        %dma_start3A_285 = tpu.memref_squeeze %dma_start3A_284 : memref<1x!tpu.dma_semaphore, #tpu.memory_space<semaphore_mem>> -> memref<!tpu.dma_semaphore, #tpu.memory_space<semaphore_mem>>
        %dma_start3A_286 = tpu.memref_slice %arg4[%add3A_281] : memref<320000xi32, #tpu.memory_space<hbm>> -> memref<40xi32, #tpu.memory_space<hbm>>
        tpu.enqueue_dma source(%dma_start3A_286 : memref<40xi32, #tpu.memory_space<hbm>>) target(%arg11 : memref<40xi32, #tpu.memory_space<vmem>>) target_semaphore(%dma_start3A_285 : memref<!tpu.dma_semaphore, #tpu.memory_space<semaphore_mem>>)
        %mul3A_287 = arith.constant 40 : i32
        %mul3A_288 = arith.muli %add3A_116, %mul3A_287 : i32
        %dma_start3A_289 = arith.constant 3 : i32
        %dma_start3A_290 = tpu.memref_slice %arg7[%mul3A_288] : memref<10000xi32, #tpu.memory_space<vmem>> -> memref<40xi32, #tpu.memory_space<vmem>>
        %dma_start3A_291 = arith.constant 0 : i32
        %dma_start3A_292 = arith.constant 0 : i32
        %dma_start3A_293 = tpu.memref_slice %arg2[%dma_start3A_291, %dma_start3A_292] : memref<10000x128xf32, #tpu.memory_space<hbm>> -> memref<10000x128xf32, #tpu.memory_space<hbm>>
        %dma_start3A_294 = tpu.memref_slice %arg19[%dma_start3A_289] : memref<5x!tpu.dma_semaphore, #tpu.memory_space<semaphore_mem>> -> memref<1x!tpu.dma_semaphore, #tpu.memory_space<semaphore_mem>>
        %dma_start3A_295 = tpu.memref_squeeze %dma_start3A_294 : memref<1x!tpu.dma_semaphore, #tpu.memory_space<semaphore_mem>> -> memref<!tpu.dma_semaphore, #tpu.memory_space<semaphore_mem>>
        tpu.enqueue_indirect_dma source(%dma_start3A_293 : memref<10000x128xf32, #tpu.memory_space<hbm>>) target(%arg16 : memref<40x128xf32, #tpu.memory_space<vmem>>) offsets(%dma_start3A_290 : memref<40xi32, #tpu.memory_space<vmem>>) semaphore(%dma_start3A_295 : memref<!tpu.dma_semaphore, #tpu.memory_space<semaphore_mem>>)
      } else {
      }
      %mul3A_130 = arith.constant 40 : i32
      %mul3A_131 = arith.muli %add3A_114, %mul3A_130 : i32
      %dma_wait3A_132 = arith.constant 1 : i32
      %dma_wait3A_133 = tpu.memref_slice %arg7[%mul3A_131] : memref<10000xi32, #tpu.memory_space<vmem>> -> memref<40xi32, #tpu.memory_space<vmem>>
      %dma_wait3A_134 = arith.constant 0 : i32
      %dma_wait3A_135 = arith.constant 0 : i32
      %dma_wait3A_136 = tpu.memref_slice %arg2[%dma_wait3A_134, %dma_wait3A_135] : memref<10000x128xf32, #tpu.memory_space<hbm>> -> memref<10000x128xf32, #tpu.memory_space<hbm>>
      %dma_wait3A_137 = tpu.memref_slice %arg19[%dma_wait3A_132] : memref<5x!tpu.dma_semaphore, #tpu.memory_space<semaphore_mem>> -> memref<1x!tpu.dma_semaphore, #tpu.memory_space<semaphore_mem>>
      %dma_wait3A_138 = tpu.memref_squeeze %dma_wait3A_137 : memref<1x!tpu.dma_semaphore, #tpu.memory_space<semaphore_mem>> -> memref<!tpu.dma_semaphore, #tpu.memory_space<semaphore_mem>>
      tpu.wait_indirect_dma semaphore(%dma_wait3A_138 : memref<!tpu.dma_semaphore, #tpu.memory_space<semaphore_mem>>) src(%dma_wait3A_136 : memref<10000x128xf32, #tpu.memory_space<hbm>>) dst(%arg14 : memref<40x128xf32, #tpu.memory_space<vmem>>)
      %mul3A_139 = arith.constant 40 : i32
      %mul3A_140 = arith.muli %add3A_114, %mul3A_139 : i32
      %add3A_141 = arith.addi %mul3A_2, %mul3A_140 : i32
      %dma_wait3A_142 = arith.constant 1 : i32
      %dma_wait3A_143 = tpu.memref_slice %arg4[%add3A_141] : memref<320000xi32, #tpu.memory_space<hbm>> -> memref<40xi32, #tpu.memory_space<hbm>>
      %dma_wait3A_144 = tpu.memref_slice %arg21[%dma_wait3A_142] : memref<5x!tpu.dma_semaphore, #tpu.memory_space<semaphore_mem>> -> memref<1x!tpu.dma_semaphore, #tpu.memory_space<semaphore_mem>>
      %dma_wait3A_145 = tpu.memref_squeeze %dma_wait3A_144 : memref<1x!tpu.dma_semaphore, #tpu.memory_space<semaphore_mem>> -> memref<!tpu.dma_semaphore, #tpu.memory_space<semaphore_mem>>
      %dma_wait3A_146 = tpu.memref_slice %arg4[%add3A_141] : memref<320000xi32, #tpu.memory_space<hbm>> -> memref<40xi32, #tpu.memory_space<hbm>>
      tpu.wait_dma2 semaphore(%dma_wait3A_145 : memref<!tpu.dma_semaphore, #tpu.memory_space<semaphore_mem>>) src(%dma_wait3A_146 : memref<40xi32, #tpu.memory_space<hbm>>) dst(%arg9 : memref<40xi32, #tpu.memory_space<vmem>>)
      %dma_start3A_147 = arith.constant 1 : i32
      %dma_start3A_148 = arith.constant 0 : i32
      %dma_start3A_149 = arith.constant 0 : i32
      %dma_start3A_150 = tpu.memref_slice %arg18[%dma_start3A_148, %dma_start3A_149] : memref<10240x128xf32, #tpu.memory_space<vmem_shared>> -> memref<10240x128xf32, #tpu.memory_space<vmem_shared>>
      %dma_start3A_151 = tpu.memref_slice %arg20[%dma_start3A_147] : memref<5x!tpu.dma_semaphore, #tpu.memory_space<semaphore_mem>> -> memref<1x!tpu.dma_semaphore, #tpu.memory_space<semaphore_mem>>
      %dma_start3A_152 = tpu.memref_squeeze %dma_start3A_151 : memref<1x!tpu.dma_semaphore, #tpu.memory_space<semaphore_mem>> -> memref<!tpu.dma_semaphore, #tpu.memory_space<semaphore_mem>>
      tpu.enqueue_indirect_dma source(%arg14 : memref<40x128xf32, #tpu.memory_space<vmem>>) target(%dma_start3A_150 : memref<10240x128xf32, #tpu.memory_space<vmem_shared>>) offsets(%arg9 : memref<40xi32, #tpu.memory_space<vmem>>) semaphore(%dma_start3A_152 : memref<!tpu.dma_semaphore, #tpu.memory_space<semaphore_mem>>) {add = true}
      %mul3A_153 = arith.constant 5 : i32
      %mul3A_154 = arith.muli %scan3A_73, %mul3A_153 : i32
      %add3A_155 = arith.constant 2 : i32
      %add3A_156 = arith.addi %mul3A_154, %add3A_155 : i32
      %add3A_157 = arith.constant 2 : i32
      %add3A_158 = arith.addi %add3A_156, %add3A_157 : i32
      %lt3A_159 = arith.constant 250 : i32
      %lt3A_160 = arith.cmpi slt, %add3A_158, %lt3A_159 : i32
      %ge3A_161 = arith.constant 3 : i32
      %ge3A_162 = arith.cmpi sge, %add3A_156, %ge3A_161 : i32
      %and3A_163 = arith.andi %lt3A_160, %ge3A_162 : i1
      %convert_element_type3A_164 = arith.extui %and3A_163 : i1 to i32
      %cond3A_165 = arith.constant 0 : i32
      %cond3A_166 = arith.cmpi ne, %convert_element_type3A_164, %cond3A_165 : i32
      scf.if %cond3A_166 {
        %dma_wait3A_279 = arith.constant 4 : i32
        %dma_wait3A_280 = arith.constant 0 : i32
        %dma_wait3A_281 = arith.constant 0 : i32
        %dma_wait3A_282 = tpu.memref_slice %arg18[%dma_wait3A_280, %dma_wait3A_281] : memref<10240x128xf32, #tpu.memory_space<vmem_shared>> -> memref<10240x128xf32, #tpu.memory_space<vmem_shared>>
        %dma_wait3A_283 = tpu.memref_slice %arg20[%dma_wait3A_279] : memref<5x!tpu.dma_semaphore, #tpu.memory_space<semaphore_mem>> -> memref<1x!tpu.dma_semaphore, #tpu.memory_space<semaphore_mem>>
        %dma_wait3A_284 = tpu.memref_squeeze %dma_wait3A_283 : memref<1x!tpu.dma_semaphore, #tpu.memory_space<semaphore_mem>> -> memref<!tpu.dma_semaphore, #tpu.memory_space<semaphore_mem>>
        tpu.wait_indirect_dma semaphore(%dma_wait3A_284 : memref<!tpu.dma_semaphore, #tpu.memory_space<semaphore_mem>>) src(%arg17 : memref<40x128xf32, #tpu.memory_space<vmem>>) dst(%dma_wait3A_282 : memref<10240x128xf32, #tpu.memory_space<vmem_shared>>)
      } else {
      }
      %lt3A_167 = arith.constant 250 : i32
      %lt3A_168 = arith.cmpi slt, %add3A_158, %lt3A_167 : i32
      %convert_element_type3A_169 = arith.extui %lt3A_168 : i1 to i32
      %cond3A_170 = arith.constant 0 : i32
      %cond3A_171 = arith.cmpi ne, %convert_element_type3A_169, %cond3A_170 : i32
      scf.if %cond3A_171 {
        %mul3A_279 = arith.constant 40 : i32
        %mul3A_280 = arith.muli %add3A_158, %mul3A_279 : i32
        %add3A_281 = arith.addi %mul3A_2, %mul3A_280 : i32
        %dma_start3A_282 = arith.constant 4 : i32
        %dma_start3A_283 = tpu.memref_slice %arg4[%add3A_281] : memref<320000xi32, #tpu.memory_space<hbm>> -> memref<40xi32, #tpu.memory_space<hbm>>
        %dma_start3A_284 = tpu.memref_slice %arg21[%dma_start3A_282] : memref<5x!tpu.dma_semaphore, #tpu.memory_space<semaphore_mem>> -> memref<1x!tpu.dma_semaphore, #tpu.memory_space<semaphore_mem>>
        %dma_start3A_285 = tpu.memref_squeeze %dma_start3A_284 : memref<1x!tpu.dma_semaphore, #tpu.memory_space<semaphore_mem>> -> memref<!tpu.dma_semaphore, #tpu.memory_space<semaphore_mem>>
        %dma_start3A_286 = tpu.memref_slice %arg4[%add3A_281] : memref<320000xi32, #tpu.memory_space<hbm>> -> memref<40xi32, #tpu.memory_space<hbm>>
        tpu.enqueue_dma source(%dma_start3A_286 : memref<40xi32, #tpu.memory_space<hbm>>) target(%arg12 : memref<40xi32, #tpu.memory_space<vmem>>) target_semaphore(%dma_start3A_285 : memref<!tpu.dma_semaphore, #tpu.memory_space<semaphore_mem>>)
        %mul3A_287 = arith.constant 40 : i32
        %mul3A_288 = arith.muli %add3A_158, %mul3A_287 : i32
        %dma_start3A_289 = arith.constant 4 : i32
        %dma_start3A_290 = tpu.memref_slice %arg7[%mul3A_288] : memref<10000xi32, #tpu.memory_space<vmem>> -> memref<40xi32, #tpu.memory_space<vmem>>
        %dma_start3A_291 = arith.constant 0 : i32
        %dma_start3A_292 = arith.constant 0 : i32
        %dma_start3A_293 = tpu.memref_slice %arg2[%dma_start3A_291, %dma_start3A_292] : memref<10000x128xf32, #tpu.memory_space<hbm>> -> memref<10000x128xf32, #tpu.memory_space<hbm>>
        %dma_start3A_294 = tpu.memref_slice %arg19[%dma_start3A_289] : memref<5x!tpu.dma_semaphore, #tpu.memory_space<semaphore_mem>> -> memref<1x!tpu.dma_semaphore, #tpu.memory_space<semaphore_mem>>
        %dma_start3A_295 = tpu.memref_squeeze %dma_start3A_294 : memref<1x!tpu.dma_semaphore, #tpu.memory_space<semaphore_mem>> -> memref<!tpu.dma_semaphore, #tpu.memory_space<semaphore_mem>>
        tpu.enqueue_indirect_dma source(%dma_start3A_293 : memref<10000x128xf32, #tpu.memory_space<hbm>>) target(%arg17 : memref<40x128xf32, #tpu.memory_space<vmem>>) offsets(%dma_start3A_290 : memref<40xi32, #tpu.memory_space<vmem>>) semaphore(%dma_start3A_295 : memref<!tpu.dma_semaphore, #tpu.memory_space<semaphore_mem>>)
      } else {
      }
      %mul3A_172 = arith.constant 40 : i32
      %mul3A_173 = arith.muli %add3A_156, %mul3A_172 : i32
      %dma_wait3A_174 = arith.constant 2 : i32
      %dma_wait3A_175 = tpu.memref_slice %arg7[%mul3A_173] : memref<10000xi32, #tpu.memory_space<vmem>> -> memref<40xi32, #tpu.memory_space<vmem>>
      %dma_wait3A_176 = arith.constant 0 : i32
      %dma_wait3A_177 = arith.constant 0 : i32
      %dma_wait3A_178 = tpu.memref_slice %arg2[%dma_wait3A_176, %dma_wait3A_177] : memref<10000x128xf32, #tpu.memory_space<hbm>> -> memref<10000x128xf32, #tpu.memory_space<hbm>>
      %dma_wait3A_179 = tpu.memref_slice %arg19[%dma_wait3A_174] : memref<5x!tpu.dma_semaphore, #tpu.memory_space<semaphore_mem>> -> memref<1x!tpu.dma_semaphore, #tpu.memory_space<semaphore_mem>>
      %dma_wait3A_180 = tpu.memref_squeeze %dma_wait3A_179 : memref<1x!tpu.dma_semaphore, #tpu.memory_space<semaphore_mem>> -> memref<!tpu.dma_semaphore, #tpu.memory_space<semaphore_mem>>
      tpu.wait_indirect_dma semaphore(%dma_wait3A_180 : memref<!tpu.dma_semaphore, #tpu.memory_space<semaphore_mem>>) src(%dma_wait3A_178 : memref<10000x128xf32, #tpu.memory_space<hbm>>) dst(%arg15 : memref<40x128xf32, #tpu.memory_space<vmem>>)
      %mul3A_181 = arith.constant 40 : i32
      %mul3A_182 = arith.muli %add3A_156, %mul3A_181 : i32
      %add3A_183 = arith.addi %mul3A_2, %mul3A_182 : i32
      %dma_wait3A_184 = arith.constant 2 : i32
      %dma_wait3A_185 = tpu.memref_slice %arg4[%add3A_183] : memref<320000xi32, #tpu.memory_space<hbm>> -> memref<40xi32, #tpu.memory_space<hbm>>
      %dma_wait3A_186 = tpu.memref_slice %arg21[%dma_wait3A_184] : memref<5x!tpu.dma_semaphore, #tpu.memory_space<semaphore_mem>> -> memref<1x!tpu.dma_semaphore, #tpu.memory_space<semaphore_mem>>
      %dma_wait3A_187 = tpu.memref_squeeze %dma_wait3A_186 : memref<1x!tpu.dma_semaphore, #tpu.memory_space<semaphore_mem>> -> memref<!tpu.dma_semaphore, #tpu.memory_space<semaphore_mem>>
      %dma_wait3A_188 = tpu.memref_slice %arg4[%add3A_183] : memref<320000xi32, #tpu.memory_space<hbm>> -> memref<40xi32, #tpu.memory_space<hbm>>
      tpu.wait_dma2 semaphore(%dma_wait3A_187 : memref<!tpu.dma_semaphore, #tpu.memory_space<semaphore_mem>>) src(%dma_wait3A_188 : memref<40xi32, #tpu.memory_space<hbm>>) dst(%arg10 : memref<40xi32, #tpu.memory_space<vmem>>)
      %dma_start3A_189 = arith.constant 2 : i32
      %dma_start3A_190 = arith.constant 0 : i32
      %dma_start3A_191 = arith.constant 0 : i32
      %dma_start3A_192 = tpu.memref_slice %arg18[%dma_start3A_190, %dma_start3A_191] : memref<10240x128xf32, #tpu.memory_space<vmem_shared>> -> memref<10240x128xf32, #tpu.memory_space<vmem_shared>>
      %dma_start3A_193 = tpu.memref_slice %arg20[%dma_start3A_189] : memref<5x!tpu.dma_semaphore, #tpu.memory_space<semaphore_mem>> -> memref<1x!tpu.dma_semaphore, #tpu.memory_space<semaphore_mem>>
      %dma_start3A_194 = tpu.memref_squeeze %dma_start3A_193 : memref<1x!tpu.dma_semaphore, #tpu.memory_space<semaphore_mem>> -> memref<!tpu.dma_semaphore, #tpu.memory_space<semaphore_mem>>
      tpu.enqueue_indirect_dma source(%arg15 : memref<40x128xf32, #tpu.memory_space<vmem>>) target(%dma_start3A_192 : memref<10240x128xf32, #tpu.memory_space<vmem_shared>>) offsets(%arg10 : memref<40xi32, #tpu.memory_space<vmem>>) semaphore(%dma_start3A_194 : memref<!tpu.dma_semaphore, #tpu.memory_space<semaphore_mem>>) {add = true}
      %mul3A_195 = arith.constant 5 : i32
      %mul3A_196 = arith.muli %scan3A_73, %mul3A_195 : i32
      %add3A_197 = arith.constant 3 : i32
      %add3A_198 = arith.addi %mul3A_196, %add3A_197 : i32
      %add3A_199 = arith.constant 2 : i32
      %add3A_200 = arith.addi %add3A_198, %add3A_199 : i32
      %lt3A_201 = arith.constant 250 : i32
      %lt3A_202 = arith.cmpi slt, %add3A_200, %lt3A_201 : i32
      %ge3A_203 = arith.constant 3 : i32
      %ge3A_204 = arith.cmpi sge, %add3A_198, %ge3A_203 : i32
      %and3A_205 = arith.andi %lt3A_202, %ge3A_204 : i1
      %convert_element_type3A_206 = arith.extui %and3A_205 : i1 to i32
      %cond3A_207 = arith.constant 0 : i32
      %cond3A_208 = arith.cmpi ne, %convert_element_type3A_206, %cond3A_207 : i32
      scf.if %cond3A_208 {
        %dma_wait3A_279 = arith.constant 0 : i32
        %dma_wait3A_280 = arith.constant 0 : i32
        %dma_wait3A_281 = arith.constant 0 : i32
        %dma_wait3A_282 = tpu.memref_slice %arg18[%dma_wait3A_280, %dma_wait3A_281] : memref<10240x128xf32, #tpu.memory_space<vmem_shared>> -> memref<10240x128xf32, #tpu.memory_space<vmem_shared>>
        %dma_wait3A_283 = tpu.memref_slice %arg20[%dma_wait3A_279] : memref<5x!tpu.dma_semaphore, #tpu.memory_space<semaphore_mem>> -> memref<1x!tpu.dma_semaphore, #tpu.memory_space<semaphore_mem>>
        %dma_wait3A_284 = tpu.memref_squeeze %dma_wait3A_283 : memref<1x!tpu.dma_semaphore, #tpu.memory_space<semaphore_mem>> -> memref<!tpu.dma_semaphore, #tpu.memory_space<semaphore_mem>>
        tpu.wait_indirect_dma semaphore(%dma_wait3A_284 : memref<!tpu.dma_semaphore, #tpu.memory_space<semaphore_mem>>) src(%arg13 : memref<40x128xf32, #tpu.memory_space<vmem>>) dst(%dma_wait3A_282 : memref<10240x128xf32, #tpu.memory_space<vmem_shared>>)
      } else {
      }
      %lt3A_209 = arith.constant 250 : i32
      %lt3A_210 = arith.cmpi slt, %add3A_200, %lt3A_209 : i32
      %convert_element_type3A_211 = arith.extui %lt3A_210 : i1 to i32
      %cond3A_212 = arith.constant 0 : i32
      %cond3A_213 = arith.cmpi ne, %convert_element_type3A_211, %cond3A_212 : i32
      scf.if %cond3A_213 {
        %mul3A_279 = arith.constant 40 : i32
        %mul3A_280 = arith.muli %add3A_200, %mul3A_279 : i32
        %add3A_281 = arith.addi %mul3A_2, %mul3A_280 : i32
        %dma_start3A_282 = arith.constant 0 : i32
        %dma_start3A_283 = tpu.memref_slice %arg4[%add3A_281] : memref<320000xi32, #tpu.memory_space<hbm>> -> memref<40xi32, #tpu.memory_space<hbm>>
        %dma_start3A_284 = tpu.memref_slice %arg21[%dma_start3A_282] : memref<5x!tpu.dma_semaphore, #tpu.memory_space<semaphore_mem>> -> memref<1x!tpu.dma_semaphore, #tpu.memory_space<semaphore_mem>>
        %dma_start3A_285 = tpu.memref_squeeze %dma_start3A_284 : memref<1x!tpu.dma_semaphore, #tpu.memory_space<semaphore_mem>> -> memref<!tpu.dma_semaphore, #tpu.memory_space<semaphore_mem>>
        %dma_start3A_286 = tpu.memref_slice %arg4[%add3A_281] : memref<320000xi32, #tpu.memory_space<hbm>> -> memref<40xi32, #tpu.memory_space<hbm>>
        tpu.enqueue_dma source(%dma_start3A_286 : memref<40xi32, #tpu.memory_space<hbm>>) target(%arg8 : memref<40xi32, #tpu.memory_space<vmem>>) target_semaphore(%dma_start3A_285 : memref<!tpu.dma_semaphore, #tpu.memory_space<semaphore_mem>>)
        %mul3A_287 = arith.constant 40 : i32
        %mul3A_288 = arith.muli %add3A_200, %mul3A_287 : i32
        %dma_start3A_289 = arith.constant 0 : i32
        %dma_start3A_290 = tpu.memref_slice %arg7[%mul3A_288] : memref<10000xi32, #tpu.memory_space<vmem>> -> memref<40xi32, #tpu.memory_space<vmem>>
        %dma_start3A_291 = arith.constant 0 : i32
        %dma_start3A_292 = arith.constant 0 : i32
        %dma_start3A_293 = tpu.memref_slice %arg2[%dma_start3A_291, %dma_start3A_292] : memref<10000x128xf32, #tpu.memory_space<hbm>> -> memref<10000x128xf32, #tpu.memory_space<hbm>>
        %dma_start3A_294 = tpu.memref_slice %arg19[%dma_start3A_289] : memref<5x!tpu.dma_semaphore, #tpu.memory_space<semaphore_mem>> -> memref<1x!tpu.dma_semaphore, #tpu.memory_space<semaphore_mem>>
        %dma_start3A_295 = tpu.memref_squeeze %dma_start3A_294 : memref<1x!tpu.dma_semaphore, #tpu.memory_space<semaphore_mem>> -> memref<!tpu.dma_semaphore, #tpu.memory_space<semaphore_mem>>
        tpu.enqueue_indirect_dma source(%dma_start3A_293 : memref<10000x128xf32, #tpu.memory_space<hbm>>) target(%arg13 : memref<40x128xf32, #tpu.memory_space<vmem>>) offsets(%dma_start3A_290 : memref<40xi32, #tpu.memory_space<vmem>>) semaphore(%dma_start3A_295 : memref<!tpu.dma_semaphore, #tpu.memory_space<semaphore_mem>>)
      } else {
      }
      %mul3A_214 = arith.constant 40 : i32
      %mul3A_215 = arith.muli %add3A_198, %mul3A_214 : i32
      %dma_wait3A_216 = arith.constant 3 : i32
      %dma_wait3A_217 = tpu.memref_slice %arg7[%mul3A_215] : memref<10000xi32, #tpu.memory_space<vmem>> -> memref<40xi32, #tpu.memory_space<vmem>>
      %dma_wait3A_218 = arith.constant 0 : i32
      %dma_wait3A_219 = arith.constant 0 : i32
      %dma_wait3A_220 = tpu.memref_slice %arg2[%dma_wait3A_218, %dma_wait3A_219] : memref<10000x128xf32, #tpu.memory_space<hbm>> -> memref<10000x128xf32, #tpu.memory_space<hbm>>
      %dma_wait3A_221 = tpu.memref_slice %arg19[%dma_wait3A_216] : memref<5x!tpu.dma_semaphore, #tpu.memory_space<semaphore_mem>> -> memref<1x!tpu.dma_semaphore, #tpu.memory_space<semaphore_mem>>
      %dma_wait3A_222 = tpu.memref_squeeze %dma_wait3A_221 : memref<1x!tpu.dma_semaphore, #tpu.memory_space<semaphore_mem>> -> memref<!tpu.dma_semaphore, #tpu.memory_space<semaphore_mem>>
      tpu.wait_indirect_dma semaphore(%dma_wait3A_222 : memref<!tpu.dma_semaphore, #tpu.memory_space<semaphore_mem>>) src(%dma_wait3A_220 : memref<10000x128xf32, #tpu.memory_space<hbm>>) dst(%arg16 : memref<40x128xf32, #tpu.memory_space<vmem>>)
      %mul3A_223 = arith.constant 40 : i32
      %mul3A_224 = arith.muli %add3A_198, %mul3A_223 : i32
      %add3A_225 = arith.addi %mul3A_2, %mul3A_224 : i32
      %dma_wait3A_226 = arith.constant 3 : i32
      %dma_wait3A_227 = tpu.memref_slice %arg4[%add3A_225] : memref<320000xi32, #tpu.memory_space<hbm>> -> memref<40xi32, #tpu.memory_space<hbm>>
      %dma_wait3A_228 = tpu.memref_slice %arg21[%dma_wait3A_226] : memref<5x!tpu.dma_semaphore, #tpu.memory_space<semaphore_mem>> -> memref<1x!tpu.dma_semaphore, #tpu.memory_space<semaphore_mem>>
      %dma_wait3A_229 = tpu.memref_squeeze %dma_wait3A_228 : memref<1x!tpu.dma_semaphore, #tpu.memory_space<semaphore_mem>> -> memref<!tpu.dma_semaphore, #tpu.memory_space<semaphore_mem>>
      %dma_wait3A_230 = tpu.memref_slice %arg4[%add3A_225] : memref<320000xi32, #tpu.memory_space<hbm>> -> memref<40xi32, #tpu.memory_space<hbm>>
      tpu.wait_dma2 semaphore(%dma_wait3A_229 : memref<!tpu.dma_semaphore, #tpu.memory_space<semaphore_mem>>) src(%dma_wait3A_230 : memref<40xi32, #tpu.memory_space<hbm>>) dst(%arg11 : memref<40xi32, #tpu.memory_space<vmem>>)
      %dma_start3A_231 = arith.constant 3 : i32
      %dma_start3A_232 = arith.constant 0 : i32
      %dma_start3A_233 = arith.constant 0 : i32
      %dma_start3A_234 = tpu.memref_slice %arg18[%dma_start3A_232, %dma_start3A_233] : memref<10240x128xf32, #tpu.memory_space<vmem_shared>> -> memref<10240x128xf32, #tpu.memory_space<vmem_shared>>
      %dma_start3A_235 = tpu.memref_slice %arg20[%dma_start3A_231] : memref<5x!tpu.dma_semaphore, #tpu.memory_space<semaphore_mem>> -> memref<1x!tpu.dma_semaphore, #tpu.memory_space<semaphore_mem>>
      %dma_start3A_236 = tpu.memref_squeeze %dma_start3A_235 : memref<1x!tpu.dma_semaphore, #tpu.memory_space<semaphore_mem>> -> memref<!tpu.dma_semaphore, #tpu.memory_space<semaphore_mem>>
      tpu.enqueue_indirect_dma source(%arg16 : memref<40x128xf32, #tpu.memory_space<vmem>>) target(%dma_start3A_234 : memref<10240x128xf32, #tpu.memory_space<vmem_shared>>) offsets(%arg11 : memref<40xi32, #tpu.memory_space<vmem>>) semaphore(%dma_start3A_236 : memref<!tpu.dma_semaphore, #tpu.memory_space<semaphore_mem>>) {add = true}
      %mul3A_237 = arith.constant 5 : i32
      %mul3A_238 = arith.muli %scan3A_73, %mul3A_237 : i32
      %add3A_239 = arith.constant 4 : i32
      %add3A_240 = arith.addi %mul3A_238, %add3A_239 : i32
      %add3A_241 = arith.constant 2 : i32
      %add3A_242 = arith.addi %add3A_240, %add3A_241 : i32
      %lt3A_243 = arith.constant 250 : i32
      %lt3A_244 = arith.cmpi slt, %add3A_242, %lt3A_243 : i32
      %ge3A_245 = arith.constant 3 : i32
      %ge3A_246 = arith.cmpi sge, %add3A_240, %ge3A_245 : i32
      %and3A_247 = arith.andi %lt3A_244, %ge3A_246 : i1
      %convert_element_type3A_248 = arith.extui %and3A_247 : i1 to i32
      %cond3A_249 = arith.constant 0 : i32
      %cond3A_250 = arith.cmpi ne, %convert_element_type3A_248, %cond3A_249 : i32
      scf.if %cond3A_250 {
        %dma_wait3A_279 = arith.constant 1 : i32
        %dma_wait3A_280 = arith.constant 0 : i32
        %dma_wait3A_281 = arith.constant 0 : i32
        %dma_wait3A_282 = tpu.memref_slice %arg18[%dma_wait3A_280, %dma_wait3A_281] : memref<10240x128xf32, #tpu.memory_space<vmem_shared>> -> memref<10240x128xf32, #tpu.memory_space<vmem_shared>>
        %dma_wait3A_283 = tpu.memref_slice %arg20[%dma_wait3A_279] : memref<5x!tpu.dma_semaphore, #tpu.memory_space<semaphore_mem>> -> memref<1x!tpu.dma_semaphore, #tpu.memory_space<semaphore_mem>>
        %dma_wait3A_284 = tpu.memref_squeeze %dma_wait3A_283 : memref<1x!tpu.dma_semaphore, #tpu.memory_space<semaphore_mem>> -> memref<!tpu.dma_semaphore, #tpu.memory_space<semaphore_mem>>
        tpu.wait_indirect_dma semaphore(%dma_wait3A_284 : memref<!tpu.dma_semaphore, #tpu.memory_space<semaphore_mem>>) src(%arg14 : memref<40x128xf32, #tpu.memory_space<vmem>>) dst(%dma_wait3A_282 : memref<10240x128xf32, #tpu.memory_space<vmem_shared>>)
      } else {
      }
      %lt3A_251 = arith.constant 250 : i32
      %lt3A_252 = arith.cmpi slt, %add3A_242, %lt3A_251 : i32
      %convert_element_type3A_253 = arith.extui %lt3A_252 : i1 to i32
      %cond3A_254 = arith.constant 0 : i32
      %cond3A_255 = arith.cmpi ne, %convert_element_type3A_253, %cond3A_254 : i32
      scf.if %cond3A_255 {
        %mul3A_279 = arith.constant 40 : i32
        %mul3A_280 = arith.muli %add3A_242, %mul3A_279 : i32
        %add3A_281 = arith.addi %mul3A_2, %mul3A_280 : i32
        %dma_start3A_282 = arith.constant 1 : i32
        %dma_start3A_283 = tpu.memref_slice %arg4[%add3A_281] : memref<320000xi32, #tpu.memory_space<hbm>> -> memref<40xi32, #tpu.memory_space<hbm>>
        %dma_start3A_284 = tpu.memref_slice %arg21[%dma_start3A_282] : memref<5x!tpu.dma_semaphore, #tpu.memory_space<semaphore_mem>> -> memref<1x!tpu.dma_semaphore, #tpu.memory_space<semaphore_mem>>
        %dma_start3A_285 = tpu.memref_squeeze %dma_start3A_284 : memref<1x!tpu.dma_semaphore, #tpu.memory_space<semaphore_mem>> -> memref<!tpu.dma_semaphore, #tpu.memory_space<semaphore_mem>>
        %dma_start3A_286 = tpu.memref_slice %arg4[%add3A_281] : memref<320000xi32, #tpu.memory_space<hbm>> -> memref<40xi32, #tpu.memory_space<hbm>>
        tpu.enqueue_dma source(%dma_start3A_286 : memref<40xi32, #tpu.memory_space<hbm>>) target(%arg9 : memref<40xi32, #tpu.memory_space<vmem>>) target_semaphore(%dma_start3A_285 : memref<!tpu.dma_semaphore, #tpu.memory_space<semaphore_mem>>)
        %mul3A_287 = arith.constant 40 : i32
        %mul3A_288 = arith.muli %add3A_242, %mul3A_287 : i32
        %dma_start3A_289 = arith.constant 1 : i32
        %dma_start3A_290 = tpu.memref_slice %arg7[%mul3A_288] : memref<10000xi32, #tpu.memory_space<vmem>> -> memref<40xi32, #tpu.memory_space<vmem>>
        %dma_start3A_291 = arith.constant 0 : i32
        %dma_start3A_292 = arith.constant 0 : i32
        %dma_start3A_293 = tpu.memref_slice %arg2[%dma_start3A_291, %dma_start3A_292] : memref<10000x128xf32, #tpu.memory_space<hbm>> -> memref<10000x128xf32, #tpu.memory_space<hbm>>
        %dma_start3A_294 = tpu.memref_slice %arg19[%dma_start3A_289] : memref<5x!tpu.dma_semaphore, #tpu.memory_space<semaphore_mem>> -> memref<1x!tpu.dma_semaphore, #tpu.memory_space<semaphore_mem>>
        %dma_start3A_295 = tpu.memref_squeeze %dma_start3A_294 : memref<1x!tpu.dma_semaphore, #tpu.memory_space<semaphore_mem>> -> memref<!tpu.dma_semaphore, #tpu.memory_space<semaphore_mem>>
        tpu.enqueue_indirect_dma source(%dma_start3A_293 : memref<10000x128xf32, #tpu.memory_space<hbm>>) target(%arg14 : memref<40x128xf32, #tpu.memory_space<vmem>>) offsets(%dma_start3A_290 : memref<40xi32, #tpu.memory_space<vmem>>) semaphore(%dma_start3A_295 : memref<!tpu.dma_semaphore, #tpu.memory_space<semaphore_mem>>)
      } else {
      }
      %mul3A_256 = arith.constant 40 : i32
      %mul3A_257 = arith.muli %add3A_240, %mul3A_256 : i32
      %dma_wait3A_258 = arith.constant 4 : i32
      %dma_wait3A_259 = tpu.memref_slice %arg7[%mul3A_257] : memref<10000xi32, #tpu.memory_space<vmem>> -> memref<40xi32, #tpu.memory_space<vmem>>
      %dma_wait3A_260 = arith.constant 0 : i32
      %dma_wait3A_261 = arith.constant 0 : i32
      %dma_wait3A_262 = tpu.memref_slice %arg2[%dma_wait3A_260, %dma_wait3A_261] : memref<10000x128xf32, #tpu.memory_space<hbm>> -> memref<10000x128xf32, #tpu.memory_space<hbm>>
      %dma_wait3A_263 = tpu.memref_slice %arg19[%dma_wait3A_258] : memref<5x!tpu.dma_semaphore, #tpu.memory_space<semaphore_mem>> -> memref<1x!tpu.dma_semaphore, #tpu.memory_space<semaphore_mem>>
      %dma_wait3A_264 = tpu.memref_squeeze %dma_wait3A_263 : memref<1x!tpu.dma_semaphore, #tpu.memory_space<semaphore_mem>> -> memref<!tpu.dma_semaphore, #tpu.memory_space<semaphore_mem>>
      tpu.wait_indirect_dma semaphore(%dma_wait3A_264 : memref<!tpu.dma_semaphore, #tpu.memory_space<semaphore_mem>>) src(%dma_wait3A_262 : memref<10000x128xf32, #tpu.memory_space<hbm>>) dst(%arg17 : memref<40x128xf32, #tpu.memory_space<vmem>>)
      %mul3A_265 = arith.constant 40 : i32
      %mul3A_266 = arith.muli %add3A_240, %mul3A_265 : i32
      %add3A_267 = arith.addi %mul3A_2, %mul3A_266 : i32
      %dma_wait3A_268 = arith.constant 4 : i32
      %dma_wait3A_269 = tpu.memref_slice %arg4[%add3A_267] : memref<320000xi32, #tpu.memory_space<hbm>> -> memref<40xi32, #tpu.memory_space<hbm>>
      %dma_wait3A_270 = tpu.memref_slice %arg21[%dma_wait3A_268] : memref<5x!tpu.dma_semaphore, #tpu.memory_space<semaphore_mem>> -> memref<1x!tpu.dma_semaphore, #tpu.memory_space<semaphore_mem>>
      %dma_wait3A_271 = tpu.memref_squeeze %dma_wait3A_270 : memref<1x!tpu.dma_semaphore, #tpu.memory_space<semaphore_mem>> -> memref<!tpu.dma_semaphore, #tpu.memory_space<semaphore_mem>>
      %dma_wait3A_272 = tpu.memref_slice %arg4[%add3A_267] : memref<320000xi32, #tpu.memory_space<hbm>> -> memref<40xi32, #tpu.memory_space<hbm>>
      tpu.wait_dma2 semaphore(%dma_wait3A_271 : memref<!tpu.dma_semaphore, #tpu.memory_space<semaphore_mem>>) src(%dma_wait3A_272 : memref<40xi32, #tpu.memory_space<hbm>>) dst(%arg12 : memref<40xi32, #tpu.memory_space<vmem>>)
      %dma_start3A_273 = arith.constant 4 : i32
      %dma_start3A_274 = arith.constant 0 : i32
      %dma_start3A_275 = arith.constant 0 : i32
      %dma_start3A_276 = tpu.memref_slice %arg18[%dma_start3A_274, %dma_start3A_275] : memref<10240x128xf32, #tpu.memory_space<vmem_shared>> -> memref<10240x128xf32, #tpu.memory_space<vmem_shared>>
      %dma_start3A_277 = tpu.memref_slice %arg20[%dma_start3A_273] : memref<5x!tpu.dma_semaphore, #tpu.memory_space<semaphore_mem>> -> memref<1x!tpu.dma_semaphore, #tpu.memory_space<semaphore_mem>>
      %dma_start3A_278 = tpu.memref_squeeze %dma_start3A_277 : memref<1x!tpu.dma_semaphore, #tpu.memory_space<semaphore_mem>> -> memref<!tpu.dma_semaphore, #tpu.memory_space<semaphore_mem>>
      tpu.enqueue_indirect_dma source(%arg17 : memref<40x128xf32, #tpu.memory_space<vmem>>) target(%dma_start3A_276 : memref<10240x128xf32, #tpu.memory_space<vmem_shared>>) offsets(%arg12 : memref<40xi32, #tpu.memory_space<vmem>>) semaphore(%dma_start3A_278 : memref<!tpu.dma_semaphore, #tpu.memory_space<semaphore_mem>>) {add = true}
    }
    %scan3A_38 = arith.constant 50 : i32
    %dma_wait3A = arith.constant 0 : i32
    %dma_wait3A_39 = arith.constant 0 : i32
    %dma_wait3A_40 = arith.constant 0 : i32
    %dma_wait3A_41 = tpu.memref_slice %arg18[%dma_wait3A_39, %dma_wait3A_40] : memref<10240x128xf32, #tpu.memory_space<vmem_shared>> -> memref<10240x128xf32, #tpu.memory_space<vmem_shared>>
    %dma_wait3A_42 = tpu.memref_slice %arg20[%dma_wait3A] : memref<5x!tpu.dma_semaphore, #tpu.memory_space<semaphore_mem>> -> memref<1x!tpu.dma_semaphore, #tpu.memory_space<semaphore_mem>>
    %dma_wait3A_43 = tpu.memref_squeeze %dma_wait3A_42 : memref<1x!tpu.dma_semaphore, #tpu.memory_space<semaphore_mem>> -> memref<!tpu.dma_semaphore, #tpu.memory_space<semaphore_mem>>
    tpu.wait_indirect_dma semaphore(%dma_wait3A_43 : memref<!tpu.dma_semaphore, #tpu.memory_space<semaphore_mem>>) src(%arg13 : memref<40x128xf32, #tpu.memory_space<vmem>>) dst(%dma_wait3A_41 : memref<10240x128xf32, #tpu.memory_space<vmem_shared>>)
    %dma_wait3A_44 = arith.constant 1 : i32
    %dma_wait3A_45 = arith.constant 0 : i32
    %dma_wait3A_46 = arith.constant 0 : i32
    %dma_wait3A_47 = tpu.memref_slice %arg18[%dma_wait3A_45, %dma_wait3A_46] : memref<10240x128xf32, #tpu.memory_space<vmem_shared>> -> memref<10240x128xf32, #tpu.memory_space<vmem_shared>>
    %dma_wait3A_48 = tpu.memref_slice %arg20[%dma_wait3A_44] : memref<5x!tpu.dma_semaphore, #tpu.memory_space<semaphore_mem>> -> memref<1x!tpu.dma_semaphore, #tpu.memory_space<semaphore_mem>>
    %dma_wait3A_49 = tpu.memref_squeeze %dma_wait3A_48 : memref<1x!tpu.dma_semaphore, #tpu.memory_space<semaphore_mem>> -> memref<!tpu.dma_semaphore, #tpu.memory_space<semaphore_mem>>
    tpu.wait_indirect_dma semaphore(%dma_wait3A_49 : memref<!tpu.dma_semaphore, #tpu.memory_space<semaphore_mem>>) src(%arg14 : memref<40x128xf32, #tpu.memory_space<vmem>>) dst(%dma_wait3A_47 : memref<10240x128xf32, #tpu.memory_space<vmem_shared>>)
    %dma_wait3A_50 = arith.constant 2 : i32
    %dma_wait3A_51 = arith.constant 0 : i32
    %dma_wait3A_52 = arith.constant 0 : i32
    %dma_wait3A_53 = tpu.memref_slice %arg18[%dma_wait3A_51, %dma_wait3A_52] : memref<10240x128xf32, #tpu.memory_space<vmem_shared>> -> memref<10240x128xf32, #tpu.memory_space<vmem_shared>>
    %dma_wait3A_54 = tpu.memref_slice %arg20[%dma_wait3A_50] : memref<5x!tpu.dma_semaphore, #tpu.memory_space<semaphore_mem>> -> memref<1x!tpu.dma_semaphore, #tpu.memory_space<semaphore_mem>>
    %dma_wait3A_55 = tpu.memref_squeeze %dma_wait3A_54 : memref<1x!tpu.dma_semaphore, #tpu.memory_space<semaphore_mem>> -> memref<!tpu.dma_semaphore, #tpu.memory_space<semaphore_mem>>
    tpu.wait_indirect_dma semaphore(%dma_wait3A_55 : memref<!tpu.dma_semaphore, #tpu.memory_space<semaphore_mem>>) src(%arg15 : memref<40x128xf32, #tpu.memory_space<vmem>>) dst(%dma_wait3A_53 : memref<10240x128xf32, #tpu.memory_space<vmem_shared>>)
    %dma_wait3A_56 = arith.constant 3 : i32
    %dma_wait3A_57 = arith.constant 0 : i32
    %dma_wait3A_58 = arith.constant 0 : i32
    %dma_wait3A_59 = tpu.memref_slice %arg18[%dma_wait3A_57, %dma_wait3A_58] : memref<10240x128xf32, #tpu.memory_space<vmem_shared>> -> memref<10240x128xf32, #tpu.memory_space<vmem_shared>>
    %dma_wait3A_60 = tpu.memref_slice %arg20[%dma_wait3A_56] : memref<5x!tpu.dma_semaphore, #tpu.memory_space<semaphore_mem>> -> memref<1x!tpu.dma_semaphore, #tpu.memory_space<semaphore_mem>>
    %dma_wait3A_61 = tpu.memref_squeeze %dma_wait3A_60 : memref<1x!tpu.dma_semaphore, #tpu.memory_space<semaphore_mem>> -> memref<!tpu.dma_semaphore, #tpu.memory_space<semaphore_mem>>
    tpu.wait_indirect_dma semaphore(%dma_wait3A_61 : memref<!tpu.dma_semaphore, #tpu.memory_space<semaphore_mem>>) src(%arg16 : memref<40x128xf32, #tpu.memory_space<vmem>>) dst(%dma_wait3A_59 : memref<10240x128xf32, #tpu.memory_space<vmem_shared>>)
    %dma_wait3A_62 = arith.constant 4 : i32
    %dma_wait3A_63 = arith.constant 0 : i32
    %dma_wait3A_64 = arith.constant 0 : i32
    %dma_wait3A_65 = tpu.memref_slice %arg18[%dma_wait3A_63, %dma_wait3A_64] : memref<10240x128xf32, #tpu.memory_space<vmem_shared>> -> memref<10240x128xf32, #tpu.memory_space<vmem_shared>>
    %dma_wait3A_66 = tpu.memref_slice %arg20[%dma_wait3A_62] : memref<5x!tpu.dma_semaphore, #tpu.memory_space<semaphore_mem>> -> memref<1x!tpu.dma_semaphore, #tpu.memory_space<semaphore_mem>>
    %dma_wait3A_67 = tpu.memref_squeeze %dma_wait3A_66 : memref<1x!tpu.dma_semaphore, #tpu.memory_space<semaphore_mem>> -> memref<!tpu.dma_semaphore, #tpu.memory_space<semaphore_mem>>
    tpu.wait_indirect_dma semaphore(%dma_wait3A_67 : memref<!tpu.dma_semaphore, #tpu.memory_space<semaphore_mem>>) src(%arg17 : memref<40x128xf32, #tpu.memory_space<vmem>>) dst(%dma_wait3A_65 : memref<10240x128xf32, #tpu.memory_space<vmem_shared>>)
    %barrier3A_68 = arith.constant 0 : index
    tpu.barrier barrier_id(%barrier3A_68)
    %mul3A_69 = arith.constant 640 : i32
    %mul3A_70 = arith.muli %arg1, %mul3A_69 : i32
    %mul3A_71 = arith.constant 640 : i32
    %mul3A_72 = arith.muli %arg1, %mul3A_71 : i32
    "tpu.region"() ({
      %run_scoped3A = tpu.sem_alloc : memref<!tpu.dma_semaphore, #tpu.memory_space<semaphore_mem>>
      %dma_start3A_73 = arith.constant 0 : i32
      %dma_start3A_74 = tpu.memref_slice %arg6[%arg0, %mul3A_72, %dma_start3A_73] : memref<2x10240x128xf32, #tpu.memory_space<hbm>> -> memref<1x640x128xf32, #tpu.memory_space<hbm>>
      %dma_start3A_75 = tpu.memref_squeeze %dma_start3A_74 : memref<1x640x128xf32, #tpu.memory_space<hbm>> -> memref<640x128xf32, #tpu.memory_space<hbm>>
      %dma_start3A_76 = arith.constant 0 : i32
      %dma_start3A_77 = tpu.memref_slice %arg18[%mul3A_70, %dma_start3A_76] : memref<10240x128xf32, #tpu.memory_space<vmem_shared>> -> memref<640x128xf32, #tpu.memory_space<vmem_shared>>
      tpu.enqueue_dma source(%dma_start3A_77 : memref<640x128xf32, #tpu.memory_space<vmem_shared>>) target(%dma_start3A_75 : memref<640x128xf32, #tpu.memory_space<hbm>>) target_semaphore(%run_scoped3A : memref<!tpu.dma_semaphore, #tpu.memory_space<semaphore_mem>>)
      %dma_wait3A_78 = arith.constant 0 : i32
      %dma_wait3A_79 = tpu.memref_slice %arg6[%arg0, %mul3A_72, %dma_wait3A_78] : memref<2x10240x128xf32, #tpu.memory_space<hbm>> -> memref<1x640x128xf32, #tpu.memory_space<hbm>>
      %dma_wait3A_80 = tpu.memref_squeeze %dma_wait3A_79 : memref<1x640x128xf32, #tpu.memory_space<hbm>> -> memref<640x128xf32, #tpu.memory_space<hbm>>
      %dma_wait3A_81 = arith.constant 0 : i32
      %dma_wait3A_82 = tpu.memref_slice %arg18[%mul3A_70, %dma_wait3A_81] : memref<10240x128xf32, #tpu.memory_space<vmem_shared>> -> memref<640x128xf32, #tpu.memory_space<vmem_shared>>
      tpu.wait_dma2 semaphore(%run_scoped3A : memref<!tpu.dma_semaphore, #tpu.memory_space<semaphore_mem>>) src(%dma_wait3A_82 : memref<640x128xf32, #tpu.memory_space<vmem_shared>>) dst(%dma_wait3A_80 : memref<640x128xf32, #tpu.memory_space<hbm>>)
      tpu.yield
    }) : () -> ()
    return
  }
}

module attributes {stable_mosaic.version = 14 : i64} {
  func.func @body(%arg0: i32, %arg1: memref<2000x32xf32, #tpu.memory_space<vmem>>, %arg2: memref<2000x128xf32, #tpu.memory_space<vmem>>, %arg3: memref<2000x128xf32, #tpu.memory_space<vmem>>) attributes {dimension_semantics = [#tpu.dimension_semantics<arbitrary>], iteration_bounds = array<i64: 5>, scalar_prefetch = 0 : i64, scratch_operands = 0 : i64, tpu.core_type = #tpu.core_type<tc>, window_params = [{transform_indices = @transform_0, window_bounds = array<i64: 2000, 32>}, {transform_indices = @transform_1, window_bounds = array<i64: 2000, 128>}, {transform_indices = @transform_2, window_bounds = array<i64: 2000, 128>}]} {
    %get3A = arith.constant 0 : index
    %get3A_0 = arith.constant 0 : index
    %get3A_1 = vector.load %arg1[%get3A, %get3A_0] : memref<2000x32xf32, #tpu.memory_space<vmem>>, vector<2000x32xf32>
    %reduce_sum3A = arith.constant dense<0.000000e+00> : vector<2000xf32>
    %reduce_sum3A_2 = vector.multi_reduction <add>, %get3A_1, %reduce_sum3A [1] : vector<2000x32xf32> to vector<2000xf32>
    %broadcast_in_dim3A = vector.shape_cast %reduce_sum3A_2 : vector<2000xf32> to vector<2000x1xf32>
    %add3A = arith.constant 1.000000e+00 : f32
    %add3A_3 = vector.broadcast %add3A : f32 to vector<2000x1xf32>
    %add3A_4 = arith.addf %broadcast_in_dim3A, %add3A_3 : vector<2000x1xf32>
    %rsqrt3A = math.rsqrt %add3A_4 : vector<2000x1xf32>
    %get3A_5 = arith.constant 0 : index
    %get3A_6 = arith.constant 0 : index
    %get3A_7 = vector.load %arg2[%get3A_5, %get3A_6] : memref<2000x128xf32, #tpu.memory_space<vmem>>, vector<2000x128xf32>
    %mul3A = vector.broadcast %rsqrt3A : vector<2000x1xf32> to vector<2000x128xf32>
    %mul3A_8 = arith.mulf %mul3A, %get3A_7 : vector<2000x128xf32>
    %swap3A = arith.constant 0 : index
    %swap3A_9 = arith.constant 0 : index
    %swap3A_10 = vector.load %arg3[%swap3A, %swap3A_9] : memref<2000x128xf32, #tpu.memory_space<vmem>>, vector<2000x128xf32>
    tpu.vector_store %arg3[%swap3A, %swap3A_9], %mul3A_8 {strides = array<i32>} : memref<2000x128xf32, #tpu.memory_space<vmem>>, vector<2000x128xf32>,
    return
  }
  func.func @transform_0(%arg0: i32) -> (i32, i32) {
    %c0_i32 = arith.constant 0 : i32
    %c0_i32_0 = arith.constant 0 : i32
    return %arg0, %c0_i32 : i32, i32
  }
  func.func @transform_1(%arg0: i32) -> (i32, i32) {
    %c0_i32 = arith.constant 0 : i32
    %c0_i32_0 = arith.constant 0 : i32
    return %arg0, %c0_i32 : i32, i32
  }
  func.func @transform_2(%arg0: i32) -> (i32, i32) {
    %c0_i32 = arith.constant 0 : i32
    %c0_i32_0 = arith.constant 0 : i32
    return %arg0, %c0_i32 : i32, i32
  }
}

module attributes {stable_mosaic.version = 14 : i64} {
  func.func @body(%arg0: i32, %arg1: memref<2000x32xf32, #tpu.memory_space<vmem>>, %arg2: memref<2000x128xf32, #tpu.memory_space<vmem>>, %arg3: memref<2x2000x128xf32, #tpu.memory_space<vmem>>, %arg4: memref<2000x128xf32, #tpu.memory_space<vmem>>) attributes {dimension_semantics = [#tpu.dimension_semantics<arbitrary>], iteration_bounds = array<i64: 5>, scalar_prefetch = 0 : i64, scratch_operands = 0 : i64, tpu.core_type = #tpu.core_type<tc>, window_params = [{transform_indices = @transform_0, window_bounds = array<i64: 2000, 32>}, {transform_indices = @transform_1, window_bounds = array<i64: 2000, 128>}, {transform_indices = @transform_2, window_bounds = array<i64: 2, 2000, 128>}, {transform_indices = @transform_3, window_bounds = array<i64: 2000, 128>}]} {
    %get3A = arith.constant 0 : index
    %get3A_0 = arith.constant 0 : index
    %get3A_1 = vector.load %arg1[%get3A, %get3A_0] : memref<2000x32xf32, #tpu.memory_space<vmem>>, vector<2000x32xf32>
    %reduce_sum3A = arith.constant dense<0.000000e+00> : vector<2000xf32>
    %reduce_sum3A_2 = vector.multi_reduction <add>, %get3A_1, %reduce_sum3A [1] : vector<2000x32xf32> to vector<2000xf32>
    %broadcast_in_dim3A = vector.shape_cast %reduce_sum3A_2 : vector<2000xf32> to vector<2000x1xf32>
    %add3A = arith.constant 1.000000e+00 : f32
    %add3A_3 = vector.broadcast %add3A : f32 to vector<2000x1xf32>
    %add3A_4 = arith.addf %broadcast_in_dim3A, %add3A_3 : vector<2000x1xf32>
    %rsqrt3A = math.rsqrt %add3A_4 : vector<2000x1xf32>
    %mul3A = arith.mulf %rsqrt3A, %rsqrt3A : vector<2000x1xf32>
    %get3A_5 = arith.constant 0 : index
    %get3A_6 = arith.constant 0 : index
    %get3A_7 = vector.load %arg2[%get3A_5, %get3A_6] : memref<2000x128xf32, #tpu.memory_space<vmem>>, vector<2000x128xf32>
    %get3A_8 = arith.constant 0 : index
    %get3A_9 = arith.constant 0 : index
    %get3A_10 = arith.constant 0 : index
    %get3A_11 = vector.load %arg3[%get3A_8, %get3A_9, %get3A_10] : memref<2x2000x128xf32, #tpu.memory_space<vmem>>, vector<1x2000x128xf32>
    %get3A_12 = vector.shape_cast %get3A_11 : vector<1x2000x128xf32> to vector<2000x128xf32>
    %add3A_13 = arith.addf %get3A_7, %get3A_12 : vector<2000x128xf32>
    %get3A_14 = arith.constant 1 : index
    %get3A_15 = arith.constant 0 : index
    %get3A_16 = arith.constant 0 : index
    %get3A_17 = vector.load %arg3[%get3A_14, %get3A_15, %get3A_16] : memref<2x2000x128xf32, #tpu.memory_space<vmem>>, vector<1x2000x128xf32>
    %get3A_18 = vector.shape_cast %get3A_17 : vector<1x2000x128xf32> to vector<2000x128xf32>
    %add3A_19 = arith.addf %add3A_13, %get3A_18 : vector<2000x128xf32>
    %mul3A_20 = vector.broadcast %mul3A : vector<2000x1xf32> to vector<2000x128xf32>
    %mul3A_21 = arith.mulf %mul3A_20, %add3A_19 : vector<2000x128xf32>
    %swap3A = arith.constant 0 : index
    %swap3A_22 = arith.constant 0 : index
    %swap3A_23 = vector.load %arg4[%swap3A, %swap3A_22] : memref<2000x128xf32, #tpu.memory_space<vmem>>, vector<2000x128xf32>
    tpu.vector_store %arg4[%swap3A, %swap3A_22], %mul3A_21 {strides = array<i32>} : memref<2000x128xf32, #tpu.memory_space<vmem>>, vector<2000x128xf32>,
    return
  }
  func.func @transform_0(%arg0: i32) -> (i32, i32) {
    %c0_i32 = arith.constant 0 : i32
    %c0_i32_0 = arith.constant 0 : i32
    return %arg0, %c0_i32 : i32, i32
  }
  func.func @transform_1(%arg0: i32) -> (i32, i32) {
    %c0_i32 = arith.constant 0 : i32
    %c0_i32_0 = arith.constant 0 : i32
    return %arg0, %c0_i32 : i32, i32
  }
  func.func @transform_2(%arg0: i32) -> (i32, i32, i32) {
    %c0_i32 = arith.constant 0 : i32
    %c0_i32_0 = arith.constant 0 : i32
    %c0_i32_1 = arith.constant 0 : i32
    return %c0_i32, %arg0, %c0_i32_0 : i32, i32, i32
  }
  func.func @transform_3(%arg0: i32) -> (i32, i32) {
    %c0_i32 = arith.constant 0 : i32
    %c0_i32_0 = arith.constant 0 : i32
    return %arg0, %c0_i32 : i32, i32
  }
}

module attributes {stable_mosaic.version = 14 : i64} {
  func.func @body(%arg0: i32, %arg1: memref<2000x32xf32, #tpu.memory_space<vmem>>, %arg2: memref<2000x128xf32, #tpu.memory_space<vmem>>, %arg3: memref<2x2000x128xf32, #tpu.memory_space<vmem>>, %arg4: memref<2000x128xf32, #tpu.memory_space<vmem>>) attributes {dimension_semantics = [#tpu.dimension_semantics<arbitrary>], iteration_bounds = array<i64: 5>, scalar_prefetch = 0 : i64, scratch_operands = 0 : i64, tpu.core_type = #tpu.core_type<tc>, window_params = [{transform_indices = @transform_0, window_bounds = array<i64: 2000, 32>}, {transform_indices = @transform_1, window_bounds = array<i64: 2000, 128>}, {transform_indices = @transform_2, window_bounds = array<i64: 2, 2000, 128>}, {transform_indices = @transform_3, window_bounds = array<i64: 2000, 128>}]} {
    %get3A = arith.constant 0 : index
    %get3A_0 = arith.constant 0 : index
    %get3A_1 = vector.load %arg1[%get3A, %get3A_0] : memref<2000x32xf32, #tpu.memory_space<vmem>>, vector<2000x32xf32>
    %reduce_sum3A = arith.constant dense<0.000000e+00> : vector<2000xf32>
    %reduce_sum3A_2 = vector.multi_reduction <add>, %get3A_1, %reduce_sum3A [1] : vector<2000x32xf32> to vector<2000xf32>
    %broadcast_in_dim3A = vector.shape_cast %reduce_sum3A_2 : vector<2000xf32> to vector<2000x1xf32>
    %add3A = arith.constant 1.000000e+00 : f32
    %add3A_3 = vector.broadcast %add3A : f32 to vector<2000x1xf32>
    %add3A_4 = arith.addf %broadcast_in_dim3A, %add3A_3 : vector<2000x1xf32>
    %rsqrt3A = math.rsqrt %add3A_4 : vector<2000x1xf32>
    %get3A_5 = arith.constant 0 : index
    %get3A_6 = arith.constant 0 : index
    %get3A_7 = vector.load %arg2[%get3A_5, %get3A_6] : memref<2000x128xf32, #tpu.memory_space<vmem>>, vector<2000x128xf32>
    %get3A_8 = arith.constant 0 : index
    %get3A_9 = arith.constant 0 : index
    %get3A_10 = arith.constant 0 : index
    %get3A_11 = vector.load %arg3[%get3A_8, %get3A_9, %get3A_10] : memref<2x2000x128xf32, #tpu.memory_space<vmem>>, vector<1x2000x128xf32>
    %get3A_12 = vector.shape_cast %get3A_11 : vector<1x2000x128xf32> to vector<2000x128xf32>
    %add3A_13 = arith.addf %get3A_7, %get3A_12 : vector<2000x128xf32>
    %get3A_14 = arith.constant 1 : index
    %get3A_15 = arith.constant 0 : index
    %get3A_16 = arith.constant 0 : index
    %get3A_17 = vector.load %arg3[%get3A_14, %get3A_15, %get3A_16] : memref<2x2000x128xf32, #tpu.memory_space<vmem>>, vector<1x2000x128xf32>
    %get3A_18 = vector.shape_cast %get3A_17 : vector<1x2000x128xf32> to vector<2000x128xf32>
    %add3A_19 = arith.addf %add3A_13, %get3A_18 : vector<2000x128xf32>
    %mul3A = vector.broadcast %rsqrt3A : vector<2000x1xf32> to vector<2000x128xf32>
    %mul3A_20 = arith.mulf %mul3A, %add3A_19 : vector<2000x128xf32>
    %swap3A = arith.constant 0 : index
    %swap3A_21 = arith.constant 0 : index
    %swap3A_22 = vector.load %arg4[%swap3A, %swap3A_21] : memref<2000x128xf32, #tpu.memory_space<vmem>>, vector<2000x128xf32>
    tpu.vector_store %arg4[%swap3A, %swap3A_21], %mul3A_20 {strides = array<i32>} : memref<2000x128xf32, #tpu.memory_space<vmem>>, vector<2000x128xf32>,
    return
  }
  func.func @transform_0(%arg0: i32) -> (i32, i32) {
    %c0_i32 = arith.constant 0 : i32
    %c0_i32_0 = arith.constant 0 : i32
    return %arg0, %c0_i32 : i32, i32
  }
  func.func @transform_1(%arg0: i32) -> (i32, i32) {
    %c0_i32 = arith.constant 0 : i32
    %c0_i32_0 = arith.constant 0 : i32
    return %arg0, %c0_i32 : i32, i32
  }
  func.func @transform_2(%arg0: i32) -> (i32, i32, i32) {
    %c0_i32 = arith.constant 0 : i32
    %c0_i32_0 = arith.constant 0 : i32
    %c0_i32_1 = arith.constant 0 : i32
    return %c0_i32, %arg0, %c0_i32_0 : i32, i32, i32
  }
  func.func @transform_3(%arg0: i32) -> (i32, i32) {
    %c0_i32 = arith.constant 0 : i32
    %c0_i32_0 = arith.constant 0 : i32
    return %arg0, %c0_i32 : i32, i32
  }
}

</mosaic_0001>

<sc_bundles>
// kernel: kernel.11.cloned.1.call-start
scs
__scs_entry_jumppad:
0x0: {  	(pc) =	sbr.rel $0x88, $3  }
0x1: {  	(tag) =	ssettag $0x0;
	lr =	simm.s32 $0x1  }
0x2: {  	[smem:$0x3F9F] =	sst lr;
	_ =	strace $0xD0000000  }
0x3: {  	_ = 	snop  }
0x4: {  	_ = 	snop  }
0x5: {  	_ = 	snop  }
0x6: {  	_ = 	snop  }
0x7: {  	_ = 	snop  }
__scs_overlays_trampoline_lowered:
0x8: {  	[smem:$0x3FAE] =	sst s0  }
0x9: {  	[smem:$0x3FAF] =	sst s1  }
0xa: {  	[smem:$0x3FB0] =	sst s2  }
0xb: {  	[smem:$0x3FB1] =	sst s3  }
0xc: {  	[smem:$0x3FB2] =	sst s4  }
0xd: {  	[smem:$0x3FB3] =	sst s5  }
0xe: {  	[smem:$0x3FB4] =	sst s6  }
0xf: {  	[smem:$0x3FB5] =	sst s7  }
0x10: {  	[smem:$0x3FB6] =	sst s8  }
0x11: {  	[smem:$0x3FB7] =	sst s9;
	s0 =	simm.s32 @!p0 $0x0  }
0x12: {  	s1 =	sld [smem:$0x3F9D];
	s0 =	simm.s32 @p0 $0x1  }
0x13: {  	[smem:$0x3FB8] =	sst s0;
	s0 =	simm.s32 @!p1 $0x0  }
0x14: {  	s2 =	sld [smem:$0x3F9C];
	s0 =	simm.s32 @p1 $0x1  }
0x15: {  	[smem:$0x3FB9] =	sst s0;
	s0 =	simm.s32 @!p2 $0x0  }
0x16: {  	s3 =	sld [smem:$0x3FDB];
	s0 =	simm.s32 @p2 $0x1  }
0x17: {  	s4 =	simm.s32 $0x1BF5;
	[smem:$0x3FBB] =	sst s0  }
0x18: {  	s0 =	sld [smem:$0x3F9E];
	_ =	swait.ge [sflag:s4], $0x0  }
0x19: {  	s7 =	sld [smem:$0x3F9F]  }
0x1a: {  	s8 =	sadd.s32 $0xFFFFE003, lr  }
0x1b: {  	s9 =	sadd.s32 $0xFFFFFEF7, lr;
	s5 =	simm.s32 $0xFFFFFFFF;
	p2 =	slt.u32 s8, $0xFFFFF086  }
0x1c: {  	p1 =	slt.u32 s9, $0xF7A;
	s5 =	simm.s32 @!p2 $0x0  }
0x1d: {  	s5 =	simm.s32 @p1 $0x1;
	p0 =	seq.s32 s7, s2  }
0x1e: {  	s7 =	smul.u32 @!p0 $0xF7A, s2;
	p2 =	seq.s32 @!p0 s5, $0x0  }
0x1f: {  	s9 =	smul.u32 $0xF7A, s1;
	s8 =	simm.s32 @!p0 $0x1BF5;
	p2 =	por !p2, p0  }
0x20: {  	[sflag:s8] =	ssyncset.s32 @!p0 $0xFFFFF086;
	s6 =	sadd.s32 @!p0 s3, s7;
	s7 =	simm.s32 @!p0 $0x108  }
0x21: {  	s3 =	sadd.s32 s3, s9;
	s6 =	sadd.s32 @!p0 $0x88, s6;
	s7 =	simm.s32 @p2 $0x1082  }
0x22: {  	[simem:s7], [sflag:s8] =	dma.local @!p0 [hbm:s6], $0xF7A  }
0x23: {  	s9 =	sor.u32 $0xD0000000, s2;
	s6 =	simm.s32 $0x108;
	_ =	swait.ge @!p0 [sflag:s8], $0x0  }
0x24: {  	s3 =	sadd.s32 $0x88, s3;
	s6 =	simm.s32 @!p1 $0x1082;
	[sflag:s4] =	ssyncset.s32 $0xFFFFF086  }
0x25: {  	[simem:s6], [sflag:s4] =	dma.local [hbm:s3], $0xF7A  }
0x26: {  	[smem:$0x3F9F] =	sst s1;
	(tag) =	ssettag s2;
	_ =	strace s9  }
0x27: {  	s1 =	sld [smem:$0x3FAF]  }
0x28: {  	s2 =	sld [smem:$0x3FB0]  }
0x29: {  	s4 =	sld [smem:$0x3FB2]  }
0x2a: {  	p0 =	seq.s32 s5, $0x0;
	s5 =	sld [smem:$0x3FB3]  }
0x2b: {  	s6 =	sld [smem:$0x3FB4]  }
0x2c: {  	s7 =	sld [smem:$0x3FB5]  }
0x2d: {  	s3 =	simm.s32 $0x108;
	s8 =	sld [smem:$0x3FB6]  }
0x2e: {  	s3 =	simm.s32 @!p0 $0x1082;
	s9 =	sld [smem:$0x3FB7]  }
0x2f: {  	lr =	sadd.s32 s0, s3;
	s0 =	sld [smem:$0x3FAE]  }
0x30: {  	s3 =	sld [smem:$0x3FB1]  }
0x31: {  	[smem:$0x3FBA] =	sst s10  }
0x32: {  	s10 =	sld [smem:$0x3FB8];
	_ =	sdelay $0x3  }
0x33: {  	p0 =	seq.s32 s10, $0x1;
	s10 =	sld [smem:$0x3FBA];
	_ =	sdelay $0x3  }
0x34: {  	[smem:$0x3FBA] =	sst s10  }
0x35: {  	s10 =	sld [smem:$0x3FB9];
	_ =	sdelay $0x3  }
0x36: {  	p1 =	seq.s32 s10, $0x1;
	s10 =	sld [smem:$0x3FBA];
	_ =	sdelay $0x3  }
0x37: {  	[smem:$0x3FBA] =	sst s10  }
0x38: {  	s10 =	sld [smem:$0x3FBB]  }
0x39: {  	_ = 	snop;
	(pc) =	sbr.ind lr, $3  }
0x3a: {  	_ = 	snop  }
0x3b: {  	_ = 	snop  }
0x3c: {  	p2 =	seq.s32 s10, $0x1;
	s10 =	sld [smem:$0x3FBA]  }
0x3d: {  	_ =	shalt  }
0x3e: {  	_ =	shalt  }
0x3f: {  	_ =	shalt  }
0x40: {  	_ =	shalt  }
0x41: {  	_ =	shalt  }
0x42: {  	_ =	shalt  }
0x43: {  	_ =	shalt  }
0x44: {  	_ =	shalt  }
0x45: {  	_ =	shalt  }
0x46: {  	_ =	shalt  }
0x47: {  	_ =	shalt  }
0x48: {  	_ =	shalt  }
0x49: {  	_ =	shalt  }
0x4a: {  	_ =	shalt  }
0x4b: {  	_ =	shalt  }
0x4c: {  	_ =	shalt  }
0x4d: {  	_ =	shalt  }
0x4e: {  	_ =	shalt  }
0x4f: {  	_ =	shalt  }
0x50: {  	_ =	shalt  }
0x51: {  	_ =	shalt  }
0x52: {  	_ =	shalt  }
0x53: {  	_ =	shalt  }
0x54: {  	_ =	shalt  }
0x55: {  	_ =	shalt  }
0x56: {  	_ =	shalt  }
0x57: {  	_ =	shalt  }
0x58: {  	_ =	shalt  }
0x59: {  	_ =	shalt  }
0x5a: {  	_ =	shalt  }
0x5b: {  	_ =	shalt  }
0x5c: {  	_ =	shalt  }
0x5d: {  	_ =	shalt  }
0x5e: {  	_ =	shalt  }
0x5f: {  	_ =	shalt  }
0x60: {  	_ =	shalt  }
0x61: {  	_ =	shalt  }
0x62: {  	_ =	shalt  }
0x63: {  	_ =	shalt  }
0x64: {  	_ =	shalt  }
0x65: {  	_ =	shalt  }
0x66: {  	_ =	shalt  }
0x67: {  	_ =	shalt  }
0x68: {  	_ =	shalt  }
0x69: {  	_ =	shalt  }
0x6a: {  	_ =	shalt  }
0x6b: {  	_ =	shalt  }
0x6c: {  	_ =	shalt  }
0x6d: {  	_ =	shalt  }
0x6e: {  	_ =	shalt  }
0x6f: {  	_ =	shalt  }
0x70: {  	_ =	shalt  }
0x71: {  	_ =	shalt  }
0x72: {  	_ =	shalt  }
0x73: {  	_ =	shalt  }
0x74: {  	_ =	shalt  }
0x75: {  	_ =	shalt  }
0x76: {  	_ =	shalt  }
0x77: {  	_ =	shalt  }
0x78: {  	_ =	shalt  }
0x79: {  	_ =	shalt  }
0x7a: {  	_ =	shalt  }
0x7b: {  	_ =	shalt  }
0x7c: {  	_ =	shalt  }
0x7d: {  	_ =	shalt  }
0x7e: {  	_ =	shalt  }
0x7f: {  	_ =	shalt  }
0x80: {  	_ =	shalt  }
0x81: {  	_ =	shalt  }
0x82: {  	_ =	shalt  }
0x83: {  	_ =	shalt  }
0x84: {  	_ =	shalt  }
0x85: {  	_ =	shalt  }
0x86: {  	_ =	shalt  }
0x87: {  	_ =	shalt  }
.Lfunc_end0:
.L_simem_size_0:
called_computation.1_lowered:
.L_overlay_start_0:
0x88: {  	s2 =	sld [smem:$0x3FD9]  }
0x89: {  	s3 =	sld [smem:$0x3FFE];
	_ =	sdelay $0x1  }
0x8a: {  	s1 =	srdreg.scid  }
0x8b: {  	s0 =	sand.u32 $0x1, s1  }
0x8c: {  	s17 =	sshll.u32 s0, $0xA;
	s2 =	sadd.s32 s3, s2  }
0x8d: {  	s2 =	sadd.s32 s2, s17  }
0x8e: {  	[smem:$0x3FC6] =	sst s2  }
0x8f: {  	_ = 	snop  }
0x90: {  	s2 =	sld [smem:$0x3FD0];
	(tm) =	ssettm $0x1  }
0x91: {  	s18 =	sld [smem:$0x3FFB];
	_ =	sdelay $0x3  }
0x92: {  	_ =	strace s18  }
0x93: {  	s3 =	sld [smem:$0x3FFC];
	_ =	sdelay $0x3  }
0x94: {  	_ =	strace s3  }
0x95: {  	s3 =	sld [smem:$0x3FFD];
	_ =	sdelay $0x3  }
0x96: {  	_ =	strace s3  }
0x97: {  	_ =	strace $0x8FFFFFFF  }
0x98: {  	s19 =	sld [smem:$0x3FDB];
	_ =	sdelay $0x1  }
0x99: {  	s4 =	simm.s32 $_scs_section_size  }
0x9a: {  	s5 =	simm.s32 $_size__tile_overlayer_lowered;
	s6 =	simm.s32 $_tile_overlayer_lowered  }
0x9b: {  	s22 =	simm.s32 $0x1BFF;
	s21 =	sshll.u32 s6, $0x1;
	s3 =	sadd.s32 s4, s19  }
0x9c: {  	s7 =	simm.s32 $0x0;
	s20 =	sshll.u32 s5, $0x1;
	s5 =	sadd.s32 s21, s3  }
0x9d: {  	[timem:s7], [sflag:s22] =	dma.local [hbm:s5], s20  }
0x9e: {  	_ =	swait.ge [sflag:s22], s20  }
0x9f: {  	s4 =	ssub.s32 $0x0, s20;
	[sflag:s22] =	ssyncset.done $0x0  }
0xa0: {  	[sflag:s22] =	ssyncadd.s32 s4;
	_ =	sdelay $0x1  }
0xa1: {  	s23 =	simm.s32 $0x1B8B  }
0xa2: {  	_ =	swait.ge [sflag:s23], $0x1  }
0xa3: {  	[sflag:s23] =	ssyncset.done $0x0  }
0xa4: {  	s25 =	simm.s32 $0x1B8E;
	s24 =	sld [smem:$0x3FFE];
	[sflag:s23] =	ssyncadd.s32 $0xFFFFFFFF  }
0xa5: {  	s26 =	simm.s32 $execute0_lowered;
	[smem:$0x3FD2] =	sst s25  }
0xa6: {  	s5 =	sshll.u32 s26, $0x1;
	_ =	strace $0x80000049;
	[dreg:$0x1] =	wrdreg $0xFFFFFFFF  }
0xa7: {  	s28 =	simm.s32 $_size_execute0_lowered;
	s3 =	sadd.s32 s3, s5;
	[dreg:$0x0] =	wrdreg $0x0  }
0xa8: {  	s5 =	sshll.u32 s28, $0x1;
	[dreg:$0x2] =	wrdreg s3  }
0xa9: {  	[dreg:$0x3] =	wrdreg s5  }
0xaa: {  	[dreg:$0x4] =	wrdreg $0xC0  }
0xab: {  	_ =	task [dreg:s7], $0x5FFFF  }
0xac: {  	[dreg:$0x1] =	wrdreg $0xFFFFFFFF  }
0xad: {  	[dreg:$0x0] =	wrdreg $0x60  }
0xae: {  	[dreg:$0x2] =	wrdreg s2  }
0xaf: {  	[dreg:$0x3] =	wrdreg s24  }
0xb0: {  	[dreg:$0x4] =	wrdreg $0x8E000  }
0xb1: {  	[dreg:$0x5] =	wrdreg $0x9  }
0xb2: {  	_ =	task.clear_ibuf [dreg:s7], $0x6FFFF;
	_ =	strace $0x90000049  }
0xb3: {  	s29 =	simm.s32 $0x9;
	_ =	strace $0x8000004B  }
0xb4: {  	_ =	swait.ge [sflag:s29], $0x1  }
0xb5: {  	[sflag:s29] =	ssyncadd.s32 $0xFFFFFFFF  }
0xb6: {  	_ =	strace $0x9000004B  }
0xb7: {  	_ =	sfence  }
0xb8: {  	s30 =	sld [smem:$0x0];
	_ =	sdelay $0x2  }
0xb9: {  	s31 =	sshll.u32 s1, $0xD;
	s1 =	sshrl.u32 s1, $0x2  }
0xba: {  	s3 =	sand.u32 $0x4000, s31;
	s1 =	sadd.s32 s1, s30  }
0xbb: {  	s0 =	sor.u32 s3, s0;
	s1 =	sshll.u32 s1, $0x11  }
0xbc: {  	s0 =	sor.u32 s1, s0  }
0xbd: {  	s0 =	sadd.s32 $0x8F2B, s0  }
0xbe: {  	[sflag:s0] =	ssyncadd.remote.s32 $0x1  }
0xbf: {  	_ =	sfence.sel $0xFFFF  }
0xc0: {  	[dreg:$0x0] =	wrdreg $0xFFFFFFFF;
	(pc) =	sbr.abs _section_cstart, $3  }
0xc1: {  	[dreg:$0x1] =	wrdreg $0xFFFFFFFF  }
0xc2: {  	_ =	task.clear_ibuf [dreg:s7], $0x2FFFF;
	_ =	strace $0x9FFFFFFF  }
0xc3: {  	(tm) =	ssettm $0x7FFFFFFF  }
tec
execute0_lowered:
.L_overlay_start_1:
0x0: {  	(tag) =	ssettag $0x1  }
0x1: {  	s0 =	srdreg.scid;
	s1 =	rddreg [dreg:$0x0]  }
0x2: {  	s12 =	stileid.u32;
	s6 =	rddreg [dreg:$0x1]  }
0x3: {  	s3 =	rddreg [dreg:$0x2];
	s4 =	simm.s32 $0x0;
	s25 =	simm.s32 $0x2900  }
0x4: {  	s26 =	simm.s32 $0x6600;
	s28 =	simm.s32 $0x1;
	s29 =	simm.s32 $0xB  }
0x5: {  	s30 =	simm.s32 $0x2;
	s31 =	simm.s32 $0xC;
	s0 =	sand.u32 $0x1, s0  }
0x6: {  	s2 =	sshll.u32 s12, $0x1;
	[smem:$0x7FF] =	sst s4;
	s8 =	smul.u32 $0x14000, s12  }
0x7: {  	s5 =	sadd.s32 $0xBA00, s6;
	s11 =	smul.u32 $0x50000, s12;
	s13 =	sadd.s32 $0x15800, s6  }
0x8: {  	s17 =	smul.u32 $0x4E20, s12;
	s12 =	sshll.u32 s12, $0x6;
	s2 =	sor.u32 s0, s2  }
0x9: {  	s7 =	smul.u32 $0x140000, s0;
	_ =	strace $0x8000004A;
	[dreg:$0x6] =	wrdreg s13  }
0xa: {  	s14 =	ssub.s32 $0x2, s0;
	s0 =	smul.u32 $0x2710, s0;
	[dreg:$0x4] =	wrdreg s25  }
0xb: {  	s12 =	sor.u32 $0x1C10, s12;
	s13 =	simm.s32 $0x10;
	[dreg:$0x5] =	wrdreg s26  }
0xc: {  	s25 =	simm.s32 $0x2880;
	s26 =	simm.s32 $0x5200;
	s2 =	smul.u32 $0x2710, s2  }
0xd: {  	s15 =	sshrl.u32 s14, $0x1;
	s16 =	sshrl.u32 s11, $0x2;
	[dreg:$0x7] =	wrdreg s12  }
0xe: {  	s7 =	sadd.s32 s8, s7;
	s8 =	sadd.s32 s16, s3;
	s0 =	sadd.s32 s0, s17  }
0xf: {  	s9 =	sshrl.u32 s2, $0x3;
	s7 =	sshrl.u32 s7, $0x3;
	s2 =	sadd.s32 $0x28, s2  }
0x10: {  	s19 =	sadd.s32 $0xF0, s0;
	s21 =	sadd.s32 $0xC8, s0;
	s22 =	sadd.s32 $0xA0, s0  }
0x11: {  	s23 =	sadd.s32 $0x78, s0;
	s0 =	sadd.s32 $0x50, s0;
	s11 =	sshrl.u32 s8, $0x3  }
0x12: {  	s8 =	simm.s32 $0xD;
	s10 =	sadd.s32 s9, s6;
	s6 =	sadd.s32 s7, s6  }
0x13: {  	s7 =	ssub.s32 s14, s15;
	s9 =	sadd.s32 s5, s9;
	[dreg:$0xd] =	wrdreg s21  }
0x14: {  	s2 =	sshrl.u32 s2, $0x3;
	s0 =	sshrl.u32 s0, $0x3;
	[dreg:$0x12] =	wrdreg s11  }
0x15: {  	s21 =	simm.s32 $0x28;
	s10 =	sadd.s32 $0x1C00, s10;
	[dreg:$0x9] =	wrdreg s9  }
0x16: {  	s14 =	simm.s32 $0x0;
	s2 =	sadd.s32 s5, s2;
	[dreg:$0x8] =	wrdreg s10  }
0x17: {  	s18 =	sadd.s32 $0x18000, s6;
	s20 =	smax.u32 s7, $0x1;
	[dreg:$0xa] =	wrdreg s2  }
0x18: {  	s6 =	sshrl.u32 s23, $0x3;
	s0 =	sadd.s32 s0, s5;
	[dreg:$0xb] =	wrdreg s18  }
0x19: {  	s9 =	simm.s32 $0x5;
	[dreg:$0xc] =	wrdreg s20;
	s2 =	sshrl.u32 s19, $0x3  }
0x1a: {  	s24 =	sadd.s32 s6, s5;
	[dreg:$0x11] =	wrdreg s0;
	s2 =	sadd.s32 s2, s5  }
0x1b: {  	s0 =	simm.s32 $0x7A00;
	[dreg:$0xe] =	wrdreg s2;
	s2 =	sshrl.u32 s22, $0x3  }
0x1c: {  	s6 =	simm.s32 $0x3;
	[dreg:$0x10] =	wrdreg s24;
	s2 =	sadd.s32 s2, s5  }
0x1d: {  	s10 =	simm.s32 $0xF;
	[dreg:$0xf] =	wrdreg s2;
	s2 =	simm.s32 $0x2980  }
.LBB2_1:
0x1e: {  	[dreg:$0x13] =	wrdreg s14  }
0x1f: {  	s7 =	rddreg [dreg:$0x6]  }
0x20: {  	[spmem:s11], [sflag:s12] =	dma.local [hbm:s7], $0x2800  }
0x21: {  	_ =	swait.ge [sflag:s13], $0x2800  }
0x22: {  	[sflag:s13] =	ssyncset.done $0x0  }
0x23: {  	s24 =	rddreg [dreg:$0x8];
	[sflag:s13] =	ssyncadd.s32 $0xFFFFD800  }
0x24: {  	[tilespmem:s4], [sflag:$0x10] =	stream.linear.gather [hbm4b:s24+s4], $0x2710, $0x38;
	[tilespmem:$0x1CE00] =	vst v63  }
0x25: {  	_ =	swait.ge [sflag:s13], $0x2710  }
0x26: {  	[sflag:s13] =	ssyncset.done $0x0  }
0x27: {  	[sflag:s13] =	ssyncadd.s32 $0xFFFFD8F0  }
0x28: {  	[bflag:$0x0] =	sbarrier.arrive $0xFFFF  }
0x29: {  	s12 =	simm.s32 $0x2780;
	s11 =	rddreg [dreg:$0x9]  }
0x2a: {  	[tilespmem:s12], [sflag:$0xB] =	stream.linear.gather [hbm4b:s11+s4], $0x28, $0x38;
	[tilespmem:$0x1CE00] =	vst v63  }
0x2b: {  	p0 =	por $0x1, $0x1;
	s13 =	simm.s32 $0x2A00  }
0x2c: {  	[tilespmem:s13], [sflag:$0x1] =	stream.indirect.gather [hbm4b:s1+s21], $0x80, s4, s21, $0xb8;
	[tilespmem:$0x1CE00] =	vst v63  }
0x2d: {  	s15 =	simm.s32 $0x2800;
	p0 =	por p0, p0;
	s14 =	rddreg [dreg:$0xa]  }
0x2e: {  	[tilespmem:s15], [sflag:$0xC] =	stream.linear.gather [hbm4b:s14+s4], $0x28, $0x38;
	[tilespmem:$0x1CE00] =	vst v63  }
0x2f: {  	s17 =	simm.s32 $0x3E00;
	s7 =	simm.s32 @!p0 $0x8  }
0x30: {  	[tilespmem:s17], [sflag:$0x2] =	stream.indirect.gather [hbm4b:s1+s21], $0x80, s21, s21, $0xb8;
	[tilespmem:$0x1CE00] =	vst v63  }
0x31: {  	_ =	swait.ge @!p0 [sflag:s7], $0x1400  }
0x32: {  	[sflag:s7] =	ssyncset.done @!p0 $0x0  }
0x33: {  	s20 =	rddreg [dreg:$0x11];
	[sflag:s7] =	ssyncadd.s32 @!p0 $0xFFFFEC00  }
0x34: {  	[tilespmem:s25], [sflag:$0xD] =	stream.linear.gather [hbm4b:s20+s4], $0x28, $0x38;
	[tilespmem:$0x1CE00] =	vst v63  }
0x35: {  	s18 =	simm.s32 $0x50  }
0x36: {  	[tilespmem:s26], [sflag:$0x3] =	stream.indirect.gather [hbm4b:s1+s21], $0x80, s18, s21, $0xb8;
	[tilespmem:$0x1CE00] =	vst v63  }
0x37: {  	_ =	swait.ge [sflag:s28], $0x1400  }
0x38: {  	[sflag:s28] =	ssyncset.done $0x0  }
0x39: {  	[sflag:s28] =	ssyncadd.s32 $0xFFFFEC00  }
0x3a: {  	_ =	swait.ge [sflag:s29], $0x28  }
0x3b: {  	[sflag:s29] =	ssyncset.done $0x0  }
0x3c: {  	s7 =	simm.s32 @!p0 $0x9;
	[sflag:s29] =	ssyncadd.s32 $0xFFFFFFD8  }
0x3d: {  	[spmem:s3] =	stream.indirect.scatter.add.f32 [tilespmem:s13], [sflag:$0x6], $0x80, s12, s21, $0xb8;
	[tilespmem:$0x1CE00] =	vst v63  }
0x3e: {  	_ =	swait.ge @!p0 [sflag:s7], $0x1400  }
0x3f: {  	s19 =	rddreg [dreg:$0x4];
	[sflag:s7] =	ssyncset.done @!p0 $0x0  }
0x40: {  	s16 =	rddreg [dreg:$0x10];
	[sflag:s7] =	ssyncadd.s32 @!p0 $0xFFFFEC00  }
0x41: {  	[tilespmem:s19], [sflag:$0xE] =	stream.linear.gather [hbm4b:s16+s4], $0x28, $0x38;
	[tilespmem:$0x1CE00] =	vst v63  }
0x42: {  	s23 =	simm.s32 $0x78;
	s22 =	rddreg [dreg:$0x5]  }
0x43: {  	[tilespmem:s22], [sflag:$0x4] =	stream.indirect.gather [hbm4b:s1+s21], $0x80, s23, s21, $0xb8;
	[tilespmem:$0x1CE00] =	vst v63  }
0x44: {  	_ =	swait.ge [sflag:s30], $0x1400  }
0x45: {  	[sflag:s30] =	ssyncset.done $0x0  }
0x46: {  	[sflag:s30] =	ssyncadd.s32 $0xFFFFEC00  }
0x47: {  	_ =	swait.ge [sflag:s31], $0x28  }
0x48: {  	[sflag:s31] =	ssyncset.done $0x0  }
0x49: {  	s7 =	simm.s32 @!p0 $0xA;
	[sflag:s31] =	ssyncadd.s32 $0xFFFFFFD8  }
0x4a: {  	[spmem:s3] =	stream.indirect.scatter.add.f32 [tilespmem:s17], [sflag:$0x7], $0x80, s15, s21, $0xb8;
	[tilespmem:$0x1CE00] =	vst v63  }
0x4b: {  	_ =	swait.ge @!p0 [sflag:s7], $0x1400  }
0x4c: {  	[sflag:s7] =	ssyncset.done @!p0 $0x0  }
0x4d: {  	s19 =	rddreg [dreg:$0xf];
	[sflag:s7] =	ssyncadd.s32 @!p0 $0xFFFFEC00  }
0x4e: {  	[tilespmem:s2], [sflag:$0xF] =	stream.linear.gather [hbm4b:s19+s4], $0x28, $0x38;
	[tilespmem:$0x1CE00] =	vst v63  }
0x4f: {  	s24 =	simm.s32 $0xA0  }
0x50: {  	[tilespmem:s0], [sflag:$0x5] =	stream.indirect.gather [hbm4b:s1+s21], $0x80, s24, s21, $0xb8;
	[tilespmem:$0x1CE00] =	vst v63  }
0x51: {  	_ =	swait.ge [sflag:s6], $0x1400  }
0x52: {  	[sflag:s6] =	ssyncset.done $0x0  }
0x53: {  	[sflag:s6] =	ssyncadd.s32 $0xFFFFEC00  }
0x54: {  	_ =	swait.ge [sflag:s8], $0x28  }
0x55: {  	p0 =	por $0x0, $0x0;
	[sflag:s8] =	ssyncset.done $0x0  }
0x56: {  	s7 =	simm.s32 @p0 $0x4;
	[sflag:s8] =	ssyncadd.s32 $0xFFFFFFD8  }
0x57: {  	[spmem:s3] =	stream.indirect.scatter.add.f32 [tilespmem:s26], [sflag:$0x8], $0x80, s25, s21, $0xb8;
	[tilespmem:$0x1CE00] =	vst v63  }
0x58: {  	_ =	swait.ge @p0 [sflag:s7], $0x1400  }
0x59: {  	[sflag:s7] =	ssyncset.done @p0 $0x0  }
0x5a: {  	s11 =	simm.s32 @p0 $0xE;
	[sflag:s7] =	ssyncadd.s32 @p0 $0xFFFFEC00  }
0x5b: {  	_ =	swait.ge @p0 [sflag:s11], $0x28  }
0x5c: {  	s13 =	simm.s32 @p0 $0x28;
	s14 =	simm.s32 @p0 $0x2900;
	[sflag:s11] =	ssyncset.done @p0 $0x0  }
0x5d: {  	s7 =	simm.s32 @p0 $0x6600;
	[sflag:s11] =	ssyncadd.s32 @p0 $0xFFFFFFD8;
	s11 =	simm.s32 @!p0 $0x6  }
0x5e: {  	[spmem:s3] =	stream.indirect.scatter.add.f32 @p0 [tilespmem:s7], [sflag:$0x9], $0x80, s14, s13, $0xb8;
	[tilespmem:$0x1CE00] =	vst v63  }
0x5f: {  	s15 =	simm.s32 @!p0 $0x2780;
	s12 =	rddreg [dreg:$0xd];
	_ =	swait.ge @!p0 [sflag:s11], $0x1400  }
0x60: {  	s7 =	sshrl.u32 @!p0 s12, $0x3;
	s13 =	simm.s32 @!p0 $0xC8;
	[sflag:s11] =	ssyncset.done @!p0 $0x0  }
0x61: {  	s14 =	simm.s32 @!p0 $0x0;
	s7 =	sadd.s32 @!p0 s5, s7;
	[sflag:s11] =	ssyncadd.s32 @!p0 $0xFFFFEC00  }
0x62: {  	[tilespmem:s15], [sflag:$0xB] =	stream.linear.gather @!p0 [hbm4b:s7+s14], $0x28, $0x38;
	[tilespmem:$0x1CE00] =	vst v63  }
0x63: {  	s11 =	simm.s32 @!p0 $0x2A00;
	s7 =	simm.s32 @!p0 $0x28;
	s15 =	simm.s32 @!p0 $0x4  }
0x64: {  	[tilespmem:s11], [sflag:$0x1] =	stream.indirect.gather @!p0 [hbm4b:s1+s7], $0x80, s13, s7, $0xb8;
	[tilespmem:$0x1CE00] =	vst v63  }
0x65: {  	_ =	swait.ge @!p0 [sflag:s15], $0x1400  }
0x66: {  	[sflag:s15] =	ssyncset.done @!p0 $0x0  }
0x67: {  	s11 =	simm.s32 @!p0 $0xE;
	[sflag:s15] =	ssyncadd.s32 @!p0 $0xFFFFEC00  }
0x68: {  	_ =	swait.ge @!p0 [sflag:s11], $0x28  }
0x69: {  	s13 =	simm.s32 @!p0 $0x2900;
	[sflag:s11] =	ssyncset.done @!p0 $0x0  }
0x6a: {  	s15 =	simm.s32 @!p0 $0x6600;
	[sflag:s11] =	ssyncadd.s32 @!p0 $0xFFFFFFD8;
	s11 =	simm.s32 @!p0 $0x7  }
0x6b: {  	[spmem:s3] =	stream.indirect.scatter.add.f32 @!p0 [tilespmem:s15], [sflag:$0x9], $0x80, s13, s7, $0xb8;
	[tilespmem:$0x1CE00] =	vst v63  }
0x6c: {  	_ =	swait.ge @!p0 [sflag:s11], $0x1400  }
0x6d: {  	[sflag:s11] =	ssyncset.done @!p0 $0x0  }
0x6e: {  	s13 =	simm.s32 @!p0 $0x2800;
	s18 =	rddreg [dreg:$0xe];
	[sflag:s11] =	ssyncadd.s32 @!p0 $0xFFFFEC00  }
0x6f: {  	[tilespmem:s13], [sflag:$0xC] =	stream.linear.gather @!p0 [hbm4b:s18+s14], $0x28, $0x38;
	[tilespmem:$0x1CE00] =	vst v63  }
0x70: {  	s11 =	simm.s32 @!p0 $0xF0;
	s13 =	simm.s32 @!p0 $0x3E00  }
0x71: {  	[tilespmem:s13], [sflag:$0x2] =	stream.indirect.gather @!p0 [hbm4b:s1+s7], $0x80, s11, s7, $0xb8;
	[tilespmem:$0x1CE00] =	vst v63  }
0x72: {  	p6 =	por $0x0, $0x0;
	s17 =	simm.s32 $0x640;
	_ =	swait.ge [sflag:s9], $0x1400  }
0x73: {  	s15 =	sadd.s32 $0x19, s16;
	s16 =	sadd.s32 $0x19, s20;
	[sflag:s9] =	ssyncset.done $0x0  }
0x74: {  	s14 =	sadd.s32 $0x19, s19;
	s7 =	simm.s32 $0x320;
	[sflag:s9] =	ssyncadd.s32 $0xFFFFEC00  }
0x75: {  	p0 =	por p6, p6;
	s11 =	sadd.s32 $0x19, s18;
	_ =	swait.ge [sflag:s10], $0x28  }
0x76: {  	s13 =	sadd.s32 $0xC8, s12;
	s19 =	simm.s32 @!p0 $0x8;
	[sflag:s10] =	ssyncset.done $0x0  }
.LBB2_2:
0x77: {  	[sflag:s10] =	ssyncadd.s32 $0xFFFFFFD8  }
0x78: {  	[spmem:s3] =	stream.indirect.scatter.add.f32 [tilespmem:s0], [sflag:$0xA], $0x80, s2, s21, $0xb8;
	[tilespmem:$0x1CE00] =	vst v63  }
0x79: {  	_ =	swait.ge @!p0 [sflag:s19], $0x1400  }
0x7a: {  	[sflag:s19] =	ssyncset.done @!p0 $0x0  }
0x7b: {  	[sflag:s19] =	ssyncadd.s32 @!p0 $0xFFFFEC00;
	s19 =	sshra.s32 s7, $0x2  }
0x7c: {  	[tilespmem:s25], [sflag:$0xD] =	stream.linear.gather [hbm4b:s16+s4], $0x28, $0x38;
	[tilespmem:$0x1CE00] =	vst v63  }
0x7d: {  	s12 =	sadd.s32 $0x50, s19  }
0x7e: {  	[tilespmem:s26], [sflag:$0x3] =	stream.indirect.gather [hbm4b:s1+s21], $0x80, s12, s21, $0xb8;
	[tilespmem:$0x1CE00] =	vst v63  }
0x7f: {  	_ =	swait.ge [sflag:s28], $0x1400  }
0x80: {  	[sflag:s28] =	ssyncset.done $0x0  }
0x81: {  	[sflag:s28] =	ssyncadd.s32 $0xFFFFEC00  }
0x82: {  	_ =	swait.ge [sflag:s29], $0x28  }
0x83: {  	s20 =	simm.s32 $0x2780;
	[sflag:s29] =	ssyncset.done $0x0  }
0x84: {  	s22 =	simm.s32 $0x2A00;
	s12 =	simm.s32 @!p0 $0x9;
	[sflag:s29] =	ssyncadd.s32 $0xFFFFFFD8  }
0x85: {  	[spmem:s3] =	stream.indirect.scatter.add.f32 [tilespmem:s22], [sflag:$0x6], $0x80, s20, s21, $0xb8;
	[tilespmem:$0x1CE00] =	vst v63  }
0x86: {  	_ =	swait.ge @!p0 [sflag:s12], $0x1400  }
0x87: {  	[sflag:s12] =	ssyncset.done @!p0 $0x0  }
0x88: {  	s22 =	rddreg [dreg:$0x4];
	[sflag:s12] =	ssyncadd.s32 @!p0 $0xFFFFEC00  }
0x89: {  	[tilespmem:s22], [sflag:$0xE] =	stream.linear.gather [hbm4b:s15+s4], $0x28, $0x38;
	[tilespmem:$0x1CE00] =	vst v63  }
0x8a: {  	s24 =	sadd.s32 $0x78, s19;
	s23 =	rddreg [dreg:$0x5]  }
0x8b: {  	[tilespmem:s23], [sflag:$0x4] =	stream.indirect.gather [hbm4b:s1+s21], $0x80, s24, s21, $0xb8;
	[tilespmem:$0x1CE00] =	vst v63  }
0x8c: {  	_ =	swait.ge [sflag:s30], $0x1400  }
0x8d: {  	[sflag:s30] =	ssyncset.done $0x0  }
0x8e: {  	[sflag:s30] =	ssyncadd.s32 $0xFFFFEC00  }
0x8f: {  	_ =	swait.ge [sflag:s31], $0x28  }
0x90: {  	s12 =	simm.s32 @!p0 $0xA;
	[sflag:s31] =	ssyncset.done $0x0  }
0x91: {  	s22 =	simm.s32 $0x2800;
	s23 =	simm.s32 $0x3E00;
	[sflag:s31] =	ssyncadd.s32 $0xFFFFFFD8  }
0x92: {  	[spmem:s3] =	stream.indirect.scatter.add.f32 [tilespmem:s23], [sflag:$0x7], $0x80, s22, s21, $0xb8;
	[tilespmem:$0x1CE00] =	vst v63  }
0x93: {  	_ =	swait.ge @!p0 [sflag:s12], $0x1400  }
0x94: {  	[sflag:s12] =	ssyncset.done @!p0 $0x0  }
0x95: {  	[sflag:s12] =	ssyncadd.s32 @!p0 $0xFFFFEC00  }
0x96: {  	[tilespmem:s2], [sflag:$0xF] =	stream.linear.gather [hbm4b:s14+s4], $0x28, $0x38;
	[tilespmem:$0x1CE00] =	vst v63  }
0x97: {  	s24 =	sadd.s32 $0xA0, s19  }
0x98: {  	[tilespmem:s0], [sflag:$0x5] =	stream.indirect.gather [hbm4b:s1+s21], $0x80, s24, s21, $0xb8;
	[tilespmem:$0x1CE00] =	vst v63  }
0x99: {  	_ =	swait.ge [sflag:s6], $0x1400  }
0x9a: {  	[sflag:s6] =	ssyncset.done $0x0  }
0x9b: {  	[sflag:s6] =	ssyncadd.s32 $0xFFFFEC00  }
0x9c: {  	p2 =	seq.s32 s17, $0x0;
	_ =	swait.ge [sflag:s8], $0x28  }
0x9d: {  	p0 =	por p2, p2;
	p2 =	seq.s32 s7, $0x9920;
	[sflag:s8] =	ssyncset.done $0x0  }
0x9e: {  	s12 =	simm.s32 @p2 $0x4;
	[sflag:s8] =	ssyncadd.s32 $0xFFFFFFD8  }
0x9f: {  	[spmem:s3] =	stream.indirect.scatter.add.f32 [tilespmem:s26], [sflag:$0x8], $0x80, s25, s21, $0xb8;
	[tilespmem:$0x1CE00] =	vst v63  }
0xa0: {  	_ =	swait.ge @p2 [sflag:s12], $0x1400  }
0xa1: {  	s18 =	smov.u32 s17;
	s7 =	sshra.s32 @!p2 s7, $0x2;
	[sflag:s12] =	ssyncset.done @p2 $0x0  }
0xa2: {  	s22 =	simm.s32 @p2 $0xE;
	s20 =	sadd.s32 @!p2 $0xC8, s7;
	[sflag:s12] =	ssyncadd.s32 @p2 $0xFFFFEC00  }
0xa3: {  	s23 =	sadd.s32 @!p2 $0xF0, s7;
	s7 =	smov.u32 s18;
	_ =	swait.ge @p2 [sflag:s22], $0x28  }
0xa4: {  	s18 =	simm.s32 @p2 $0x28;
	s24 =	simm.s32 @p2 $0x2900;
	[sflag:s22] =	ssyncset.done @p2 $0x0  }
0xa5: {  	s12 =	simm.s32 @p2 $0x6600;
	[sflag:s22] =	ssyncadd.s32 @p2 $0xFFFFFFD8;
	s22 =	simm.s32 @!p2 $0x6  }
0xa6: {  	[spmem:s3] =	stream.indirect.scatter.add.f32 @p2 [tilespmem:s12], [sflag:$0x9], $0x80, s24, s18, $0xb8;
	[tilespmem:$0x1CE00] =	vst v63  }
0xa7: {  	s19 =	sshrl.u32 @!p2 s13, $0x3;
	_ =	swait.ge @!p2 [sflag:s22], $0x1400  }
0xa8: {  	s19 =	sadd.s32 @!p2 s5, s19;
	[sflag:s22] =	ssyncset.done @!p2 $0x0  }
0xa9: {  	s12 =	simm.s32 @!p2 $0x0;
	s18 =	simm.s32 @!p2 $0x2780;
	[sflag:s22] =	ssyncadd.s32 @!p2 $0xFFFFEC00  }
0xaa: {  	[tilespmem:s18], [sflag:$0xB] =	stream.linear.gather @!p2 [hbm4b:s19+s12], $0x28, $0x38;
	[tilespmem:$0x1CE00] =	vst v63  }
0xab: {  	s24 =	simm.s32 @!p2 $0x2A00;
	s22 =	simm.s32 @!p2 $0x28;
	s18 =	simm.s32 @!p2 $0x4  }
0xac: {  	[tilespmem:s24], [sflag:$0x1] =	stream.indirect.gather @!p2 [hbm4b:s1+s22], $0x80, s20, s22, $0xb8;
	[tilespmem:$0x1CE00] =	vst v63  }
0xad: {  	_ =	swait.ge @!p2 [sflag:s18], $0x1400  }
0xae: {  	[sflag:s18] =	ssyncset.done @!p2 $0x0  }
0xaf: {  	s19 =	simm.s32 @!p2 $0xE;
	[sflag:s18] =	ssyncadd.s32 @!p2 $0xFFFFEC00  }
0xb0: {  	_ =	swait.ge @!p2 [sflag:s19], $0x28  }
0xb1: {  	s20 =	simm.s32 @!p2 $0x6600;
	[sflag:s19] =	ssyncset.done @!p2 $0x0  }
0xb2: {  	s18 =	simm.s32 @!p2 $0x2900;
	[sflag:s19] =	ssyncadd.s32 @!p2 $0xFFFFFFD8;
	s19 =	simm.s32 @!p2 $0x7  }
0xb3: {  	[spmem:s3] =	stream.indirect.scatter.add.f32 @!p2 [tilespmem:s20], [sflag:$0x9], $0x80, s18, s22, $0xb8;
	[tilespmem:$0x1CE00] =	vst v63  }
0xb4: {  	_ =	swait.ge @!p2 [sflag:s19], $0x1400  }
0xb5: {  	[sflag:s19] =	ssyncset.done @!p2 $0x0  }
0xb6: {  	s17 =	sadd.s32 $0x320, s17;
	s18 =	simm.s32 @!p2 $0x2800;
	[sflag:s19] =	ssyncadd.s32 @!p2 $0xFFFFEC00  }
0xb7: {  	[tilespmem:s18], [sflag:$0xC] =	stream.linear.gather @!p2 [hbm4b:s11+s12], $0x28, $0x38;
	[tilespmem:$0x1CE00] =	vst v63  }
0xb8: {  	p1 =	sne.s32 s17, $0x9C40;
	s19 =	simm.s32 @!p2 $0x3E00  }
0xb9: {  	[tilespmem:s19], [sflag:$0x2] =	stream.indirect.gather @!p2 [hbm4b:s1+s22], $0x80, s23, s22, $0xb8;
	[tilespmem:$0x1CE00] =	vst v63  }
.Ltmp0:
0xba: {  	_ =	swait.ge [sflag:s9], $0x1400;
	(pc) =	sbr.rel @p1 .LBB2_2-.Ltmp0, $4  }
0xbb: {  	[sflag:s9] =	ssyncset.done $0x0  }
0xbc: {  	s16 =	sadd.s32 $0x19, s16;
	s15 =	sadd.s32 $0x19, s15;
	[sflag:s9] =	ssyncadd.s32 $0xFFFFEC00  }
0xbd: {  	s14 =	sadd.s32 $0x19, s14;
	s13 =	sadd.s32 $0xC8, s13;
	_ =	swait.ge [sflag:s10], $0x28  }
0xbe: {  	s11 =	sadd.s32 $0x19, s11;
	s19 =	simm.s32 @!p0 $0x8;
	[sflag:s10] =	ssyncset.done $0x0  }
0xbf: {  	[sflag:s10] =	ssyncadd.s32 $0xFFFFFFD8  }
0xc0: {  	[spmem:s3] =	stream.indirect.scatter.add.f32 [tilespmem:s0], [sflag:$0xA], $0x80, s2, s21, $0xb8;
	[tilespmem:$0x1CE00] =	vst v63  }
0xc1: {  	_ =	swait.ge @!p0 [sflag:s19], $0x1400  }
0xc2: {  	[sflag:s19] =	ssyncset.done @!p0 $0x0  }
0xc3: {  	s12 =	sshra.s32 s7, $0x2;
	[sflag:s19] =	ssyncadd.s32 @!p0 $0xFFFFEC00  }
0xc4: {  	[tilespmem:s25], [sflag:$0xD] =	stream.linear.gather [hbm4b:s16+s4], $0x28, $0x38;
	[tilespmem:$0x1CE00] =	vst v63  }
0xc5: {  	s18 =	sadd.s32 $0x50, s12  }
0xc6: {  	[tilespmem:s26], [sflag:$0x3] =	stream.indirect.gather [hbm4b:s1+s21], $0x80, s18, s21, $0xb8;
	[tilespmem:$0x1CE00] =	vst v63  }
0xc7: {  	_ =	swait.ge [sflag:s28], $0x1400  }
0xc8: {  	[sflag:s28] =	ssyncset.done $0x0  }
0xc9: {  	[sflag:s28] =	ssyncadd.s32 $0xFFFFEC00  }
0xca: {  	_ =	swait.ge [sflag:s29], $0x28  }
0xcb: {  	s17 =	simm.s32 $0x2780;
	[sflag:s29] =	ssyncset.done $0x0  }
0xcc: {  	s16 =	simm.s32 @!p0 $0x9;
	s18 =	simm.s32 $0x2A00;
	[sflag:s29] =	ssyncadd.s32 $0xFFFFFFD8  }
0xcd: {  	[spmem:s3] =	stream.indirect.scatter.add.f32 [tilespmem:s18], [sflag:$0x6], $0x80, s17, s21, $0xb8;
	[tilespmem:$0x1CE00] =	vst v63  }
0xce: {  	_ =	swait.ge @!p0 [sflag:s16], $0x1400  }
0xcf: {  	[sflag:s16] =	ssyncset.done @!p0 $0x0  }
0xd0: {  	s19 =	rddreg [dreg:$0x4];
	[sflag:s16] =	ssyncadd.s32 @!p0 $0xFFFFEC00  }
0xd1: {  	[tilespmem:s19], [sflag:$0xE] =	stream.linear.gather [hbm4b:s15+s4], $0x28, $0x38;
	[tilespmem:$0x1CE00] =	vst v63  }
0xd2: {  	s22 =	sadd.s32 $0x78, s12;
	s20 =	rddreg [dreg:$0x5]  }
0xd3: {  	[tilespmem:s20], [sflag:$0x4] =	stream.indirect.gather [hbm4b:s1+s21], $0x80, s22, s21, $0xb8;
	[tilespmem:$0x1CE00] =	vst v63  }
0xd4: {  	_ =	swait.ge [sflag:s30], $0x1400  }
0xd5: {  	[sflag:s30] =	ssyncset.done $0x0  }
0xd6: {  	[sflag:s30] =	ssyncadd.s32 $0xFFFFEC00  }
0xd7: {  	_ =	swait.ge [sflag:s31], $0x28  }
0xd8: {  	s23 =	simm.s32 $0x2800;
	[sflag:s31] =	ssyncset.done $0x0  }
0xd9: {  	s24 =	simm.s32 $0x3E00;
	s15 =	simm.s32 @!p0 $0xA;
	[sflag:s31] =	ssyncadd.s32 $0xFFFFFFD8  }
0xda: {  	[spmem:s3] =	stream.indirect.scatter.add.f32 [tilespmem:s24], [sflag:$0x7], $0x80, s23, s21, $0xb8;
	[tilespmem:$0x1CE00] =	vst v63  }
0xdb: {  	_ =	swait.ge @!p0 [sflag:s15], $0x1400  }
0xdc: {  	[sflag:s15] =	ssyncset.done @!p0 $0x0  }
0xdd: {  	[sflag:s15] =	ssyncadd.s32 @!p0 $0xFFFFEC00  }
0xde: {  	[tilespmem:s2], [sflag:$0xF] =	stream.linear.gather [hbm4b:s14+s4], $0x28, $0x38;
	[tilespmem:$0x1CE00] =	vst v63  }
0xdf: {  	s12 =	sadd.s32 $0xA0, s12  }
0xe0: {  	[tilespmem:s0], [sflag:$0x5] =	stream.indirect.gather [hbm4b:s1+s21], $0x80, s12, s21, $0xb8;
	[tilespmem:$0x1CE00] =	vst v63  }
0xe1: {  	_ =	swait.ge [sflag:s6], $0x1400  }
0xe2: {  	[sflag:s6] =	ssyncset.done $0x0  }
0xe3: {  	[sflag:s6] =	ssyncadd.s32 $0xFFFFEC00  }
0xe4: {  	_ =	swait.ge [sflag:s8], $0x28  }
0xe5: {  	p0 =	seq.s32 s7, $0x9920;
	[sflag:s8] =	ssyncset.done $0x0  }
0xe6: {  	s12 =	simm.s32 @p0 $0x4;
	[sflag:s8] =	ssyncadd.s32 $0xFFFFFFD8  }
0xe7: {  	[spmem:s3] =	stream.indirect.scatter.add.f32 [tilespmem:s26], [sflag:$0x8], $0x80, s25, s21, $0xb8;
	[tilespmem:$0x1CE00] =	vst v63  }
0xe8: {  	_ =	swait.ge @p0 [sflag:s12], $0x1400  }
0xe9: {  	[sflag:s12] =	ssyncset.done @p0 $0x0  }
0xea: {  	s14 =	simm.s32 @p0 $0xE;
	[sflag:s12] =	ssyncadd.s32 @p0 $0xFFFFEC00  }
0xeb: {  	_ =	swait.ge @p0 [sflag:s14], $0x28  }
0xec: {  	s15 =	simm.s32 @p0 $0x28;
	[sflag:s14] =	ssyncset.done @p0 $0x0  }
0xed: {  	s12 =	simm.s32 @p0 $0x6600;
	[sflag:s14] =	ssyncadd.s32 @p0 $0xFFFFFFD8;
	s14 =	simm.s32 @p0 $0x2900  }
0xee: {  	[spmem:s3] =	stream.indirect.scatter.add.f32 @p0 [tilespmem:s12], [sflag:$0x9], $0x80, s14, s15, $0xb8;
	[tilespmem:$0x1CE00] =	vst v63  }
0xef: {  	s12 =	simm.s32 @!p0 $0x6  }
0xf0: {  	s13 =	sshrl.u32 @!p0 s13, $0x3;
	_ =	swait.ge @!p0 [sflag:s12], $0x1400  }
0xf1: {  	s7 =	sshra.s32 @!p0 s7, $0x2;
	s13 =	sadd.s32 @!p0 s5, s13;
	[sflag:s12] =	ssyncset.done @!p0 $0x0  }
0xf2: {  	s14 =	simm.s32 @!p0 $0x0;
	s15 =	simm.s32 @!p0 $0x2780;
	[sflag:s12] =	ssyncadd.s32 @!p0 $0xFFFFEC00  }
0xf3: {  	[tilespmem:s15], [sflag:$0xB] =	stream.linear.gather @!p0 [hbm4b:s13+s14], $0x28, $0x38;
	[tilespmem:$0x1CE00] =	vst v63  }
0xf4: {  	s12 =	sadd.s32 @!p0 $0xC8, s7;
	s13 =	simm.s32 @!p0 $0x28;
	s15 =	simm.s32 @!p0 $0x2A00  }
0xf5: {  	[tilespmem:s15], [sflag:$0x1] =	stream.indirect.gather @!p0 [hbm4b:s1+s13], $0x80, s12, s13, $0xb8;
	[tilespmem:$0x1CE00] =	vst v63  }
0xf6: {  	s12 =	simm.s32 @!p0 $0x4  }
0xf7: {  	_ =	swait.ge @!p0 [sflag:s12], $0x1400  }
0xf8: {  	[sflag:s12] =	ssyncset.done @!p0 $0x0  }
0xf9: {  	s15 =	simm.s32 @!p0 $0xE;
	[sflag:s12] =	ssyncadd.s32 @!p0 $0xFFFFEC00  }
0xfa: {  	_ =	swait.ge @!p0 [sflag:s15], $0x28  }
0xfb: {  	[sflag:s15] =	ssyncset.done @!p0 $0x0  }
0xfc: {  	s12 =	simm.s32 @!p0 $0x2900;
	[sflag:s15] =	ssyncadd.s32 @!p0 $0xFFFFFFD8;
	s15 =	simm.s32 @!p0 $0x6600  }
0xfd: {  	[spmem:s3] =	stream.indirect.scatter.add.f32 @!p0 [tilespmem:s15], [sflag:$0x9], $0x80, s12, s13, $0xb8;
	[tilespmem:$0x1CE00] =	vst v63  }
0xfe: {  	s12 =	simm.s32 @!p0 $0x7  }
0xff: {  	_ =	swait.ge @!p0 [sflag:s12], $0x1400  }
0x100: {  	[sflag:s12] =	ssyncset.done @!p0 $0x0  }
0x101: {  	[sflag:s12] =	ssyncadd.s32 @!p0 $0xFFFFEC00;
	s12 =	simm.s32 @!p0 $0x2800  }
0x102: {  	[tilespmem:s12], [sflag:$0xC] =	stream.linear.gather @!p0 [hbm4b:s11+s14], $0x28, $0x38;
	[tilespmem:$0x1CE00] =	vst v63  }
0x103: {  	s7 =	sadd.s32 @!p0 $0xF0, s7;
	s11 =	simm.s32 @!p0 $0x3E00  }
0x104: {  	[tilespmem:s11], [sflag:$0x2] =	stream.indirect.gather @!p0 [hbm4b:s1+s13], $0x80, s7, s13, $0xb8;
	[tilespmem:$0x1CE00] =	vst v63  }
0x105: {  	_ =	swait.ge [sflag:s9], $0x1400  }
0x106: {  	[sflag:s9] =	ssyncset.done $0x0  }
0x107: {  	[sflag:s9] =	ssyncadd.s32 $0xFFFFEC00  }
0x108: {  	_ =	swait.ge [sflag:s10], $0x28  }
0x109: {  	[sflag:s10] =	ssyncset.done $0x0  }
0x10a: {  	s16 =	simm.s32 $0x6;
	[sflag:s10] =	ssyncadd.s32 $0xFFFFFFD8  }
0x10b: {  	[spmem:s3] =	stream.indirect.scatter.add.f32 [tilespmem:s0], [sflag:$0xA], $0x80, s2, s21, $0xb8;
	[tilespmem:$0x1CE00] =	vst v63  }
0x10c: {  	_ =	swait.ge [sflag:s16], $0x1400  }
0x10d: {  	[sflag:s16] =	ssyncset.done $0x0  }
0x10e: {  	s17 =	simm.s32 $0x7;
	[sflag:s16] =	ssyncadd.s32 $0xFFFFEC00  }
0x10f: {  	_ =	swait.ge [sflag:s17], $0x1400  }
0x110: {  	[sflag:s17] =	ssyncset.done $0x0  }
0x111: {  	s18 =	simm.s32 $0x8;
	[sflag:s17] =	ssyncadd.s32 $0xFFFFEC00  }
0x112: {  	_ =	swait.ge [sflag:s18], $0x1400  }
0x113: {  	[sflag:s18] =	ssyncset.done $0x0  }
0x114: {  	s19 =	simm.s32 $0x9;
	[sflag:s18] =	ssyncadd.s32 $0xFFFFEC00  }
0x115: {  	_ =	swait.ge [sflag:s19], $0x1400  }
0x116: {  	[sflag:s19] =	ssyncset.done $0x0  }
0x117: {  	s20 =	simm.s32 $0xA;
	[sflag:s19] =	ssyncadd.s32 $0xFFFFEC00  }
0x118: {  	_ =	swait.ge [sflag:s20], $0x1400  }
0x119: {  	[sflag:s20] =	ssyncset.done $0x0  }
0x11a: {  	[sflag:s20] =	ssyncadd.s32 $0xFFFFEC00  }
0x11b: {  	[bflag:$0x0] =	sbarrier.arrive $0xFFFF  }
0x11c: {  	s12 =	rddreg [dreg:$0x7]  }
0x11d: {  	s22 =	rddreg [dreg:$0xb]  }
0x11e: {  	s13 =	simm.s32 $0x10;
	s11 =	rddreg [dreg:$0x12]  }
0x11f: {  	[hbm:s22], [sflag:s12] =	dma.local [spmem:s11], $0x2800  }
0x120: {  	_ =	swait.ge [sflag:s13], $0x2800  }
0x121: {  	s23 =	rddreg [dreg:$0x13]  }
0x122: {  	s24 =	rddreg [dreg:$0xc];
	s14 =	sadd.s32 $0x1, s23  }
0x123: {  	p0 =	sne.s32 s14, s24  }
.Ltmp1:
0x124: {  	_ = 	snop;
	(pc) =	sbr.rel @p0 .LBB2_1-.Ltmp1, $3  }
0x125: {  	_ =	sdelay $0x1  }
0x126: {  	[sflag:s13] =	ssyncset.done $0x0  }
0x127: {  	[sflag:s13] =	ssyncadd.s32 $0xFFFFD800  }
0x128: {  	_ =	sfence.sel $0x180000  }
0x129: {  	[bflag:$0x0] =	sbarrier.arrive $0xFFFF  }
0x12a: {  	_ =	strace $0x9000004A  }
0x12b: {  	s0 =	stileid.u32;
	[bflag:$0x2] =	sbarrier.arrive $0xFFFF  }
0x12c: {  	p0 =	sne.s32 s0, $0x0;
	s0 =	rddreg [dreg:$0x3]  }
0x12d: {  	s0 =	sadd.s32 @!p0 $0x100000, s0  }
0x12e: {  	[sflag:s0] =	ssyncadd.tile.s32 @!p0 $0x1;
	_ =	shalt  }
.Lfunc_end2:
_tile_overlayer_lowered:
.L_overlay_start_2:
0x12f: {  	(tag) =	ssettag $0x2  }
0x130: {  	s0 =	rddreg [dreg:$0x0];
	s2 =	stileid.u32  }
0x131: {  	s1 =	rddreg [dreg:$0x1];
	p0 =	sne.s32 s2, $0x0  }
0x132: {  	s3 =	rddreg [dreg:$0x2];
	[bflag:$0x3] =	sbarrier.arrive $0xFFFF;
	s2 =	simm.s32 @!p0 $0x1C10  }
0x133: {  	[timem:s3], [sflag:s2] =	dma.local @!p0 [hbm:s0], s1  }
0x134: {  	s0 =	simm.s32 @!p0 $0x10  }
0x135: {  	_ =	swait.ge @!p0 [sflag:s0], s1  }
0x136: {  	s1 =	ssub.s32 @!p0 $0x0, s1;
	[sflag:s0] =	ssyncset.done @!p0 $0x0  }
0x137: {  	[sflag:s0] =	ssyncadd.s32 @!p0 s1  }
0x138: {  	[bflag:$0x3] =	sbarrier.arrive $0xFFFF  }
0x139: {  	_ =	shalt  }

// kernel: kernel.14.cloned.1.call-start
scs
__scs_entry_jumppad:
0x0: {  	(pc) =	sbr.rel $0x88, $3  }
0x1: {  	(tag) =	ssettag $0x0;
	lr =	simm.s32 $0x1  }
0x2: {  	[smem:$0x3F9F] =	sst lr;
	_ =	strace $0xD0000000  }
0x3: {  	_ = 	snop  }
0x4: {  	_ = 	snop  }
0x5: {  	_ = 	snop  }
0x6: {  	_ = 	snop  }
0x7: {  	_ = 	snop  }
__scs_overlays_trampoline_lowered:
0x8: {  	[smem:$0x3FAE] =	sst s0  }
0x9: {  	[smem:$0x3FAF] =	sst s1  }
0xa: {  	[smem:$0x3FB0] =	sst s2  }
0xb: {  	[smem:$0x3FB1] =	sst s3  }
0xc: {  	[smem:$0x3FB2] =	sst s4  }
0xd: {  	[smem:$0x3FB3] =	sst s5  }
0xe: {  	[smem:$0x3FB4] =	sst s6  }
0xf: {  	[smem:$0x3FB5] =	sst s7  }
0x10: {  	[smem:$0x3FB6] =	sst s8  }
0x11: {  	[smem:$0x3FB7] =	sst s9;
	s0 =	simm.s32 @!p0 $0x0  }
0x12: {  	s1 =	sld [smem:$0x3F9D];
	s0 =	simm.s32 @p0 $0x1  }
0x13: {  	[smem:$0x3FB8] =	sst s0;
	s0 =	simm.s32 @!p1 $0x0  }
0x14: {  	s2 =	sld [smem:$0x3F9C];
	s0 =	simm.s32 @p1 $0x1  }
0x15: {  	[smem:$0x3FB9] =	sst s0;
	s0 =	simm.s32 @!p2 $0x0  }
0x16: {  	s3 =	sld [smem:$0x3FDB];
	s0 =	simm.s32 @p2 $0x1  }
0x17: {  	s4 =	simm.s32 $0x1BF5;
	[smem:$0x3FBB] =	sst s0  }
0x18: {  	s0 =	sld [smem:$0x3F9E];
	_ =	swait.ge [sflag:s4], $0x0  }
0x19: {  	s7 =	sld [smem:$0x3F9F]  }
0x1a: {  	s8 =	sadd.s32 $0xFFFFE003, lr  }
0x1b: {  	s9 =	sadd.s32 $0xFFFFFEF7, lr;
	s5 =	simm.s32 $0xFFFFFFFF;
	p2 =	slt.u32 s8, $0xFFFFF086  }
0x1c: {  	p1 =	slt.u32 s9, $0xF7A;
	s5 =	simm.s32 @!p2 $0x0  }
0x1d: {  	s5 =	simm.s32 @p1 $0x1;
	p0 =	seq.s32 s7, s2  }
0x1e: {  	s7 =	smul.u32 @!p0 $0xF7A, s2;
	p2 =	seq.s32 @!p0 s5, $0x0  }
0x1f: {  	s9 =	smul.u32 $0xF7A, s1;
	s8 =	simm.s32 @!p0 $0x1BF5;
	p2 =	por !p2, p0  }
0x20: {  	[sflag:s8] =	ssyncset.s32 @!p0 $0xFFFFF086;
	s6 =	sadd.s32 @!p0 s3, s7;
	s7 =	simm.s32 @!p0 $0x108  }
0x21: {  	s3 =	sadd.s32 s3, s9;
	s6 =	sadd.s32 @!p0 $0x88, s6;
	s7 =	simm.s32 @p2 $0x1082  }
0x22: {  	[simem:s7], [sflag:s8] =	dma.local @!p0 [hbm:s6], $0xF7A  }
0x23: {  	s9 =	sor.u32 $0xD0000000, s2;
	s6 =	simm.s32 $0x108;
	_ =	swait.ge @!p0 [sflag:s8], $0x0  }
0x24: {  	s3 =	sadd.s32 $0x88, s3;
	s6 =	simm.s32 @!p1 $0x1082;
	[sflag:s4] =	ssyncset.s32 $0xFFFFF086  }
0x25: {  	[simem:s6], [sflag:s4] =	dma.local [hbm:s3], $0xF7A  }
0x26: {  	[smem:$0x3F9F] =	sst s1;
	(tag) =	ssettag s2;
	_ =	strace s9  }
0x27: {  	s1 =	sld [smem:$0x3FAF]  }
0x28: {  	s2 =	sld [smem:$0x3FB0]  }
0x29: {  	s4 =	sld [smem:$0x3FB2]  }
0x2a: {  	p0 =	seq.s32 s5, $0x0;
	s5 =	sld [smem:$0x3FB3]  }
0x2b: {  	s6 =	sld [smem:$0x3FB4]  }
0x2c: {  	s7 =	sld [smem:$0x3FB5]  }
0x2d: {  	s3 =	simm.s32 $0x108;
	s8 =	sld [smem:$0x3FB6]  }
0x2e: {  	s3 =	simm.s32 @!p0 $0x1082;
	s9 =	sld [smem:$0x3FB7]  }
0x2f: {  	lr =	sadd.s32 s0, s3;
	s0 =	sld [smem:$0x3FAE]  }
0x30: {  	s3 =	sld [smem:$0x3FB1]  }
0x31: {  	[smem:$0x3FBA] =	sst s10  }
0x32: {  	s10 =	sld [smem:$0x3FB8];
	_ =	sdelay $0x3  }
0x33: {  	p0 =	seq.s32 s10, $0x1;
	s10 =	sld [smem:$0x3FBA];
	_ =	sdelay $0x3  }
0x34: {  	[smem:$0x3FBA] =	sst s10  }
0x35: {  	s10 =	sld [smem:$0x3FB9];
	_ =	sdelay $0x3  }
0x36: {  	p1 =	seq.s32 s10, $0x1;
	s10 =	sld [smem:$0x3FBA];
	_ =	sdelay $0x3  }
0x37: {  	[smem:$0x3FBA] =	sst s10  }
0x38: {  	s10 =	sld [smem:$0x3FBB]  }
0x39: {  	_ = 	snop;
	(pc) =	sbr.ind lr, $3  }
0x3a: {  	_ = 	snop  }
0x3b: {  	_ = 	snop  }
0x3c: {  	p2 =	seq.s32 s10, $0x1;
	s10 =	sld [smem:$0x3FBA]  }
0x3d: {  	_ =	shalt  }
0x3e: {  	_ =	shalt  }
0x3f: {  	_ =	shalt  }
0x40: {  	_ =	shalt  }
0x41: {  	_ =	shalt  }
0x42: {  	_ =	shalt  }
0x43: {  	_ =	shalt  }
0x44: {  	_ =	shalt  }
0x45: {  	_ =	shalt  }
0x46: {  	_ =	shalt  }
0x47: {  	_ =	shalt  }
0x48: {  	_ =	shalt  }
0x49: {  	_ =	shalt  }
0x4a: {  	_ =	shalt  }
0x4b: {  	_ =	shalt  }
0x4c: {  	_ =	shalt  }
0x4d: {  	_ =	shalt  }
0x4e: {  	_ =	shalt  }
0x4f: {  	_ =	shalt  }
0x50: {  	_ =	shalt  }
0x51: {  	_ =	shalt  }
0x52: {  	_ =	shalt  }
0x53: {  	_ =	shalt  }
0x54: {  	_ =	shalt  }
0x55: {  	_ =	shalt  }
0x56: {  	_ =	shalt  }
0x57: {  	_ =	shalt  }
0x58: {  	_ =	shalt  }
0x59: {  	_ =	shalt  }
0x5a: {  	_ =	shalt  }
0x5b: {  	_ =	shalt  }
0x5c: {  	_ =	shalt  }
0x5d: {  	_ =	shalt  }
0x5e: {  	_ =	shalt  }
0x5f: {  	_ =	shalt  }
0x60: {  	_ =	shalt  }
0x61: {  	_ =	shalt  }
0x62: {  	_ =	shalt  }
0x63: {  	_ =	shalt  }
0x64: {  	_ =	shalt  }
0x65: {  	_ =	shalt  }
0x66: {  	_ =	shalt  }
0x67: {  	_ =	shalt  }
0x68: {  	_ =	shalt  }
0x69: {  	_ =	shalt  }
0x6a: {  	_ =	shalt  }
0x6b: {  	_ =	shalt  }
0x6c: {  	_ =	shalt  }
0x6d: {  	_ =	shalt  }
0x6e: {  	_ =	shalt  }
0x6f: {  	_ =	shalt  }
0x70: {  	_ =	shalt  }
0x71: {  	_ =	shalt  }
0x72: {  	_ =	shalt  }
0x73: {  	_ =	shalt  }
0x74: {  	_ =	shalt  }
0x75: {  	_ =	shalt  }
0x76: {  	_ =	shalt  }
0x77: {  	_ =	shalt  }
0x78: {  	_ =	shalt  }
0x79: {  	_ =	shalt  }
0x7a: {  	_ =	shalt  }
0x7b: {  	_ =	shalt  }
0x7c: {  	_ =	shalt  }
0x7d: {  	_ =	shalt  }
0x7e: {  	_ =	shalt  }
0x7f: {  	_ =	shalt  }
0x80: {  	_ =	shalt  }
0x81: {  	_ =	shalt  }
0x82: {  	_ =	shalt  }
0x83: {  	_ =	shalt  }
0x84: {  	_ =	shalt  }
0x85: {  	_ =	shalt  }
0x86: {  	_ =	shalt  }
0x87: {  	_ =	shalt  }
.Lfunc_end0:
.L_simem_size_0:
called_computation.2_lowered:
.L_overlay_start_0:
0x88: {  	s2 =	sld [smem:$0x3FD9]  }
0x89: {  	s3 =	sld [smem:$0x3FFE];
	_ =	sdelay $0x1  }
0x8a: {  	s1 =	srdreg.scid  }
0x8b: {  	s0 =	sand.u32 $0x1, s1  }
0x8c: {  	s17 =	sshll.u32 s0, $0xA;
	s2 =	sadd.s32 s3, s2  }
0x8d: {  	s2 =	sadd.s32 s2, s17  }
0x8e: {  	[smem:$0x3FC6] =	sst s2  }
0x8f: {  	_ = 	snop  }
0x90: {  	s2 =	sld [smem:$0x3FD0];
	(tm) =	ssettm $0x1  }
0x91: {  	s18 =	sld [smem:$0x3FFB];
	_ =	sdelay $0x3  }
0x92: {  	_ =	strace s18  }
0x93: {  	s3 =	sld [smem:$0x3FFC];
	_ =	sdelay $0x3  }
0x94: {  	_ =	strace s3  }
0x95: {  	s3 =	sld [smem:$0x3FFD];
	_ =	sdelay $0x3  }
0x96: {  	_ =	strace s3  }
0x97: {  	_ =	strace $0x8FFFFFFF  }
0x98: {  	s19 =	sld [smem:$0x3FDB];
	_ =	sdelay $0x1  }
0x99: {  	s4 =	simm.s32 $_scs_section_size  }
0x9a: {  	s5 =	simm.s32 $_size__tile_overlayer_lowered;
	s6 =	simm.s32 $_tile_overlayer_lowered  }
0x9b: {  	s22 =	simm.s32 $0x1BFF;
	s21 =	sshll.u32 s6, $0x1;
	s3 =	sadd.s32 s4, s19  }
0x9c: {  	s7 =	simm.s32 $0x0;
	s20 =	sshll.u32 s5, $0x1;
	s5 =	sadd.s32 s21, s3  }
0x9d: {  	[timem:s7], [sflag:s22] =	dma.local [hbm:s5], s20  }
0x9e: {  	_ =	swait.ge [sflag:s22], s20  }
0x9f: {  	s4 =	ssub.s32 $0x0, s20;
	[sflag:s22] =	ssyncset.done $0x0  }
0xa0: {  	[sflag:s22] =	ssyncadd.s32 s4;
	_ =	sdelay $0x1  }
0xa1: {  	s23 =	simm.s32 $0x1B8B  }
0xa2: {  	_ =	swait.ge [sflag:s23], $0x1  }
0xa3: {  	[sflag:s23] =	ssyncset.done $0x0  }
0xa4: {  	s25 =	simm.s32 $0x1B8E;
	s24 =	sld [smem:$0x3FFE];
	[sflag:s23] =	ssyncadd.s32 $0xFFFFFFFF  }
0xa5: {  	s26 =	simm.s32 $execute0_lowered;
	[smem:$0x3FD2] =	sst s25  }
0xa6: {  	s5 =	sshll.u32 s26, $0x1;
	_ =	strace $0x8000004C;
	[dreg:$0x1] =	wrdreg $0xFFFFFFFF  }
0xa7: {  	s28 =	simm.s32 $_size_execute0_lowered;
	s3 =	sadd.s32 s3, s5;
	[dreg:$0x0] =	wrdreg $0x0  }
0xa8: {  	s5 =	sshll.u32 s28, $0x1;
	[dreg:$0x2] =	wrdreg s3  }
0xa9: {  	[dreg:$0x3] =	wrdreg s5  }
0xaa: {  	[dreg:$0x4] =	wrdreg $0xC0  }
0xab: {  	_ =	task [dreg:s7], $0x5FFFF  }
0xac: {  	[dreg:$0x1] =	wrdreg $0xFFFFFFFF  }
0xad: {  	[dreg:$0x0] =	wrdreg $0x60  }
0xae: {  	[dreg:$0x2] =	wrdreg s2  }
0xaf: {  	[dreg:$0x3] =	wrdreg s24  }
0xb0: {  	[dreg:$0x4] =	wrdreg $0x8E000  }
0xb1: {  	[dreg:$0x5] =	wrdreg $0x9  }
0xb2: {  	_ =	task.clear_ibuf [dreg:s7], $0x6FFFF;
	_ =	strace $0x9000004C  }
0xb3: {  	s29 =	simm.s32 $0x9;
	_ =	strace $0x8000004E  }
0xb4: {  	_ =	swait.ge [sflag:s29], $0x1  }
0xb5: {  	[sflag:s29] =	ssyncadd.s32 $0xFFFFFFFF  }
0xb6: {  	_ =	strace $0x9000004E  }
0xb7: {  	_ =	sfence  }
0xb8: {  	s30 =	sld [smem:$0x0];
	_ =	sdelay $0x2  }
0xb9: {  	s31 =	sshll.u32 s1, $0xD;
	s1 =	sshrl.u32 s1, $0x2  }
0xba: {  	s3 =	sand.u32 $0x4000, s31;
	s1 =	sadd.s32 s1, s30  }
0xbb: {  	s0 =	sor.u32 s3, s0;
	s1 =	sshll.u32 s1, $0x11  }
0xbc: {  	s0 =	sor.u32 s1, s0  }
0xbd: {  	s0 =	sadd.s32 $0x8F2B, s0  }
0xbe: {  	[sflag:s0] =	ssyncadd.remote.s32 $0x1  }
0xbf: {  	_ =	sfence.sel $0xFFFF  }
0xc0: {  	[dreg:$0x0] =	wrdreg $0xFFFFFFFF;
	(pc) =	sbr.abs _section_cstart, $3  }
0xc1: {  	[dreg:$0x1] =	wrdreg $0xFFFFFFFF  }
0xc2: {  	_ =	task.clear_ibuf [dreg:s7], $0x2FFFF;
	_ =	strace $0x9FFFFFFF  }
0xc3: {  	(tm) =	ssettm $0x7FFFFFFF  }
tec
execute0_lowered:
.L_overlay_start_1:
0x0: {  	(tag) =	ssettag $0x1  }
0x1: {  	s0 =	srdreg.scid;
	s1 =	rddreg [dreg:$0x0]  }
0x2: {  	s12 =	stileid.u32;
	s6 =	rddreg [dreg:$0x1]  }
0x3: {  	s3 =	rddreg [dreg:$0x2];
	s4 =	simm.s32 $0x0;
	s25 =	simm.s32 $0x2900  }
0x4: {  	s26 =	simm.s32 $0x6600;
	s28 =	simm.s32 $0x1;
	s29 =	simm.s32 $0xB  }
0x5: {  	s30 =	simm.s32 $0x2;
	s31 =	simm.s32 $0xC;
	s0 =	sand.u32 $0x1, s0  }
0x6: {  	s2 =	sshll.u32 s12, $0x1;
	[smem:$0x7FF] =	sst s4;
	s8 =	smul.u32 $0x14000, s12  }
0x7: {  	s5 =	sadd.s32 $0xBA00, s6;
	s11 =	smul.u32 $0x50000, s12;
	s13 =	sadd.s32 $0x15800, s6  }
0x8: {  	s17 =	smul.u32 $0x4E20, s12;
	s12 =	sshll.u32 s12, $0x6;
	s2 =	sor.u32 s0, s2  }
0x9: {  	s7 =	smul.u32 $0x140000, s0;
	_ =	strace $0x8000004D;
	[dreg:$0x6] =	wrdreg s13  }
0xa: {  	s14 =	ssub.s32 $0x2, s0;
	s0 =	smul.u32 $0x2710, s0;
	[dreg:$0x4] =	wrdreg s25  }
0xb: {  	s12 =	sor.u32 $0x1C10, s12;
	s13 =	simm.s32 $0x10;
	[dreg:$0x5] =	wrdreg s26  }
0xc: {  	s25 =	simm.s32 $0x2880;
	s26 =	simm.s32 $0x5200;
	s2 =	smul.u32 $0x2710, s2  }
0xd: {  	s15 =	sshrl.u32 s14, $0x1;
	s16 =	sshrl.u32 s11, $0x2;
	[dreg:$0x7] =	wrdreg s12  }
0xe: {  	s7 =	sadd.s32 s8, s7;
	s8 =	sadd.s32 s16, s3;
	s0 =	sadd.s32 s0, s17  }
0xf: {  	s9 =	sshrl.u32 s2, $0x3;
	s7 =	sshrl.u32 s7, $0x3;
	s2 =	sadd.s32 $0x28, s2  }
0x10: {  	s19 =	sadd.s32 $0xF0, s0;
	s21 =	sadd.s32 $0xC8, s0;
	s22 =	sadd.s32 $0xA0, s0  }
0x11: {  	s23 =	sadd.s32 $0x78, s0;
	s0 =	sadd.s32 $0x50, s0;
	s11 =	sshrl.u32 s8, $0x3  }
0x12: {  	s8 =	simm.s32 $0xD;
	s10 =	sadd.s32 s9, s6;
	s6 =	sadd.s32 s7, s6  }
0x13: {  	s7 =	ssub.s32 s14, s15;
	s9 =	sadd.s32 s5, s9;
	[dreg:$0xd] =	wrdreg s21  }
0x14: {  	s2 =	sshrl.u32 s2, $0x3;
	s0 =	sshrl.u32 s0, $0x3;
	[dreg:$0x12] =	wrdreg s11  }
0x15: {  	s21 =	simm.s32 $0x28;
	s10 =	sadd.s32 $0x1C00, s10;
	[dreg:$0x9] =	wrdreg s9  }
0x16: {  	s14 =	simm.s32 $0x0;
	s2 =	sadd.s32 s5, s2;
	[dreg:$0x8] =	wrdreg s10  }
0x17: {  	s18 =	sadd.s32 $0x18000, s6;
	s20 =	smax.u32 s7, $0x1;
	[dreg:$0xa] =	wrdreg s2  }
0x18: {  	s6 =	sshrl.u32 s23, $0x3;
	s0 =	sadd.s32 s0, s5;
	[dreg:$0xb] =	wrdreg s18  }
0x19: {  	s9 =	simm.s32 $0x5;
	[dreg:$0xc] =	wrdreg s20;
	s2 =	sshrl.u32 s19, $0x3  }
0x1a: {  	s24 =	sadd.s32 s6, s5;
	[dreg:$0x11] =	wrdreg s0;
	s2 =	sadd.s32 s2, s5  }
0x1b: {  	s0 =	simm.s32 $0x7A00;
	[dreg:$0xe] =	wrdreg s2;
	s2 =	sshrl.u32 s22, $0x3  }
0x1c: {  	s6 =	simm.s32 $0x3;
	[dreg:$0x10] =	wrdreg s24;
	s2 =	sadd.s32 s2, s5  }
0x1d: {  	s10 =	simm.s32 $0xF;
	[dreg:$0xf] =	wrdreg s2;
	s2 =	simm.s32 $0x2980  }
.LBB2_1:
0x1e: {  	[dreg:$0x13] =	wrdreg s14  }
0x1f: {  	s7 =	rddreg [dreg:$0x6]  }
0x20: {  	[spmem:s11], [sflag:s12] =	dma.local [hbm:s7], $0x2800  }
0x21: {  	_ =	swait.ge [sflag:s13], $0x2800  }
0x22: {  	[sflag:s13] =	ssyncset.done $0x0  }
0x23: {  	s24 =	rddreg [dreg:$0x8];
	[sflag:s13] =	ssyncadd.s32 $0xFFFFD800  }
0x24: {  	[tilespmem:s4], [sflag:$0x10] =	stream.linear.gather [hbm4b:s24+s4], $0x2710, $0x38;
	[tilespmem:$0x1CE00] =	vst v63  }
0x25: {  	_ =	swait.ge [sflag:s13], $0x2710  }
0x26: {  	[sflag:s13] =	ssyncset.done $0x0  }
0x27: {  	[sflag:s13] =	ssyncadd.s32 $0xFFFFD8F0  }
0x28: {  	[bflag:$0x0] =	sbarrier.arrive $0xFFFF  }
0x29: {  	s12 =	simm.s32 $0x2780;
	s11 =	rddreg [dreg:$0x9]  }
0x2a: {  	[tilespmem:s12], [sflag:$0xB] =	stream.linear.gather [hbm4b:s11+s4], $0x28, $0x38;
	[tilespmem:$0x1CE00] =	vst v63  }
0x2b: {  	p0 =	por $0x1, $0x1;
	s13 =	simm.s32 $0x2A00  }
0x2c: {  	[tilespmem:s13], [sflag:$0x1] =	stream.indirect.gather [hbm4b:s1+s21], $0x80, s4, s21, $0xb8;
	[tilespmem:$0x1CE00] =	vst v63  }
0x2d: {  	s15 =	simm.s32 $0x2800;
	p0 =	por p0, p0;
	s14 =	rddreg [dreg:$0xa]  }
0x2e: {  	[tilespmem:s15], [sflag:$0xC] =	stream.linear.gather [hbm4b:s14+s4], $0x28, $0x38;
	[tilespmem:$0x1CE00] =	vst v63  }
0x2f: {  	s17 =	simm.s32 $0x3E00;
	s7 =	simm.s32 @!p0 $0x8  }
0x30: {  	[tilespmem:s17], [sflag:$0x2] =	stream.indirect.gather [hbm4b:s1+s21], $0x80, s21, s21, $0xb8;
	[tilespmem:$0x1CE00] =	vst v63  }
0x31: {  	_ =	swait.ge @!p0 [sflag:s7], $0x1400  }
0x32: {  	[sflag:s7] =	ssyncset.done @!p0 $0x0  }
0x33: {  	s20 =	rddreg [dreg:$0x11];
	[sflag:s7] =	ssyncadd.s32 @!p0 $0xFFFFEC00  }
0x34: {  	[tilespmem:s25], [sflag:$0xD] =	stream.linear.gather [hbm4b:s20+s4], $0x28, $0x38;
	[tilespmem:$0x1CE00] =	vst v63  }
0x35: {  	s18 =	simm.s32 $0x50  }
0x36: {  	[tilespmem:s26], [sflag:$0x3] =	stream.indirect.gather [hbm4b:s1+s21], $0x80, s18, s21, $0xb8;
	[tilespmem:$0x1CE00] =	vst v63  }
0x37: {  	_ =	swait.ge [sflag:s28], $0x1400  }
0x38: {  	[sflag:s28] =	ssyncset.done $0x0  }
0x39: {  	[sflag:s28] =	ssyncadd.s32 $0xFFFFEC00  }
0x3a: {  	_ =	swait.ge [sflag:s29], $0x28  }
0x3b: {  	[sflag:s29] =	ssyncset.done $0x0  }
0x3c: {  	s7 =	simm.s32 @!p0 $0x9;
	[sflag:s29] =	ssyncadd.s32 $0xFFFFFFD8  }
0x3d: {  	[spmem:s3] =	stream.indirect.scatter.add.f32 [tilespmem:s13], [sflag:$0x6], $0x80, s12, s21, $0xb8;
	[tilespmem:$0x1CE00] =	vst v63  }
0x3e: {  	_ =	swait.ge @!p0 [sflag:s7], $0x1400  }
0x3f: {  	s19 =	rddreg [dreg:$0x4];
	[sflag:s7] =	ssyncset.done @!p0 $0x0  }
0x40: {  	s16 =	rddreg [dreg:$0x10];
	[sflag:s7] =	ssyncadd.s32 @!p0 $0xFFFFEC00  }
0x41: {  	[tilespmem:s19], [sflag:$0xE] =	stream.linear.gather [hbm4b:s16+s4], $0x28, $0x38;
	[tilespmem:$0x1CE00] =	vst v63  }
0x42: {  	s23 =	simm.s32 $0x78;
	s22 =	rddreg [dreg:$0x5]  }
0x43: {  	[tilespmem:s22], [sflag:$0x4] =	stream.indirect.gather [hbm4b:s1+s21], $0x80, s23, s21, $0xb8;
	[tilespmem:$0x1CE00] =	vst v63  }
0x44: {  	_ =	swait.ge [sflag:s30], $0x1400  }
0x45: {  	[sflag:s30] =	ssyncset.done $0x0  }
0x46: {  	[sflag:s30] =	ssyncadd.s32 $0xFFFFEC00  }
0x47: {  	_ =	swait.ge [sflag:s31], $0x28  }
0x48: {  	[sflag:s31] =	ssyncset.done $0x0  }
0x49: {  	s7 =	simm.s32 @!p0 $0xA;
	[sflag:s31] =	ssyncadd.s32 $0xFFFFFFD8  }
0x4a: {  	[spmem:s3] =	stream.indirect.scatter.add.f32 [tilespmem:s17], [sflag:$0x7], $0x80, s15, s21, $0xb8;
	[tilespmem:$0x1CE00] =	vst v63  }
0x4b: {  	_ =	swait.ge @!p0 [sflag:s7], $0x1400  }
0x4c: {  	[sflag:s7] =	ssyncset.done @!p0 $0x0  }
0x4d: {  	s19 =	rddreg [dreg:$0xf];
	[sflag:s7] =	ssyncadd.s32 @!p0 $0xFFFFEC00  }
0x4e: {  	[tilespmem:s2], [sflag:$0xF] =	stream.linear.gather [hbm4b:s19+s4], $0x28, $0x38;
	[tilespmem:$0x1CE00] =	vst v63  }
0x4f: {  	s24 =	simm.s32 $0xA0  }
0x50: {  	[tilespmem:s0], [sflag:$0x5] =	stream.indirect.gather [hbm4b:s1+s21], $0x80, s24, s21, $0xb8;
	[tilespmem:$0x1CE00] =	vst v63  }
0x51: {  	_ =	swait.ge [sflag:s6], $0x1400  }
0x52: {  	[sflag:s6] =	ssyncset.done $0x0  }
0x53: {  	[sflag:s6] =	ssyncadd.s32 $0xFFFFEC00  }
0x54: {  	_ =	swait.ge [sflag:s8], $0x28  }
0x55: {  	p0 =	por $0x0, $0x0;
	[sflag:s8] =	ssyncset.done $0x0  }
0x56: {  	s7 =	simm.s32 @p0 $0x4;
	[sflag:s8] =	ssyncadd.s32 $0xFFFFFFD8  }
0x57: {  	[spmem:s3] =	stream.indirect.scatter.add.f32 [tilespmem:s26], [sflag:$0x8], $0x80, s25, s21, $0xb8;
	[tilespmem:$0x1CE00] =	vst v63  }
0x58: {  	_ =	swait.ge @p0 [sflag:s7], $0x1400  }
0x59: {  	[sflag:s7] =	ssyncset.done @p0 $0x0  }
0x5a: {  	s11 =	simm.s32 @p0 $0xE;
	[sflag:s7] =	ssyncadd.s32 @p0 $0xFFFFEC00  }
0x5b: {  	_ =	swait.ge @p0 [sflag:s11], $0x28  }
0x5c: {  	s13 =	simm.s32 @p0 $0x28;
	s14 =	simm.s32 @p0 $0x2900;
	[sflag:s11] =	ssyncset.done @p0 $0x0  }
0x5d: {  	s7 =	simm.s32 @p0 $0x6600;
	[sflag:s11] =	ssyncadd.s32 @p0 $0xFFFFFFD8;
	s11 =	simm.s32 @!p0 $0x6  }
0x5e: {  	[spmem:s3] =	stream.indirect.scatter.add.f32 @p0 [tilespmem:s7], [sflag:$0x9], $0x80, s14, s13, $0xb8;
	[tilespmem:$0x1CE00] =	vst v63  }
0x5f: {  	s15 =	simm.s32 @!p0 $0x2780;
	s12 =	rddreg [dreg:$0xd];
	_ =	swait.ge @!p0 [sflag:s11], $0x1400  }
0x60: {  	s7 =	sshrl.u32 @!p0 s12, $0x3;
	s13 =	simm.s32 @!p0 $0xC8;
	[sflag:s11] =	ssyncset.done @!p0 $0x0  }
0x61: {  	s14 =	simm.s32 @!p0 $0x0;
	s7 =	sadd.s32 @!p0 s5, s7;
	[sflag:s11] =	ssyncadd.s32 @!p0 $0xFFFFEC00  }
0x62: {  	[tilespmem:s15], [sflag:$0xB] =	stream.linear.gather @!p0 [hbm4b:s7+s14], $0x28, $0x38;
	[tilespmem:$0x1CE00] =	vst v63  }
0x63: {  	s11 =	simm.s32 @!p0 $0x2A00;
	s7 =	simm.s32 @!p0 $0x28;
	s15 =	simm.s32 @!p0 $0x4  }
0x64: {  	[tilespmem:s11], [sflag:$0x1] =	stream.indirect.gather @!p0 [hbm4b:s1+s7], $0x80, s13, s7, $0xb8;
	[tilespmem:$0x1CE00] =	vst v63  }
0x65: {  	_ =	swait.ge @!p0 [sflag:s15], $0x1400  }
0x66: {  	[sflag:s15] =	ssyncset.done @!p0 $0x0  }
0x67: {  	s11 =	simm.s32 @!p0 $0xE;
	[sflag:s15] =	ssyncadd.s32 @!p0 $0xFFFFEC00  }
0x68: {  	_ =	swait.ge @!p0 [sflag:s11], $0x28  }
0x69: {  	s13 =	simm.s32 @!p0 $0x2900;
	[sflag:s11] =	ssyncset.done @!p0 $0x0  }
0x6a: {  	s15 =	simm.s32 @!p0 $0x6600;
	[sflag:s11] =	ssyncadd.s32 @!p0 $0xFFFFFFD8;
	s11 =	simm.s32 @!p0 $0x7  }
0x6b: {  	[spmem:s3] =	stream.indirect.scatter.add.f32 @!p0 [tilespmem:s15], [sflag:$0x9], $0x80, s13, s7, $0xb8;
	[tilespmem:$0x1CE00] =	vst v63  }
0x6c: {  	_ =	swait.ge @!p0 [sflag:s11], $0x1400  }
0x6d: {  	[sflag:s11] =	ssyncset.done @!p0 $0x0  }
0x6e: {  	s13 =	simm.s32 @!p0 $0x2800;
	s18 =	rddreg [dreg:$0xe];
	[sflag:s11] =	ssyncadd.s32 @!p0 $0xFFFFEC00  }
0x6f: {  	[tilespmem:s13], [sflag:$0xC] =	stream.linear.gather @!p0 [hbm4b:s18+s14], $0x28, $0x38;
	[tilespmem:$0x1CE00] =	vst v63  }
0x70: {  	s11 =	simm.s32 @!p0 $0xF0;
	s13 =	simm.s32 @!p0 $0x3E00  }
0x71: {  	[tilespmem:s13], [sflag:$0x2] =	stream.indirect.gather @!p0 [hbm4b:s1+s7], $0x80, s11, s7, $0xb8;
	[tilespmem:$0x1CE00] =	vst v63  }
0x72: {  	p6 =	por $0x0, $0x0;
	s17 =	simm.s32 $0x640;
	_ =	swait.ge [sflag:s9], $0x1400  }
0x73: {  	s15 =	sadd.s32 $0x19, s16;
	s16 =	sadd.s32 $0x19, s20;
	[sflag:s9] =	ssyncset.done $0x0  }
0x74: {  	s14 =	sadd.s32 $0x19, s19;
	s7 =	simm.s32 $0x320;
	[sflag:s9] =	ssyncadd.s32 $0xFFFFEC00  }
0x75: {  	p0 =	por p6, p6;
	s11 =	sadd.s32 $0x19, s18;
	_ =	swait.ge [sflag:s10], $0x28  }
0x76: {  	s13 =	sadd.s32 $0xC8, s12;
	s19 =	simm.s32 @!p0 $0x8;
	[sflag:s10] =	ssyncset.done $0x0  }
.LBB2_2:
0x77: {  	[sflag:s10] =	ssyncadd.s32 $0xFFFFFFD8  }
0x78: {  	[spmem:s3] =	stream.indirect.scatter.add.f32 [tilespmem:s0], [sflag:$0xA], $0x80, s2, s21, $0xb8;
	[tilespmem:$0x1CE00] =	vst v63  }
0x79: {  	_ =	swait.ge @!p0 [sflag:s19], $0x1400  }
0x7a: {  	[sflag:s19] =	ssyncset.done @!p0 $0x0  }
0x7b: {  	[sflag:s19] =	ssyncadd.s32 @!p0 $0xFFFFEC00;
	s19 =	sshra.s32 s7, $0x2  }
0x7c: {  	[tilespmem:s25], [sflag:$0xD] =	stream.linear.gather [hbm4b:s16+s4], $0x28, $0x38;
	[tilespmem:$0x1CE00] =	vst v63  }
0x7d: {  	s12 =	sadd.s32 $0x50, s19  }
0x7e: {  	[tilespmem:s26], [sflag:$0x3] =	stream.indirect.gather [hbm4b:s1+s21], $0x80, s12, s21, $0xb8;
	[tilespmem:$0x1CE00] =	vst v63  }
0x7f: {  	_ =	swait.ge [sflag:s28], $0x1400  }
0x80: {  	[sflag:s28] =	ssyncset.done $0x0  }
0x81: {  	[sflag:s28] =	ssyncadd.s32 $0xFFFFEC00  }
0x82: {  	_ =	swait.ge [sflag:s29], $0x28  }
0x83: {  	s20 =	simm.s32 $0x2780;
	[sflag:s29] =	ssyncset.done $0x0  }
0x84: {  	s22 =	simm.s32 $0x2A00;
	s12 =	simm.s32 @!p0 $0x9;
	[sflag:s29] =	ssyncadd.s32 $0xFFFFFFD8  }
0x85: {  	[spmem:s3] =	stream.indirect.scatter.add.f32 [tilespmem:s22], [sflag:$0x6], $0x80, s20, s21, $0xb8;
	[tilespmem:$0x1CE00] =	vst v63  }
0x86: {  	_ =	swait.ge @!p0 [sflag:s12], $0x1400  }
0x87: {  	[sflag:s12] =	ssyncset.done @!p0 $0x0  }
0x88: {  	s22 =	rddreg [dreg:$0x4];
	[sflag:s12] =	ssyncadd.s32 @!p0 $0xFFFFEC00  }
0x89: {  	[tilespmem:s22], [sflag:$0xE] =	stream.linear.gather [hbm4b:s15+s4], $0x28, $0x38;
	[tilespmem:$0x1CE00] =	vst v63  }
0x8a: {  	s24 =	sadd.s32 $0x78, s19;
	s23 =	rddreg [dreg:$0x5]  }
0x8b: {  	[tilespmem:s23], [sflag:$0x4] =	stream.indirect.gather [hbm4b:s1+s21], $0x80, s24, s21, $0xb8;
	[tilespmem:$0x1CE00] =	vst v63  }
0x8c: {  	_ =	swait.ge [sflag:s30], $0x1400  }
0x8d: {  	[sflag:s30] =	ssyncset.done $0x0  }
0x8e: {  	[sflag:s30] =	ssyncadd.s32 $0xFFFFEC00  }
0x8f: {  	_ =	swait.ge [sflag:s31], $0x28  }
0x90: {  	s12 =	simm.s32 @!p0 $0xA;
	[sflag:s31] =	ssyncset.done $0x0  }
0x91: {  	s22 =	simm.s32 $0x2800;
	s23 =	simm.s32 $0x3E00;
	[sflag:s31] =	ssyncadd.s32 $0xFFFFFFD8  }
0x92: {  	[spmem:s3] =	stream.indirect.scatter.add.f32 [tilespmem:s23], [sflag:$0x7], $0x80, s22, s21, $0xb8;
	[tilespmem:$0x1CE00] =	vst v63  }
0x93: {  	_ =	swait.ge @!p0 [sflag:s12], $0x1400  }
0x94: {  	[sflag:s12] =	ssyncset.done @!p0 $0x0  }
0x95: {  	[sflag:s12] =	ssyncadd.s32 @!p0 $0xFFFFEC00  }
0x96: {  	[tilespmem:s2], [sflag:$0xF] =	stream.linear.gather [hbm4b:s14+s4], $0x28, $0x38;
	[tilespmem:$0x1CE00] =	vst v63  }
0x97: {  	s24 =	sadd.s32 $0xA0, s19  }
0x98: {  	[tilespmem:s0], [sflag:$0x5] =	stream.indirect.gather [hbm4b:s1+s21], $0x80, s24, s21, $0xb8;
	[tilespmem:$0x1CE00] =	vst v63  }
0x99: {  	_ =	swait.ge [sflag:s6], $0x1400  }
0x9a: {  	[sflag:s6] =	ssyncset.done $0x0  }
0x9b: {  	[sflag:s6] =	ssyncadd.s32 $0xFFFFEC00  }
0x9c: {  	p2 =	seq.s32 s17, $0x0;
	_ =	swait.ge [sflag:s8], $0x28  }
0x9d: {  	p0 =	por p2, p2;
	p2 =	seq.s32 s7, $0x9920;
	[sflag:s8] =	ssyncset.done $0x0  }
0x9e: {  	s12 =	simm.s32 @p2 $0x4;
	[sflag:s8] =	ssyncadd.s32 $0xFFFFFFD8  }
0x9f: {  	[spmem:s3] =	stream.indirect.scatter.add.f32 [tilespmem:s26], [sflag:$0x8], $0x80, s25, s21, $0xb8;
	[tilespmem:$0x1CE00] =	vst v63  }
0xa0: {  	_ =	swait.ge @p2 [sflag:s12], $0x1400  }
0xa1: {  	s18 =	smov.u32 s17;
	s7 =	sshra.s32 @!p2 s7, $0x2;
	[sflag:s12] =	ssyncset.done @p2 $0x0  }
0xa2: {  	s22 =	simm.s32 @p2 $0xE;
	s20 =	sadd.s32 @!p2 $0xC8, s7;
	[sflag:s12] =	ssyncadd.s32 @p2 $0xFFFFEC00  }
0xa3: {  	s23 =	sadd.s32 @!p2 $0xF0, s7;
	s7 =	smov.u32 s18;
	_ =	swait.ge @p2 [sflag:s22], $0x28  }
0xa4: {  	s18 =	simm.s32 @p2 $0x28;
	s24 =	simm.s32 @p2 $0x2900;
	[sflag:s22] =	ssyncset.done @p2 $0x0  }
0xa5: {  	s12 =	simm.s32 @p2 $0x6600;
	[sflag:s22] =	ssyncadd.s32 @p2 $0xFFFFFFD8;
	s22 =	simm.s32 @!p2 $0x6  }
0xa6: {  	[spmem:s3] =	stream.indirect.scatter.add.f32 @p2 [tilespmem:s12], [sflag:$0x9], $0x80, s24, s18, $0xb8;
	[tilespmem:$0x1CE00] =	vst v63  }
0xa7: {  	s19 =	sshrl.u32 @!p2 s13, $0x3;
	_ =	swait.ge @!p2 [sflag:s22], $0x1400  }
0xa8: {  	s19 =	sadd.s32 @!p2 s5, s19;
	[sflag:s22] =	ssyncset.done @!p2 $0x0  }
0xa9: {  	s12 =	simm.s32 @!p2 $0x0;
	s18 =	simm.s32 @!p2 $0x2780;
	[sflag:s22] =	ssyncadd.s32 @!p2 $0xFFFFEC00  }
0xaa: {  	[tilespmem:s18], [sflag:$0xB] =	stream.linear.gather @!p2 [hbm4b:s19+s12], $0x28, $0x38;
	[tilespmem:$0x1CE00] =	vst v63  }
0xab: {  	s24 =	simm.s32 @!p2 $0x2A00;
	s22 =	simm.s32 @!p2 $0x28;
	s18 =	simm.s32 @!p2 $0x4  }
0xac: {  	[tilespmem:s24], [sflag:$0x1] =	stream.indirect.gather @!p2 [hbm4b:s1+s22], $0x80, s20, s22, $0xb8;
	[tilespmem:$0x1CE00] =	vst v63  }
0xad: {  	_ =	swait.ge @!p2 [sflag:s18], $0x1400  }
0xae: {  	[sflag:s18] =	ssyncset.done @!p2 $0x0  }
0xaf: {  	s19 =	simm.s32 @!p2 $0xE;
	[sflag:s18] =	ssyncadd.s32 @!p2 $0xFFFFEC00  }
0xb0: {  	_ =	swait.ge @!p2 [sflag:s19], $0x28  }
0xb1: {  	s20 =	simm.s32 @!p2 $0x6600;
	[sflag:s19] =	ssyncset.done @!p2 $0x0  }
0xb2: {  	s18 =	simm.s32 @!p2 $0x2900;
	[sflag:s19] =	ssyncadd.s32 @!p2 $0xFFFFFFD8;
	s19 =	simm.s32 @!p2 $0x7  }
0xb3: {  	[spmem:s3] =	stream.indirect.scatter.add.f32 @!p2 [tilespmem:s20], [sflag:$0x9], $0x80, s18, s22, $0xb8;
	[tilespmem:$0x1CE00] =	vst v63  }
0xb4: {  	_ =	swait.ge @!p2 [sflag:s19], $0x1400  }
0xb5: {  	[sflag:s19] =	ssyncset.done @!p2 $0x0  }
0xb6: {  	s17 =	sadd.s32 $0x320, s17;
	s18 =	simm.s32 @!p2 $0x2800;
	[sflag:s19] =	ssyncadd.s32 @!p2 $0xFFFFEC00  }
0xb7: {  	[tilespmem:s18], [sflag:$0xC] =	stream.linear.gather @!p2 [hbm4b:s11+s12], $0x28, $0x38;
	[tilespmem:$0x1CE00] =	vst v63  }
0xb8: {  	p1 =	sne.s32 s17, $0x9C40;
	s19 =	simm.s32 @!p2 $0x3E00  }
0xb9: {  	[tilespmem:s19], [sflag:$0x2] =	stream.indirect.gather @!p2 [hbm4b:s1+s22], $0x80, s23, s22, $0xb8;
	[tilespmem:$0x1CE00] =	vst v63  }
.Ltmp0:
0xba: {  	_ =	swait.ge [sflag:s9], $0x1400;
	(pc) =	sbr.rel @p1 .LBB2_2-.Ltmp0, $4  }
0xbb: {  	[sflag:s9] =	ssyncset.done $0x0  }
0xbc: {  	s16 =	sadd.s32 $0x19, s16;
	s15 =	sadd.s32 $0x19, s15;
	[sflag:s9] =	ssyncadd.s32 $0xFFFFEC00  }
0xbd: {  	s14 =	sadd.s32 $0x19, s14;
	s13 =	sadd.s32 $0xC8, s13;
	_ =	swait.ge [sflag:s10], $0x28  }
0xbe: {  	s11 =	sadd.s32 $0x19, s11;
	s19 =	simm.s32 @!p0 $0x8;
	[sflag:s10] =	ssyncset.done $0x0  }
0xbf: {  	[sflag:s10] =	ssyncadd.s32 $0xFFFFFFD8  }
0xc0: {  	[spmem:s3] =	stream.indirect.scatter.add.f32 [tilespmem:s0], [sflag:$0xA], $0x80, s2, s21, $0xb8;
	[tilespmem:$0x1CE00] =	vst v63  }
0xc1: {  	_ =	swait.ge @!p0 [sflag:s19], $0x1400  }
0xc2: {  	[sflag:s19] =	ssyncset.done @!p0 $0x0  }
0xc3: {  	s12 =	sshra.s32 s7, $0x2;
	[sflag:s19] =	ssyncadd.s32 @!p0 $0xFFFFEC00  }
0xc4: {  	[tilespmem:s25], [sflag:$0xD] =	stream.linear.gather [hbm4b:s16+s4], $0x28, $0x38;
	[tilespmem:$0x1CE00] =	vst v63  }
0xc5: {  	s18 =	sadd.s32 $0x50, s12  }
0xc6: {  	[tilespmem:s26], [sflag:$0x3] =	stream.indirect.gather [hbm4b:s1+s21], $0x80, s18, s21, $0xb8;
	[tilespmem:$0x1CE00] =	vst v63  }
0xc7: {  	_ =	swait.ge [sflag:s28], $0x1400  }
0xc8: {  	[sflag:s28] =	ssyncset.done $0x0  }
0xc9: {  	[sflag:s28] =	ssyncadd.s32 $0xFFFFEC00  }
0xca: {  	_ =	swait.ge [sflag:s29], $0x28  }
0xcb: {  	s17 =	simm.s32 $0x2780;
	[sflag:s29] =	ssyncset.done $0x0  }
0xcc: {  	s16 =	simm.s32 @!p0 $0x9;
	s18 =	simm.s32 $0x2A00;
	[sflag:s29] =	ssyncadd.s32 $0xFFFFFFD8  }
0xcd: {  	[spmem:s3] =	stream.indirect.scatter.add.f32 [tilespmem:s18], [sflag:$0x6], $0x80, s17, s21, $0xb8;
	[tilespmem:$0x1CE00] =	vst v63  }
0xce: {  	_ =	swait.ge @!p0 [sflag:s16], $0x1400  }
0xcf: {  	[sflag:s16] =	ssyncset.done @!p0 $0x0  }
0xd0: {  	s19 =	rddreg [dreg:$0x4];
	[sflag:s16] =	ssyncadd.s32 @!p0 $0xFFFFEC00  }
0xd1: {  	[tilespmem:s19], [sflag:$0xE] =	stream.linear.gather [hbm4b:s15+s4], $0x28, $0x38;
	[tilespmem:$0x1CE00] =	vst v63  }
0xd2: {  	s22 =	sadd.s32 $0x78, s12;
	s20 =	rddreg [dreg:$0x5]  }
0xd3: {  	[tilespmem:s20], [sflag:$0x4] =	stream.indirect.gather [hbm4b:s1+s21], $0x80, s22, s21, $0xb8;
	[tilespmem:$0x1CE00] =	vst v63  }
0xd4: {  	_ =	swait.ge [sflag:s30], $0x1400  }
0xd5: {  	[sflag:s30] =	ssyncset.done $0x0  }
0xd6: {  	[sflag:s30] =	ssyncadd.s32 $0xFFFFEC00  }
0xd7: {  	_ =	swait.ge [sflag:s31], $0x28  }
0xd8: {  	s23 =	simm.s32 $0x2800;
	[sflag:s31] =	ssyncset.done $0x0  }
0xd9: {  	s24 =	simm.s32 $0x3E00;
	s15 =	simm.s32 @!p0 $0xA;
	[sflag:s31] =	ssyncadd.s32 $0xFFFFFFD8  }
0xda: {  	[spmem:s3] =	stream.indirect.scatter.add.f32 [tilespmem:s24], [sflag:$0x7], $0x80, s23, s21, $0xb8;
	[tilespmem:$0x1CE00] =	vst v63  }
0xdb: {  	_ =	swait.ge @!p0 [sflag:s15], $0x1400  }
0xdc: {  	[sflag:s15] =	ssyncset.done @!p0 $0x0  }
0xdd: {  	[sflag:s15] =	ssyncadd.s32 @!p0 $0xFFFFEC00  }
0xde: {  	[tilespmem:s2], [sflag:$0xF] =	stream.linear.gather [hbm4b:s14+s4], $0x28, $0x38;
	[tilespmem:$0x1CE00] =	vst v63  }
0xdf: {  	s12 =	sadd.s32 $0xA0, s12  }
0xe0: {  	[tilespmem:s0], [sflag:$0x5] =	stream.indirect.gather [hbm4b:s1+s21], $0x80, s12, s21, $0xb8;
	[tilespmem:$0x1CE00] =	vst v63  }
0xe1: {  	_ =	swait.ge [sflag:s6], $0x1400  }
0xe2: {  	[sflag:s6] =	ssyncset.done $0x0  }
0xe3: {  	[sflag:s6] =	ssyncadd.s32 $0xFFFFEC00  }
0xe4: {  	_ =	swait.ge [sflag:s8], $0x28  }
0xe5: {  	p0 =	seq.s32 s7, $0x9920;
	[sflag:s8] =	ssyncset.done $0x0  }
0xe6: {  	s12 =	simm.s32 @p0 $0x4;
	[sflag:s8] =	ssyncadd.s32 $0xFFFFFFD8  }
0xe7: {  	[spmem:s3] =	stream.indirect.scatter.add.f32 [tilespmem:s26], [sflag:$0x8], $0x80, s25, s21, $0xb8;
	[tilespmem:$0x1CE00] =	vst v63  }
0xe8: {  	_ =	swait.ge @p0 [sflag:s12], $0x1400  }
0xe9: {  	[sflag:s12] =	ssyncset.done @p0 $0x0  }
0xea: {  	s14 =	simm.s32 @p0 $0xE;
	[sflag:s12] =	ssyncadd.s32 @p0 $0xFFFFEC00  }
0xeb: {  	_ =	swait.ge @p0 [sflag:s14], $0x28  }
0xec: {  	s15 =	simm.s32 @p0 $0x28;
	[sflag:s14] =	ssyncset.done @p0 $0x0  }
0xed: {  	s12 =	simm.s32 @p0 $0x6600;
	[sflag:s14] =	ssyncadd.s32 @p0 $0xFFFFFFD8;
	s14 =	simm.s32 @p0 $0x2900  }
0xee: {  	[spmem:s3] =	stream.indirect.scatter.add.f32 @p0 [tilespmem:s12], [sflag:$0x9], $0x80, s14, s15, $0xb8;
	[tilespmem:$0x1CE00] =	vst v63  }
0xef: {  	s12 =	simm.s32 @!p0 $0x6  }
0xf0: {  	s13 =	sshrl.u32 @!p0 s13, $0x3;
	_ =	swait.ge @!p0 [sflag:s12], $0x1400  }
0xf1: {  	s7 =	sshra.s32 @!p0 s7, $0x2;
	s13 =	sadd.s32 @!p0 s5, s13;
	[sflag:s12] =	ssyncset.done @!p0 $0x0  }
0xf2: {  	s14 =	simm.s32 @!p0 $0x0;
	s15 =	simm.s32 @!p0 $0x2780;
	[sflag:s12] =	ssyncadd.s32 @!p0 $0xFFFFEC00  }
0xf3: {  	[tilespmem:s15], [sflag:$0xB] =	stream.linear.gather @!p0 [hbm4b:s13+s14], $0x28, $0x38;
	[tilespmem:$0x1CE00] =	vst v63  }
0xf4: {  	s12 =	sadd.s32 @!p0 $0xC8, s7;
	s13 =	simm.s32 @!p0 $0x28;
	s15 =	simm.s32 @!p0 $0x2A00  }
0xf5: {  	[tilespmem:s15], [sflag:$0x1] =	stream.indirect.gather @!p0 [hbm4b:s1+s13], $0x80, s12, s13, $0xb8;
	[tilespmem:$0x1CE00] =	vst v63  }
0xf6: {  	s12 =	simm.s32 @!p0 $0x4  }
0xf7: {  	_ =	swait.ge @!p0 [sflag:s12], $0x1400  }
0xf8: {  	[sflag:s12] =	ssyncset.done @!p0 $0x0  }
0xf9: {  	s15 =	simm.s32 @!p0 $0xE;
	[sflag:s12] =	ssyncadd.s32 @!p0 $0xFFFFEC00  }
0xfa: {  	_ =	swait.ge @!p0 [sflag:s15], $0x28  }
0xfb: {  	[sflag:s15] =	ssyncset.done @!p0 $0x0  }
0xfc: {  	s12 =	simm.s32 @!p0 $0x2900;
	[sflag:s15] =	ssyncadd.s32 @!p0 $0xFFFFFFD8;
	s15 =	simm.s32 @!p0 $0x6600  }
0xfd: {  	[spmem:s3] =	stream.indirect.scatter.add.f32 @!p0 [tilespmem:s15], [sflag:$0x9], $0x80, s12, s13, $0xb8;
	[tilespmem:$0x1CE00] =	vst v63  }
0xfe: {  	s12 =	simm.s32 @!p0 $0x7  }
0xff: {  	_ =	swait.ge @!p0 [sflag:s12], $0x1400  }
0x100: {  	[sflag:s12] =	ssyncset.done @!p0 $0x0  }
0x101: {  	[sflag:s12] =	ssyncadd.s32 @!p0 $0xFFFFEC00;
	s12 =	simm.s32 @!p0 $0x2800  }
0x102: {  	[tilespmem:s12], [sflag:$0xC] =	stream.linear.gather @!p0 [hbm4b:s11+s14], $0x28, $0x38;
	[tilespmem:$0x1CE00] =	vst v63  }
0x103: {  	s7 =	sadd.s32 @!p0 $0xF0, s7;
	s11 =	simm.s32 @!p0 $0x3E00  }
0x104: {  	[tilespmem:s11], [sflag:$0x2] =	stream.indirect.gather @!p0 [hbm4b:s1+s13], $0x80, s7, s13, $0xb8;
	[tilespmem:$0x1CE00] =	vst v63  }
0x105: {  	_ =	swait.ge [sflag:s9], $0x1400  }
0x106: {  	[sflag:s9] =	ssyncset.done $0x0  }
0x107: {  	[sflag:s9] =	ssyncadd.s32 $0xFFFFEC00  }
0x108: {  	_ =	swait.ge [sflag:s10], $0x28  }
0x109: {  	[sflag:s10] =	ssyncset.done $0x0  }
0x10a: {  	s16 =	simm.s32 $0x6;
	[sflag:s10] =	ssyncadd.s32 $0xFFFFFFD8  }
0x10b: {  	[spmem:s3] =	stream.indirect.scatter.add.f32 [tilespmem:s0], [sflag:$0xA], $0x80, s2, s21, $0xb8;
	[tilespmem:$0x1CE00] =	vst v63  }
0x10c: {  	_ =	swait.ge [sflag:s16], $0x1400  }
0x10d: {  	[sflag:s16] =	ssyncset.done $0x0  }
0x10e: {  	s17 =	simm.s32 $0x7;
	[sflag:s16] =	ssyncadd.s32 $0xFFFFEC00  }
0x10f: {  	_ =	swait.ge [sflag:s17], $0x1400  }
0x110: {  	[sflag:s17] =	ssyncset.done $0x0  }
0x111: {  	s18 =	simm.s32 $0x8;
	[sflag:s17] =	ssyncadd.s32 $0xFFFFEC00  }
0x112: {  	_ =	swait.ge [sflag:s18], $0x1400  }
0x113: {  	[sflag:s18] =	ssyncset.done $0x0  }
0x114: {  	s19 =	simm.s32 $0x9;
	[sflag:s18] =	ssyncadd.s32 $0xFFFFEC00  }
0x115: {  	_ =	swait.ge [sflag:s19], $0x1400  }
0x116: {  	[sflag:s19] =	ssyncset.done $0x0  }
0x117: {  	s20 =	simm.s32 $0xA;
	[sflag:s19] =	ssyncadd.s32 $0xFFFFEC00  }
0x118: {  	_ =	swait.ge [sflag:s20], $0x1400  }
0x119: {  	[sflag:s20] =	ssyncset.done $0x0  }
0x11a: {  	[sflag:s20] =	ssyncadd.s32 $0xFFFFEC00  }
0x11b: {  	[bflag:$0x0] =	sbarrier.arrive $0xFFFF  }
0x11c: {  	s12 =	rddreg [dreg:$0x7]  }
0x11d: {  	s22 =	rddreg [dreg:$0xb]  }
0x11e: {  	s13 =	simm.s32 $0x10;
	s11 =	rddreg [dreg:$0x12]  }
0x11f: {  	[hbm:s22], [sflag:s12] =	dma.local [spmem:s11], $0x2800  }
0x120: {  	_ =	swait.ge [sflag:s13], $0x2800  }
0x121: {  	s23 =	rddreg [dreg:$0x13]  }
0x122: {  	s24 =	rddreg [dreg:$0xc];
	s14 =	sadd.s32 $0x1, s23  }
0x123: {  	p0 =	sne.s32 s14, s24  }
.Ltmp1:
0x124: {  	_ = 	snop;
	(pc) =	sbr.rel @p0 .LBB2_1-.Ltmp1, $3  }
0x125: {  	_ =	sdelay $0x1  }
0x126: {  	[sflag:s13] =	ssyncset.done $0x0  }
0x127: {  	[sflag:s13] =	ssyncadd.s32 $0xFFFFD800  }
0x128: {  	_ =	sfence.sel $0x180000  }
0x129: {  	[bflag:$0x0] =	sbarrier.arrive $0xFFFF  }
0x12a: {  	_ =	strace $0x9000004D  }
0x12b: {  	s0 =	stileid.u32;
	[bflag:$0x2] =	sbarrier.arrive $0xFFFF  }
0x12c: {  	p0 =	sne.s32 s0, $0x0;
	s0 =	rddreg [dreg:$0x3]  }
0x12d: {  	s0 =	sadd.s32 @!p0 $0x100000, s0  }
0x12e: {  	[sflag:s0] =	ssyncadd.tile.s32 @!p0 $0x1;
	_ =	shalt  }
.Lfunc_end2:
_tile_overlayer_lowered:
.L_overlay_start_2:
0x12f: {  	(tag) =	ssettag $0x2  }
0x130: {  	s0 =	rddreg [dreg:$0x0];
	s2 =	stileid.u32  }
0x131: {  	s1 =	rddreg [dreg:$0x1];
	p0 =	sne.s32 s2, $0x0  }
0x132: {  	s3 =	rddreg [dreg:$0x2];
	[bflag:$0x3] =	sbarrier.arrive $0xFFFF;
	s2 =	simm.s32 @!p0 $0x1C10  }
0x133: {  	[timem:s3], [sflag:s2] =	dma.local @!p0 [hbm:s0], s1  }
0x134: {  	s0 =	simm.s32 @!p0 $0x10  }
0x135: {  	_ =	swait.ge @!p0 [sflag:s0], s1  }
0x136: {  	s1 =	ssub.s32 @!p0 $0x0, s1;
	[sflag:s0] =	ssyncset.done @!p0 $0x0  }
0x137: {  	[sflag:s0] =	ssyncadd.s32 @!p0 s1  }
0x138: {  	[bflag:$0x3] =	sbarrier.arrive $0xFFFF  }
0x139: {  	_ =	shalt  }

// kernel: kernel.8.cloned.1.call-start
scs
__scs_entry_jumppad:
0x0: {  	(pc) =	sbr.rel $0x88, $3  }
0x1: {  	(tag) =	ssettag $0x0;
	lr =	simm.s32 $0x1  }
0x2: {  	[smem:$0x3F9F] =	sst lr;
	_ =	strace $0xD0000000  }
0x3: {  	_ = 	snop  }
0x4: {  	_ = 	snop  }
0x5: {  	_ = 	snop  }
0x6: {  	_ = 	snop  }
0x7: {  	_ = 	snop  }
__scs_overlays_trampoline_lowered:
0x8: {  	[smem:$0x3FAE] =	sst s0  }
0x9: {  	[smem:$0x3FAF] =	sst s1  }
0xa: {  	[smem:$0x3FB0] =	sst s2  }
0xb: {  	[smem:$0x3FB1] =	sst s3  }
0xc: {  	[smem:$0x3FB2] =	sst s4  }
0xd: {  	[smem:$0x3FB3] =	sst s5  }
0xe: {  	[smem:$0x3FB4] =	sst s6  }
0xf: {  	[smem:$0x3FB5] =	sst s7  }
0x10: {  	[smem:$0x3FB6] =	sst s8  }
0x11: {  	[smem:$0x3FB7] =	sst s9;
	s0 =	simm.s32 @!p0 $0x0  }
0x12: {  	s1 =	sld [smem:$0x3F9D];
	s0 =	simm.s32 @p0 $0x1  }
0x13: {  	[smem:$0x3FB8] =	sst s0;
	s0 =	simm.s32 @!p1 $0x0  }
0x14: {  	s2 =	sld [smem:$0x3F9C];
	s0 =	simm.s32 @p1 $0x1  }
0x15: {  	[smem:$0x3FB9] =	sst s0;
	s0 =	simm.s32 @!p2 $0x0  }
0x16: {  	s3 =	sld [smem:$0x3FDB];
	s0 =	simm.s32 @p2 $0x1  }
0x17: {  	s4 =	simm.s32 $0x1BF5;
	[smem:$0x3FBB] =	sst s0  }
0x18: {  	s0 =	sld [smem:$0x3F9E];
	_ =	swait.ge [sflag:s4], $0x0  }
0x19: {  	s7 =	sld [smem:$0x3F9F]  }
0x1a: {  	s8 =	sadd.s32 $0xFFFFE003, lr  }
0x1b: {  	s9 =	sadd.s32 $0xFFFFFEF7, lr;
	s5 =	simm.s32 $0xFFFFFFFF;
	p2 =	slt.u32 s8, $0xFFFFF086  }
0x1c: {  	p1 =	slt.u32 s9, $0xF7A;
	s5 =	simm.s32 @!p2 $0x0  }
0x1d: {  	s5 =	simm.s32 @p1 $0x1;
	p0 =	seq.s32 s7, s2  }
0x1e: {  	s7 =	smul.u32 @!p0 $0xF7A, s2;
	p2 =	seq.s32 @!p0 s5, $0x0  }
0x1f: {  	s9 =	smul.u32 $0xF7A, s1;
	s8 =	simm.s32 @!p0 $0x1BF5;
	p2 =	por !p2, p0  }
0x20: {  	[sflag:s8] =	ssyncset.s32 @!p0 $0xFFFFF086;
	s6 =	sadd.s32 @!p0 s3, s7;
	s7 =	simm.s32 @!p0 $0x108  }
0x21: {  	s3 =	sadd.s32 s3, s9;
	s6 =	sadd.s32 @!p0 $0x88, s6;
	s7 =	simm.s32 @p2 $0x1082  }
0x22: {  	[simem:s7], [sflag:s8] =	dma.local @!p0 [hbm:s6], $0xF7A  }
0x23: {  	s9 =	sor.u32 $0xD0000000, s2;
	s6 =	simm.s32 $0x108;
	_ =	swait.ge @!p0 [sflag:s8], $0x0  }
0x24: {  	s3 =	sadd.s32 $0x88, s3;
	s6 =	simm.s32 @!p1 $0x1082;
	[sflag:s4] =	ssyncset.s32 $0xFFFFF086  }
0x25: {  	[simem:s6], [sflag:s4] =	dma.local [hbm:s3], $0xF7A  }
0x26: {  	[smem:$0x3F9F] =	sst s1;
	(tag) =	ssettag s2;
	_ =	strace s9  }
0x27: {  	s1 =	sld [smem:$0x3FAF]  }
0x28: {  	s2 =	sld [smem:$0x3FB0]  }
0x29: {  	s4 =	sld [smem:$0x3FB2]  }
0x2a: {  	p0 =	seq.s32 s5, $0x0;
	s5 =	sld [smem:$0x3FB3]  }
0x2b: {  	s6 =	sld [smem:$0x3FB4]  }
0x2c: {  	s7 =	sld [smem:$0x3FB5]  }
0x2d: {  	s3 =	simm.s32 $0x108;
	s8 =	sld [smem:$0x3FB6]  }
0x2e: {  	s3 =	simm.s32 @!p0 $0x1082;
	s9 =	sld [smem:$0x3FB7]  }
0x2f: {  	lr =	sadd.s32 s0, s3;
	s0 =	sld [smem:$0x3FAE]  }
0x30: {  	s3 =	sld [smem:$0x3FB1]  }
0x31: {  	[smem:$0x3FBA] =	sst s10  }
0x32: {  	s10 =	sld [smem:$0x3FB8];
	_ =	sdelay $0x3  }
0x33: {  	p0 =	seq.s32 s10, $0x1;
	s10 =	sld [smem:$0x3FBA];
	_ =	sdelay $0x3  }
0x34: {  	[smem:$0x3FBA] =	sst s10  }
0x35: {  	s10 =	sld [smem:$0x3FB9];
	_ =	sdelay $0x3  }
0x36: {  	p1 =	seq.s32 s10, $0x1;
	s10 =	sld [smem:$0x3FBA];
	_ =	sdelay $0x3  }
0x37: {  	[smem:$0x3FBA] =	sst s10  }
0x38: {  	s10 =	sld [smem:$0x3FBB]  }
0x39: {  	_ = 	snop;
	(pc) =	sbr.ind lr, $3  }
0x3a: {  	_ = 	snop  }
0x3b: {  	_ = 	snop  }
0x3c: {  	p2 =	seq.s32 s10, $0x1;
	s10 =	sld [smem:$0x3FBA]  }
0x3d: {  	_ =	shalt  }
0x3e: {  	_ =	shalt  }
0x3f: {  	_ =	shalt  }
0x40: {  	_ =	shalt  }
0x41: {  	_ =	shalt  }
0x42: {  	_ =	shalt  }
0x43: {  	_ =	shalt  }
0x44: {  	_ =	shalt  }
0x45: {  	_ =	shalt  }
0x46: {  	_ =	shalt  }
0x47: {  	_ =	shalt  }
0x48: {  	_ =	shalt  }
0x49: {  	_ =	shalt  }
0x4a: {  	_ =	shalt  }
0x4b: {  	_ =	shalt  }
0x4c: {  	_ =	shalt  }
0x4d: {  	_ =	shalt  }
0x4e: {  	_ =	shalt  }
0x4f: {  	_ =	shalt  }
0x50: {  	_ =	shalt  }
0x51: {  	_ =	shalt  }
0x52: {  	_ =	shalt  }
0x53: {  	_ =	shalt  }
0x54: {  	_ =	shalt  }
0x55: {  	_ =	shalt  }
0x56: {  	_ =	shalt  }
0x57: {  	_ =	shalt  }
0x58: {  	_ =	shalt  }
0x59: {  	_ =	shalt  }
0x5a: {  	_ =	shalt  }
0x5b: {  	_ =	shalt  }
0x5c: {  	_ =	shalt  }
0x5d: {  	_ =	shalt  }
0x5e: {  	_ =	shalt  }
0x5f: {  	_ =	shalt  }
0x60: {  	_ =	shalt  }
0x61: {  	_ =	shalt  }
0x62: {  	_ =	shalt  }
0x63: {  	_ =	shalt  }
0x64: {  	_ =	shalt  }
0x65: {  	_ =	shalt  }
0x66: {  	_ =	shalt  }
0x67: {  	_ =	shalt  }
0x68: {  	_ =	shalt  }
0x69: {  	_ =	shalt  }
0x6a: {  	_ =	shalt  }
0x6b: {  	_ =	shalt  }
0x6c: {  	_ =	shalt  }
0x6d: {  	_ =	shalt  }
0x6e: {  	_ =	shalt  }
0x6f: {  	_ =	shalt  }
0x70: {  	_ =	shalt  }
0x71: {  	_ =	shalt  }
0x72: {  	_ =	shalt  }
0x73: {  	_ =	shalt  }
0x74: {  	_ =	shalt  }
0x75: {  	_ =	shalt  }
0x76: {  	_ =	shalt  }
0x77: {  	_ =	shalt  }
0x78: {  	_ =	shalt  }
0x79: {  	_ =	shalt  }
0x7a: {  	_ =	shalt  }
0x7b: {  	_ =	shalt  }
0x7c: {  	_ =	shalt  }
0x7d: {  	_ =	shalt  }
0x7e: {  	_ =	shalt  }
0x7f: {  	_ =	shalt  }
0x80: {  	_ =	shalt  }
0x81: {  	_ =	shalt  }
0x82: {  	_ =	shalt  }
0x83: {  	_ =	shalt  }
0x84: {  	_ =	shalt  }
0x85: {  	_ =	shalt  }
0x86: {  	_ =	shalt  }
0x87: {  	_ =	shalt  }
.Lfunc_end0:
.L_simem_size_0:
called_computation_lowered:
.L_overlay_start_0:
0x88: {  	s2 =	sld [smem:$0x3FD9]  }
0x89: {  	s3 =	sld [smem:$0x3FFE];
	_ =	sdelay $0x1  }
0x8a: {  	s1 =	srdreg.scid  }
0x8b: {  	s0 =	sand.u32 $0x1, s1  }
0x8c: {  	s17 =	sshll.u32 s0, $0xA;
	s2 =	sadd.s32 s3, s2  }
0x8d: {  	s2 =	sadd.s32 s2, s17  }
0x8e: {  	[smem:$0x3FC6] =	sst s2  }
0x8f: {  	_ = 	snop  }
0x90: {  	s2 =	sld [smem:$0x3FD0];
	(tm) =	ssettm $0x1  }
0x91: {  	s18 =	sld [smem:$0x3FFB];
	_ =	sdelay $0x3  }
0x92: {  	_ =	strace s18  }
0x93: {  	s3 =	sld [smem:$0x3FFC];
	_ =	sdelay $0x3  }
0x94: {  	_ =	strace s3  }
0x95: {  	s3 =	sld [smem:$0x3FFD];
	_ =	sdelay $0x3  }
0x96: {  	_ =	strace s3  }
0x97: {  	_ =	strace $0x8FFFFFFF  }
0x98: {  	s19 =	sld [smem:$0x3FDB];
	_ =	sdelay $0x1  }
0x99: {  	s4 =	simm.s32 $_scs_section_size  }
0x9a: {  	s5 =	simm.s32 $_size__tile_overlayer_lowered;
	s6 =	simm.s32 $_tile_overlayer_lowered  }
0x9b: {  	s22 =	simm.s32 $0x1BFF;
	s21 =	sshll.u32 s6, $0x1;
	s3 =	sadd.s32 s4, s19  }
0x9c: {  	s7 =	simm.s32 $0x0;
	s20 =	sshll.u32 s5, $0x1;
	s5 =	sadd.s32 s21, s3  }
0x9d: {  	[timem:s7], [sflag:s22] =	dma.local [hbm:s5], s20  }
0x9e: {  	_ =	swait.ge [sflag:s22], s20  }
0x9f: {  	s4 =	ssub.s32 $0x0, s20;
	[sflag:s22] =	ssyncset.done $0x0  }
0xa0: {  	[sflag:s22] =	ssyncadd.s32 s4;
	_ =	sdelay $0x1  }
0xa1: {  	s23 =	simm.s32 $0x1B8B  }
0xa2: {  	_ =	swait.ge [sflag:s23], $0x1  }
0xa3: {  	[sflag:s23] =	ssyncset.done $0x0  }
0xa4: {  	s25 =	simm.s32 $0x1B8E;
	s24 =	sld [smem:$0x3FFE];
	[sflag:s23] =	ssyncadd.s32 $0xFFFFFFFF  }
0xa5: {  	s26 =	simm.s32 $execute0_lowered;
	[smem:$0x3FD2] =	sst s25  }
0xa6: {  	s5 =	sshll.u32 s26, $0x1;
	_ =	strace $0x80000046;
	[dreg:$0x1] =	wrdreg $0xFFFFFFFF  }
0xa7: {  	s28 =	simm.s32 $_size_execute0_lowered;
	s3 =	sadd.s32 s3, s5;
	[dreg:$0x0] =	wrdreg $0x0  }
0xa8: {  	s5 =	sshll.u32 s28, $0x1;
	[dreg:$0x2] =	wrdreg s3  }
0xa9: {  	[dreg:$0x3] =	wrdreg s5  }
0xaa: {  	[dreg:$0x4] =	wrdreg $0xC0  }
0xab: {  	_ =	task [dreg:s7], $0x5FFFF  }
0xac: {  	[dreg:$0x1] =	wrdreg $0xFFFFFFFF  }
0xad: {  	[dreg:$0x0] =	wrdreg $0x60  }
0xae: {  	[dreg:$0x2] =	wrdreg s24  }
0xaf: {  	[dreg:$0x3] =	wrdreg s2  }
0xb0: {  	[dreg:$0x4] =	wrdreg $0x9  }
0xb1: {  	_ =	task.clear_ibuf [dreg:s7], $0x5FFFF;
	_ =	strace $0x90000046  }
0xb2: {  	s29 =	simm.s32 $0x9;
	_ =	strace $0x80000048  }
0xb3: {  	_ =	swait.ge [sflag:s29], $0x1  }
0xb4: {  	[sflag:s29] =	ssyncadd.s32 $0xFFFFFFFF  }
0xb5: {  	_ =	strace $0x90000048  }
0xb6: {  	_ =	sfence  }
0xb7: {  	s30 =	sld [smem:$0x0];
	_ =	sdelay $0x2  }
0xb8: {  	s31 =	sshll.u32 s1, $0xD;
	s1 =	sshrl.u32 s1, $0x2  }
0xb9: {  	s3 =	sand.u32 $0x4000, s31;
	s1 =	sadd.s32 s1, s30  }
0xba: {  	s0 =	sor.u32 s3, s0;
	s1 =	sshll.u32 s1, $0x11  }
0xbb: {  	s0 =	sor.u32 s1, s0  }
0xbc: {  	s0 =	sadd.s32 $0x8F2B, s0  }
0xbd: {  	[sflag:s0] =	ssyncadd.remote.s32 $0x1  }
0xbe: {  	_ =	sfence.sel $0xFFFF  }
0xbf: {  	[dreg:$0x0] =	wrdreg $0xFFFFFFFF;
	(pc) =	sbr.abs _section_cstart, $3  }
0xc0: {  	[dreg:$0x1] =	wrdreg $0xFFFFFFFF  }
0xc1: {  	_ =	task.clear_ibuf [dreg:s7], $0x2FFFF;
	_ =	strace $0x9FFFFFFF  }
0xc2: {  	(tm) =	ssettm $0x7FFFFFFF  }
0xc3: {  	_ =	shalt  }
tec
execute0_lowered:
.L_overlay_start_1:
0x0: {  	(tag) =	ssettag $0x1  }
0x1: {  	s1 =	srdreg.scid;
	s0 =	stileid.u32  }
0x2: {  	s5 =	sand.u32 $0x1, s1;
	s2 =	sshll.u32 s0, $0x1  }
0x3: {  	s3 =	rddreg [dreg:$0x0];
	v1 =	vimm.s32 $0xECA86420;
	s6 =	sor.u32 s5, s2  }
0x4: {  	v0 =	vimm.f32 $0.0e+00;
	s4 =	rddreg [dreg:$0x1];
	vm0 =	vcmask $0xB08;
	vm1 =	vcmask $0x1310;
	s7 =	smul.u32 $0x4E2, s6  }
0x5: {  	vm2 =	vcmask $0x1B18;
	vm3 =	vcmask $0x300;
	vm4 =	vcmask $0x2320;
	s0 =	simm.s32 $0x0;
	s5 =	ssub.s32 $0x2, s5;
	s6 =	smul.u32 $0x500, s6  }
0x6: {  	vm5 =	vcmask $0x2B28;
	vm6 =	vcmask $0x3330;
	v2 =	vlaneseq.u32;
	[smem:$0x7FF] =	sst s0;
	s8 =	sshrl.u32 s5, $0x1  }
0x7: {  	vm7 =	vcmask $0x3B38;
	vm8 =	vmmov $0xff;
	vm11 =	vcmask $0x704;
	_ =	strace $0x80000047;
	s5 =	ssub.s32 s5, s8;
	s30 =	sadd.s32 s4, s6  }
0x8: {  	vm12 =	vcmask $0xF0C;
	vm13 =	vcmask $0x1714;
	v1 =	vunpack.c.l.s4.s8 v1;
	s3 =	sadd.s32 s7, s3;
	s31 =	smax.u32 s5, $0x1;
	[dreg:$0x4] =	wrdreg s30  }
0x9: {  	vm14 =	vcmask $0x1F1C;
	vm15 =	vcmask $0x2724;
	v3 =	vimm.s32 $0x0;
	s2 =	simm.s32 $0x1;
	s29 =	sadd.s32 $0xBA00, s3;
	[dreg:$0x5] =	wrdreg s31  }
0xa: {  	v4 =	vimm.f32 $1.000000000e+00;
	v2 =	vmul.u32 $0x2, v2;
	v1 =	vunpack.c.0.s8.s32 v1;
	s8 =	simm.s32 $0x0;
	s7 =	simm.s32 $0x2710;
	[dreg:$0x3] =	wrdreg s29  }
.LBB2_1:
0xb: {  	s9 =	smul.u32 $0xCCCD, s0;
	_ =	sdelay $0x1  }
0xc: {  	s10 =	sshrl.u32 s9, $0x13  }
0xd: {  	s11 =	simm.s32 $0x0;
	s9 =	simm.s32 $0x1;
	s12 =	smul.u32 $0xA, s10  }
.LBB2_2:
0xe: {  	s13 =	smul.u32 $0xCCCD, s9  }
0xf: {  	s14 =	smov.u32 s9;
	s10 =	smul.u32 $0x280, s10;
	p0 =	sne.s32 s9, $0x27F  }
.Ltmp0:
0x10: {  	s11 =	ssub.s32 s11, s12;
	(pc) =	sbr.rel @p0 .LBB2_2-.Ltmp0, $4  }
0x11: {  	s9 =	sadd.s32 $0x1, s9;
	s11 =	sand.u32 $0xFFFF, s11  }
0x12: {  	s12 =	sshrl.u32 s10, $0x2;
	s15 =	sshll.u32 s11, $0x4;
	s11 =	smov.u32 s14  }
0x13: {  	s10 =	sshrl.u32 s13, $0x13;
	s13 =	sadd.s32 s15, s12  }
0x14: {  	s12 =	smul.u32 $0xA, s10;
	[tilespmem:s13+$0x2710] =	vst v0  }
0x15: {  	_ = 	snop  }
0x16: {  	s10 =	smul.u32 $0x280, s10;
	s9 =	ssub.s32 s11, s12  }
0x17: {  	s9 =	sand.u32 $0xFFFF, s9  }
0x18: {  	s10 =	sshrl.u32 s10, $0x2;
	s9 =	sshll.u32 s9, $0x4  }
0x19: {  	s9 =	sadd.s32 s9, s10  }
0x1a: {  	s25 =	simm.s32 $0x0;
	s0 =	rddreg [dreg:$0x3];
	[tilespmem:s9+$0x2710] =	vst v0  }
0x1b: {  	[tilespmem:s25], [sflag:$0x1] =	stream.linear.gather [hbm4b:s0+s25], $0x2710, $0x38;
	[tilespmem:$0x4F10] =	vst v63  }
0x1c: {  	_ =	swait.ge [sflag:s2], $0x2710  }
0x1d: {  	[sflag:s2] =	ssyncset.done $0x0  }
0x1e: {  	s26 =	simm.s32 $0x0;
	[sflag:s2] =	ssyncadd.s32 $0xFFFFD8F0  }
0x1f: {  	v5 =	vld [tilespmem:s26+$0x0];
	_ =	sdelay $0x4  }
0x20: {  	(v2sf) =	vpush v5, $0x7;
	_ =	sdelay $0x1  }
0x21: {  	(v2sf) =	vpush v5, $0x0  }
0x22: {  	(v2sf) =	vpush v5, $0x1;
	_ =	sdelay $0x1  }
0x23: {  	(v2sf) =	vpush v5, $0x2;
	_ =	sdelay $0x1  }
0x24: {  	(v2sf) =	vpush v5, $0x3  }
0x25: {  	(v2sf) =	vpush v5, $0x4;
	_ =	sdelay $0x2  }
0x26: {  	(v2sf) =	vpush v5, $0xC  }
0x27: {  	(v2sf) =	vpush v5, $0xD;
	_ =	sdelay $0x2  }
0x28: {  	(v2sf) =	vpush v5, $0xE;
	s28 =	spop (v2sf)  }
0x29: {  	(v2sf) =	vpush v5, $0x8;
	s29 =	smulhi.u32 $0x66666667, s28;
	s9 =	sshra.s32 s28, $0x1F  }
0x2a: {  	(v2sf) =	vpush v5, $0x9;
	s30 =	spop (v2sf);
	s9 =	smul.u32 $0x66666667, s9  }
0x2b: {  	s31 =	spop (v2sf);
	s23 =	smulhi.u32 $0x66666667, s30  }
0x2c: {  	s18 =	sshra.s32 s30, $0x1F;
	s13 =	smulhi.u32 $0x66666667, s31  }
0x2d: {  	s14 =	spop (v2sf);
	s18 =	smul.u32 $0x66666667, s18  }
0x2e: {  	(v2sf) =	vpush v5, $0xF;
	s12 =	sshra.s32 s31, $0x1F;
	s15 =	smulhi.u32 $0x66666667, s14  }
0x2f: {  	s14 =	sshra.s32 s14, $0x1F;
	s12 =	smul.u32 $0x66666667, s12;
	s16 =	spop (v2sf)  }
0x30: {  	s9 =	sadd.s32 s9, s29;
	s14 =	smul.u32 $0x66666667, s14;
	s19 =	spop (v2sf)  }
0x31: {  	s20 =	smulhi.u32 $0x66666667, s16;
	s17 =	sshra.s32 s9, $0x1F;
	s22 =	sshra.s32 s16, $0x1F  }
0x32: {  	(v2sf) =	vpush v5, $0xA;
	s23 =	sadd.s32 s18, s23;
	s0 =	sshra.s32 s19, $0x1F;
	s22 =	smul.u32 $0x66666667, s22  }
0x33: {  	s1 =	spop (v2sf);
	s3 =	sadd.s32 s12, s13;
	s19 =	smulhi.u32 $0x66666667, s19  }
0x34: {  	s21 =	smul.u32 $0x66666667, s0;
	s2 =	spop (v2sf);
	s4 =	sshra.s32 s1, $0x1F  }
0x35: {  	(v2sf) =	vpush v5, $0xB;
	s13 =	sshra.s32 s3, $0x6;
	s12 =	sshra.s32 s3, $0x1F;
	s29 =	smulhi.u32 $0x66666667, s1  }
0x36: {  	s14 =	sadd.s32 s14, s15;
	s16 =	sshrl.u32 s3, $0x1F;
	s24 =	smulhi.u32 $0x66666667, s2  }
0x37: {  	s11 =	sshra.s32 s2, $0x1F;
	s25 =	smul.u32 $0x66666667, s4;
	s28 =	spop (v2sf)  }
0x38: {  	s10 =	sshra.s32 s14, $0x6;
	s26 =	smul.u32 $0x66666667, s11;
	s30 =	spop (v2sf)  }
0x39: {  	s15 =	sshrl.u32 s14, $0x1F;
	s31 =	smulhi.u32 $0x66666667, s28;
	s1 =	spop (v2sf)  }
0x3a: {  	(v2sf) =	vpush v5, $0x5;
	s20 =	sadd.s32 s22, s20;
	s2 =	sshra.s32 s30, $0x1F;
	s0 =	smulhi.u32 $0x66666667, s1  }
0x3b: {  	s28 =	sshra.s32 s28, $0x1F;
	s18 =	sadd.s32 s21, s19;
	s2 =	smul.u32 $0x66666667, s2  }
0x3c: {  	s25 =	sadd.s32 s25, s29;
	s24 =	sadd.s32 s26, s24;
	s26 =	smul.u32 $0x66666667, s28  }
0x3d: {  	s1 =	sshra.s32 s1, $0x1F;
	s28 =	smulhi.u32 $0x66666667, s30;
	s5 =	spop (v2sf);
	(v2sf) =	vpush v5, $0x6  }
0x3e: {  	s22 =	sshrl.u32 s25, $0x1F;
	s25 =	sshra.s32 s25, $0x6;
	s1 =	smul.u32 $0x66666667, s1  }
0x3f: {  	s11 =	sshra.s32 s14, $0x1F;
	v7 =	vmov s22;
	v8 =	vmov s25;
	s22 =	sshra.s32 s23, $0x6;
	s25 =	sshra.s32 s18, $0x6  }
0x40: {  	s26 =	sadd.s32 s26, s31;
	s2 =	sadd.s32 s2, s28;
	s0 =	sadd.s32 s1, s0  }
0x41: {  	s1 =	sshra.s32 s20, $0x6;
	s29 =	smulhi.u32 $0x66666667, s5;
	s3 =	spop (v2sf)  }
0x42: {  	s31 =	sshra.s32 s26, $0x6;
	s14 =	sshra.s32 s5, $0x1F;
	s6 =	smulhi.u32 $0x66666667, s3  }
0x43: {  	s28 =	sshra.s32 s2, $0x6;
	s3 =	sshra.s32 s3, $0x1F;
	s5 =	smul.u32 $0x66666667, s14  }
0x44: {  	s2 =	sshrl.u32 s2, $0x1F;
	s4 =	spop (v2sf);
	s3 =	smul.u32 $0x66666667, s3  }
0x45: {  	s21 =	smulhi.u32 $0x66666667, s4;
	s4 =	sshra.s32 s4, $0x1F;
	s19 =	sadd.s32 s5, s29  }
0x46: {  	vm9 =	vcmask $0x2F2C;
	vm10 =	vcmask $0x3734;
	v6 =	vmov s17;
	s5 =	sshrl.u32 s20, $0x1F;
	s14 =	sadd.s32 s3, s6;
	s6 =	sshrl.u32 s23, $0x1F  }
0x47: {  	v6 =	vsel vm3, s22, v6;
	v11 =	vmov s2;
	s29 =	sshrl.u32 s0, $0x1F;
	s3 =	sshra.s32 s24, $0x6;
	v9 =	vmov s6;
	s6 =	sshra.s32 s23, $0x1F  }
0x48: {  	s20 =	sshra.s32 s20, $0x1F;
	s4 =	smul.u32 $0x66666667, s4;
	s24 =	sshrl.u32 s24, $0x1F;
	v11 =	vsel vm0, s29, v11;
	v8 =	vsel vm0, s3, v8;
	v6 =	vsel vm11, s6, v6  }
0x49: {  	s0 =	sshra.s32 s0, $0x6;
	v7 =	vsel vm0, s24, v7;
	s23 =	spop (v2sf);
	s24 =	sshrl.u32 s26, $0x1F;
	v9 =	vnsel vm3, $0x0, v9;
	v6 =	vsel vm0, s13, v6  }
0x4a: {  	s26 =	sshra.s32 s19, $0x6;
	s3 =	sadd.s32 s4, s21;
	s21 =	sshra.s32 s14, $0x6;
	v8 =	vsel vm1, s31, v8;
	v7 =	vsel vm1, s24, v7;
	v10 =	vsel vm12, s12, v6  }
0x4b: {  	s30 =	smulhi.u32 $0x66666667, s23;
	s31 =	sshra.s32 s23, $0x1F;
	s24 =	sshrl.u32 s19, $0x1F;
	v9 =	vsel vm0, s16, v9;
	v6 =	vsel vm2, s26, v8;
	v8 =	vsel vm1, s10, v10  }
0x4c: {  	s6 =	smul.u32 $0x66666667, s31;
	v7 =	vsel vm2, s24, v7;
	v9 =	vsel vm1, s15, v9;
	s15 =	sshrl.u32 s18, $0x1F;
	v8 =	vsel vm13, s11, v8;
	s12 =	spop (v2sf)  }
0x4d: {  	s26 =	sshrl.u32 s14, $0x1F;
	v9 =	vsel vm2, s5, v9;
	v10 =	vmov s28;
	v8 =	vsel vm2, s1, v8;
	s16 =	smulhi.u32 $0x66666667, s12;
	s10 =	sshra.s32 s12, $0x1F  }
0x4e: {  	s17 =	sadd.s32 s6, s30;
	v11 =	vsel vm1, s26, v11;
	s28 =	sshrl.u32 s3, $0x1F;
	v10 =	vsel vm0, s0, v10;
	v8 =	vsel vm14, s20, v8;
	s22 =	smul.u32 $0x66666667, s10  }
0x4f: {  	s23 =	sshra.s32 s18, $0x1F;
	s31 =	sshra.s32 s3, $0x6;
	v9 =	vsel vm4, s15, v9;
	s29 =	sshrl.u32 s17, $0x1F;
	v11 =	vsel vm2, s28, v11;
	v12 =	vsel vm4, s25, v8  }
0x50: {  	s30 =	sshra.s32 s17, $0x6;
	s11 =	sshrl.u32 s9, $0x1F;
	v10 =	vsel vm1, s21, v10;
	v7 =	vcombine.low v11, v7;
	v12 =	vsel vm15, s23, v12;
	s12 =	sadd.s32 s22, s16  }
0x51: {  	s13 =	sshra.s32 s17, $0x1F;
	v8 =	vsel vm5, s29, v9;
	v9 =	vsel vm2, s31, v10;
	v10 =	vsel vm5, s30, v12;
	s10 =	simm.s32 $0x40;
	s14 =	sshrl.u32 s12, $0x1F  }
.LBB2_4:
0x52: {  	v8 =	vsel vm6, s14, v8;
	v6 =	vcombine.low v9, v6;
	v9 =	vsel vm9, s13, v10;
	s1 =	sshra.s32 s12, $0x6  }
0x53: {  	v8 =	vsel vm7, s11, v8;
	v9 =	vsel vm6, s1, v9;
	s1 =	sshra.s32 s12, $0x1F  }
0x54: {  	v7 =	vperm.xlane v7, v1;
	v8 =	vperm.xlane v8, v2;
	v9 =	vsel vm10, s1, v9;
	s1 =	sshra.s32 s9, $0x6  }
0x55: {  	v9 =	vsel vm7, s1, v9  }
0x56: {  	p0 =	sne.s32 s10, $0x9C00;
	s0 =	smov.u32 s10;
	s10 =	sadd.s32 $0x40, s10;
	v6 =	vperm.xlane v6, v1;
	v7 =	vsel vm8, v8, v7;
	v8 =	vperm.xlane v9, v2  }
0x57: {  	vm9 =	vlt.s32 v5, $0x1;
	vm2 =	vmmov vm1  }
0x58: {  	vm1 =	vmmov vm0;
	vm0 =	vmmov vm8;
	v6 =	vsel vm8, v8, v6  }
0x59: {  	vm8 =	vmmov vm7;
	vm7 =	vmmov vm6;
	v6 =	vadd.s32 v7, v6  }
0x5a: {  	vm6 =	vmmov vm5;
	vm5 =	vmmov vm4;
	v7 =	vmul.u32 $0xFFFFFF60, v6  }
0x5b: {  	vm4 =	vmmov vm3;
	vm3 =	vmmov vm15;
	vm15 =	vmmov vm14  }
0x5c: {  	vm14 =	vmmov vm13;
	vm13 =	vmmov vm12;
	v5 =	vadd.s32 v5, v7  }
0x5d: {  	vm12 =	vmmov vm11;
	vm10 =	vne.s32 v5, $0x0;
	vm11 =	vlt.s32 v5, $0x0  }
0x5e: {  	v7 =	vadd.s32 $0xA0, v5;
	vm9 =	vmand vm9, vm10;
	vm10 =	vcmask $0x3734  }
0x5f: {  	v5 =	vsel vm11, v7, v5;
	vm11 =	vmmov vm12;
	vm12 =	vmmov vm13  }
0x60: {  	vm13 =	vmmov vm14;
	vm14 =	vmmov vm15;
	vm15 =	vmmov vm3  }
0x61: {  	vm3 =	vmmov vm4;
	vm4 =	vmmov vm5;
	vm5 =	vmmov vm6  }
0x62: {  	vm6 =	vmmov vm7;
	vm7 =	vmmov vm8;
	vm8 =	vmmov vm0  }
0x63: {  	vm0 =	vmmov vm1;
	vm1 =	vmmov vm2;
	vm2 =	vcmask $0x1B18  }
0x64: {  	v7 =	vsel vm9, $0xFFFFFFFF, v3;
	vm9 =	vcmask $0x2F2C  }
0x65: {  	v6 =	vadd.s32 v7, v6  }
0x66: {  	v6 =	vmul.u32 $0xA0, v6  }
0x67: {  	v7 =	vand.u32 $0xFFFFFFF8, v5  }
0x68: {  	v5 =	vand.u32 $0x7, v5;
	v6 =	vadd.s32 v7, v6  }
0x69: {  	v5 =	vor.u32 v5, v6;
	_ =	sdelay $0x4  }
0x6a: {  	s0 =	sshra.s32 s0, $0x2;
	[tilespmem:v5+s7+$0x0] =	vst.idx.add.f32.msk $0xffff, v4  }
0x6b: {  	v5 =	vld [tilespmem:s0+$0x0];
	_ =	sdelay $0x4  }
0x6c: {  	(v2sf) =	vpush v5, $0x7  }
0x6d: {  	(v2sf) =	vpush v5, $0x0  }
0x6e: {  	(v2sf) =	vpush v5, $0x1  }
0x6f: {  	(v2sf) =	vpush v5, $0x2;
	_ =	sdelay $0x1  }
0x70: {  	(v2sf) =	vpush v5, $0x3  }
0x71: {  	(v2sf) =	vpush v5, $0x4;
	_ =	sdelay $0x1  }
0x72: {  	(v2sf) =	vpush v5, $0xC  }
0x73: {  	(v2sf) =	vpush v5, $0xD;
	_ =	sdelay $0x1  }
0x74: {  	(v2sf) =	vpush v5, $0xE;
	_ =	sdelay $0x2  }
0x75: {  	(v2sf) =	vpush v5, $0x8  }
0x76: {  	(v2sf) =	vpush v5, $0x9;
	s0 =	spop (v2sf)  }
0x77: {  	s1 =	smulhi.u32 $0x66666667, s0;
	s0 =	sshra.s32 s0, $0x1F;
	(v2sf) =	vpush v5, $0xF;
	s2 =	spop (v2sf)  }
0x78: {  	s17 =	sshra.s32 s2, $0x1F;
	s0 =	smul.u32 $0x66666667, s0;
	s3 =	spop (v2sf)  }
0x79: {  	s4 =	smulhi.u32 $0x66666667, s3;
	s3 =	sshra.s32 s3, $0x1F;
	(v2sf) =	vpush v5, $0xA;
	s5 =	spop (v2sf)  }
0x7a: {  	s13 =	smulhi.u32 $0x66666667, s5;
	s5 =	sshra.s32 s5, $0x1F;
	s9 =	sadd.s32 s0, s1  }
0x7b: {  	s0 =	smul.u32 $0x66666667, s3;
	s1 =	sshra.s32 s9, $0x1F;
	s3 =	spop (v2sf)  }
0x7c: {  	s5 =	smul.u32 $0x66666667, s5;
	s18 =	sshra.s32 s3, $0x1F;
	v6 =	vmov s1;
	(v2sf) =	vpush v5, $0xB;
	s1 =	spop (v2sf)  }
0x7d: {  	s0 =	sadd.s32 s0, s4;
	s3 =	smulhi.u32 $0x66666667, s3;
	s4 =	sshra.s32 s1, $0x1F  }
0x7e: {  	s12 =	sshra.s32 s0, $0x6;
	s19 =	smul.u32 $0x66666667, s4;
	s4 =	spop (v2sf)  }
0x7f: {  	s20 =	smulhi.u32 $0x66666667, s2;
	s11 =	sshra.s32 s0, $0x1F;
	s2 =	spop (v2sf)  }
0x80: {  	s5 =	sadd.s32 s5, s13;
	s14 =	sshra.s32 s4, $0x1F;
	s21 =	smulhi.u32 $0x66666667, s2  }
0x81: {  	s2 =	sshra.s32 s2, $0x1F;
	s22 =	smul.u32 $0x66666667, s14;
	s23 =	spop (v2sf)  }
0x82: {  	s16 =	sshrl.u32 s0, $0x1F;
	s14 =	sshra.s32 s5, $0x6;
	s2 =	smul.u32 $0x66666667, s2  }
0x83: {  	s15 =	sshrl.u32 s5, $0x1F;
	s13 =	sshra.s32 s5, $0x1F;
	s0 =	smulhi.u32 $0x66666667, s4  }
0x84: {  	s5 =	smul.u32 $0x66666667, s18;
	s4 =	sshra.s32 s23, $0x1F;
	s24 =	spop (v2sf);
	(v2sf) =	vpush v5, $0x5  }
0x85: {  	s23 =	smulhi.u32 $0x66666667, s23;
	s25 =	sshra.s32 s24, $0x1F;
	s18 =	spop (v2sf)  }
0x86: {  	s26 =	smulhi.u32 $0x66666667, s18;
	s18 =	sshra.s32 s18, $0x1F;
	s28 =	spop (v2sf)  }
0x87: {  	s1 =	smulhi.u32 $0x66666667, s1;
	s0 =	sadd.s32 s22, s0;
	s22 =	sshra.s32 s28, $0x1F  }
0x88: {  	s29 =	sshrl.u32 s0, $0x1F;
	s28 =	smulhi.u32 $0x66666667, s28;
	s30 =	spop (v2sf)  }
0x89: {  	s2 =	sadd.s32 s2, s21;
	s0 =	sshra.s32 s0, $0x6;
	v7 =	vmov s29;
	s29 =	smulhi.u32 $0x66666667, s30  }
0x8a: {  	s31 =	smul.u32 $0x66666667, s17;
	s17 =	sshra.s32 s2, $0x6;
	v8 =	vmov s0;
	s30 =	sshra.s32 s30, $0x1F;
	(v2sf) =	vpush v5, $0x6  }
0x8b: {  	s3 =	sadd.s32 s5, s3;
	v8 =	vsel vm0, s17, v8;
	s0 =	smul.u32 $0x66666667, s18;
	s5 =	spop (v2sf)  }
0x8c: {  	s6 =	sshrl.u32 s3, $0x1F;
	s18 =	sshra.s32 s3, $0x6;
	s21 =	smulhi.u32 $0x66666667, s5  }
0x8d: {  	s2 =	sshrl.u32 s2, $0x1F;
	s17 =	sshra.s32 s3, $0x1F;
	s30 =	smul.u32 $0x66666667, s30  }
0x8e: {  	v7 =	vsel vm0, s2, v7;
	s2 =	smul.u32 $0x66666667, s22;
	s3 =	sshra.s32 s5, $0x1F;
	s5 =	sadd.s32 s31, s20  }
0x8f: {  	s1 =	sadd.s32 s19, s1;
	s20 =	smul.u32 $0x66666667, s25;
	s22 =	sadd.s32 s30, s29  }
0x90: {  	s4 =	smul.u32 $0x66666667, s4;
	s0 =	sadd.s32 s0, s26;
	s2 =	sadd.s32 s2, s28  }
0x91: {  	s25 =	sshrl.u32 s0, $0x1F;
	s19 =	sshrl.u32 s5, $0x1F;
	s26 =	sshra.s32 s5, $0x6  }
0x92: {  	s4 =	sadd.s32 s4, s23;
	s23 =	smulhi.u32 $0x66666667, s24;
	s24 =	sshra.s32 s1, $0x6;
	v9 =	vmov s19;
	v6 =	vsel vm3, s26, v6  }
0x93: {  	s26 =	sshra.s32 s4, $0x6;
	s19 =	sshra.s32 s1, $0x1F;
	v9 =	vnsel vm3, $0x0, v9;
	s28 =	spop (v2sf)  }
0x94: {  	s29 =	sshrl.u32 s2, $0x1F;
	s0 =	sshra.s32 s0, $0x6;
	s5 =	sshra.s32 s5, $0x1F;
	v8 =	vsel vm1, s26, v8;
	v9 =	vsel vm0, s16, v9  }
0x95: {  	s4 =	sshrl.u32 s4, $0x1F;
	v6 =	vsel vm11, s5, v6;
	s16 =	sadd.s32 s20, s23;
	v9 =	vsel vm1, s15, v9;
	s15 =	sshra.s32 s22, $0x6  }
0x96: {  	s2 =	sshra.s32 s2, $0x6;
	s3 =	smul.u32 $0x66666667, s3;
	v7 =	vsel vm1, s4, v7;
	v10 =	vsel vm0, s12, v6;
	s4 =	sshra.s32 s16, $0x6;
	v9 =	vsel vm2, s6, v9  }
0x97: {  	v6 =	vsel vm2, s2, v8;
	s5 =	sshrl.u32 s16, $0x1F;
	v10 =	vsel vm12, s11, v10;
	v8 =	vmov s4;
	s6 =	smulhi.u32 $0x66666667, s28;
	s12 =	sshra.s32 s28, $0x1F  }
0x98: {  	s1 =	sshrl.u32 s1, $0x1F;
	s3 =	sadd.s32 s3, s21;
	s2 =	sshrl.u32 s22, $0x1F;
	v11 =	vmov s5;
	v10 =	vsel vm1, s14, v10;
	v8 =	vsel vm0, s0, v8  }
0x99: {  	v9 =	vsel vm4, s1, v9;
	s1 =	smul.u32 $0x66666667, s12;
	s4 =	spop (v2sf)  }
0x9a: {  	s0 =	sshrl.u32 s3, $0x1F;
	v12 =	vsel vm1, s15, v8;
	v8 =	vsel vm13, s13, v10;
	s5 =	smulhi.u32 $0x66666667, s4  }
.Ltmp1:
0x9b: {  	v7 =	vsel vm2, s29, v7;
	s11 =	sshrl.u32 s9, $0x1F;
	v10 =	vsel vm0, s25, v11;
	v8 =	vsel vm2, s18, v8;
	s4 =	sshra.s32 s4, $0x1F;
	(pc) =	sbr.rel @p0 .LBB2_4-.Ltmp1, $4  }
0x9c: {  	v10 =	vsel vm1, s2, v10;
	v8 =	vsel vm14, s17, v8;
	s1 =	sadd.s32 s1, s6;
	s2 =	smul.u32 $0x66666667, s4  }
0x9d: {  	v10 =	vsel vm2, s0, v10;
	v11 =	vsel vm4, s24, v8;
	s0 =	sshrl.u32 s1, $0x1F;
	s4 =	sshra.s32 s1, $0x6  }
0x9e: {  	v7 =	vcombine.low v10, v7;
	v10 =	vsel vm15, s19, v11;
	s13 =	sshra.s32 s1, $0x1F;
	v8 =	vsel vm5, s0, v9;
	s0 =	sshra.s32 s3, $0x6;
	s12 =	sadd.s32 s2, s5  }
0x9f: {  	v9 =	vsel vm2, s0, v12;
	v10 =	vsel vm5, s4, v10;
	s14 =	sshrl.u32 s12, $0x1F  }
0xa0: {  	v10 =	vsel vm9, s13, v10;
	s0 =	sshra.s32 s12, $0x6  }
0xa1: {  	v8 =	vsel vm6, s14, v8;
	s29 =	sshra.s32 s12, $0x1F;
	v10 =	vsel vm6, s0, v10  }
0xa2: {  	v6 =	vcombine.low v9, v6;
	s30 =	sshra.s32 s9, $0x6;
	v8 =	vsel vm7, s11, v8;
	v62 =	vsel vm10, s29, v10  }
0xa3: {  	v7 =	vperm.xlane v7, v1;
	v8 =	vperm.xlane v8, v2;
	v9 =	vsel vm7, s30, v62  }
0xa4: {  	v6 =	vperm.xlane v6, v1;
	v9 =	vperm.xlane v9, v2;
	_ =	sdelay $0x1  }
0xa5: {  	v7 =	vsel vm8, v8, v7;
	v6 =	vsel vm8, v9, v6  }
0xa6: {  	v6 =	vadd.s32 v7, v6  }
0xa7: {  	v7 =	vmul.u32 $0xFFFFFF60, v6;
	_ =	sdelay $0x1  }
0xa8: {  	v7 =	vadd.s32 v5, v7  }
0xa9: {  	vm9 =	vlt.s32 v5, $0x1;
	vm10 =	vne.s32 v7, $0x0  }
0xaa: {  	vm9 =	vmand vm9, vm10  }
0xab: {  	v5 =	vsel vm9, $0xFFFFFFFF, v3  }
0xac: {  	v63 =	vadd.s32 $0xA0, v7;
	vm9 =	vlt.s32 v7, $0x0;
	v5 =	vadd.s32 v5, v6  }
0xad: {  	v6 =	vsel vm9, v63, v7;
	v5 =	vmul.u32 $0xA0, v5  }
0xae: {  	v7 =	vand.u32 $0xFFFFFFF8, v6  }
0xaf: {  	v6 =	vand.u32 $0x7, v6;
	v5 =	vadd.s32 v7, v5  }
0xb0: {  	v5 =	vor.u32 v6, v5;
	_ =	sdelay $0x4  }
0xb1: {  	s1 =	rddreg [dreg:$0x4];
	s2 =	simm.s32 $0x1;
	s0 =	simm.s32 $0x0;
	[tilespmem:v5+s7+$0x0] =	vst.idx.add.f32.msk $0xffff, v4  }
0xb2: {  	[hbm4b:s1+s0] =	stream.linear.scatter [tilespmem:s7], [sflag:$0x1], $0x2800, $0x38;
	[tilespmem:$0x4F10] =	vst v63  }
0xb3: {  	_ =	swait.ge [sflag:s2], $0x2800  }
0xb4: {  	s8 =	sadd.s32 $0x1, s8;
	s31 =	rddreg [dreg:$0x5]  }
0xb5: {  	p0 =	sne.s32 s8, s31  }
.Ltmp2:
0xb6: {  	_ = 	snop;
	(pc) =	sbr.rel @p0 .LBB2_1-.Ltmp2, $3  }
0xb7: {  	_ =	sdelay $0x1  }
0xb8: {  	[sflag:s2] =	ssyncset.done $0x0  }
0xb9: {  	[sflag:s2] =	ssyncadd.s32 $0xFFFFD800  }
0xba: {  	_ =	sfence.sel $0x180000  }
0xbb: {  	[bflag:$0x0] =	sbarrier.arrive $0xFFFF  }
0xbc: {  	_ =	strace $0x90000047  }
0xbd: {  	s0 =	stileid.u32;
	[bflag:$0x2] =	sbarrier.arrive $0xFFFF  }
0xbe: {  	p0 =	sne.s32 s0, $0x0;
	s0 =	rddreg [dreg:$0x2]  }
0xbf: {  	s0 =	sadd.s32 @!p0 $0x100000, s0  }
0xc0: {  	[sflag:s0] =	ssyncadd.tile.s32 @!p0 $0x1;
	_ =	shalt  }
.Lfunc_end2:
_tile_overlayer_lowered:
.L_overlay_start_2:
0xc1: {  	(tag) =	ssettag $0x2  }
0xc2: {  	s0 =	rddreg [dreg:$0x0];
	s2 =	stileid.u32  }
0xc3: {  	s1 =	rddreg [dreg:$0x1];
	p0 =	sne.s32 s2, $0x0  }
0xc4: {  	s3 =	rddreg [dreg:$0x2];
	[bflag:$0x3] =	sbarrier.arrive $0xFFFF;
	s2 =	simm.s32 @!p0 $0x1C01  }
0xc5: {  	[timem:s3], [sflag:s2] =	dma.local @!p0 [hbm:s0], s1  }
0xc6: {  	s0 =	simm.s32 @!p0 $0x1  }
0xc7: {  	_ =	swait.ge @!p0 [sflag:s0], s1  }
0xc8: {  	s1 =	ssub.s32 @!p0 $0x0, s1;
	[sflag:s0] =	ssyncset.done @!p0 $0x0  }
0xc9: {  	[sflag:s0] =	ssyncadd.s32 @!p0 s1  }
0xca: {  	[bflag:$0x3] =	sbarrier.arrive $0xFFFF  }
0xcb: {  	_ =	shalt  }

</sc_bundles>
